<compile_context>
chip_gen: v7x
topology: tpu7x:2x2x1
jax: 0.10.2.dev20260603
libtpu: 0.0.44.dev20260713+nightly
codegen_flags: <defaults>
</compile_context>

<pallas_src>
import jax
import jax.numpy as jnp
from jax.experimental import pallas as pl
from jax.experimental.pallas import tpu as pltpu

E = 384
H = 6
D = 64
SH = 2
WIN = 0.4
QUANT = 0.01
L = 40
L2 = 2 * L - 1
LD = L2 * 3
NB = 256
CW = 41
CZ = 101
CSUM = CW + CW + CZ
WA = D + CSUM + CSUM
WV = D + CSUM


def _qkv_tables_kernel(feats_ref, w_ref, b_ref, qt_ref, kt_ref,
                       qkv_ref, tq_ref, tk_ref):
    x = feats_ref[...]
    w = w_ref[...]
    qkv = jax.lax.dot_general(x, w, (((1,), (1,)), ((), ())),
                              preferred_element_type=jnp.float32)
    qkv = qkv + b_ref[...]
    qkv_ref[...] = qkv
    scale = D ** -0.5
    for h in range(H):
        qh = qkv[:, h * D:(h + 1) * D] * scale
        kh = qkv[:, E + h * D:E + (h + 1) * D]
        qt = qt_ref[h % SH]
        kt = kt_ref[h % SH]
        tq_ref[:, h, :] = jax.lax.dot_general(
            qh, qt, (((1,), (1,)), ((), ())), preferred_element_type=jnp.float32)
        tk_ref[:, h, :] = jax.lax.dot_general(
            kh, kt, (((1,), (1,)), ((), ())), preferred_element_type=jnp.float32)


def _attn_kernel(widc_ref, widr_ref, qa_ref, ka_ref, va_ref, o_ref):
    qa = qa_ref[0]
    ka = ka_ref[0]
    att = jax.lax.dot_general(qa, ka, (((1,), (1,)), ((), ())),
                              preferred_element_type=jnp.float32)
    widq = widc_ref[0, 0]
    widr = widr_ref[0]
    mask = widq == widr
    att = jnp.where(mask, att, -1e30)
    m = jnp.max(att, axis=1, keepdims=True)
    p = jnp.exp(att - m)
    s = jnp.sum(p, axis=1, keepdims=True)
    p = p / s
    va = va_ref[0]
    o_ref[0] = jnp.dot(p, va, preferred_element_type=jnp.float32)


def _combine_proj_kernel(out1_ref, w6_ref, vt_ref, pw_ref, pb_ref, o_ref):
    x = out1_ref[...]
    parts = []
    for h in range(H):
        wb = w6_ref[:, h, :]
        vt = vt_ref[h]
        parts.append(jnp.dot(wb, vt, preferred_element_type=jnp.float32))
    y = x + jnp.concatenate(parts, axis=1)
    pw = pw_ref[...]
    out = jax.lax.dot_general(y, pw, (((1,), (1,)), ((), ())),
                              preferred_element_type=jnp.float32)
    o_ref[...] = out + pb_ref[...]


def kernel(feats, xyz, batch, qkv_w, qkv_b, proj_w, proj_b,
           q_table, k_table, v_table):
    N = feats.shape[0]
    nblk = N // NB
    f32 = jnp.float32

    qt2 = q_table.reshape(LD, SH, D).transpose(1, 0, 2)
    kt2 = k_table.reshape(LD, SH, D).transpose(1, 0, 2)
    qkv, tq, tk = pl.pallas_call(
        _qkv_tables_kernel,
        grid=(nblk,),
        in_specs=[
            pl.BlockSpec((NB, E), lambda i: (i, 0)),
            pl.BlockSpec((3 * E, E), lambda i: (0, 0)),
            pl.BlockSpec((1, 3 * E), lambda i: (0, 0)),
            pl.BlockSpec((SH, LD, D), lambda i: (0, 0, 0)),
            pl.BlockSpec((SH, LD, D), lambda i: (0, 0, 0)),
        ],
        out_specs=[
            pl.BlockSpec((NB, 3 * E), lambda i: (i, 0)),
            pl.BlockSpec((NB, H, LD), lambda i: (i, 0, 0)),
            pl.BlockSpec((NB, H, LD), lambda i: (i, 0, 0)),
        ],
        out_shape=[
            jax.ShapeDtypeStruct((N, 3 * E), f32),
            jax.ShapeDtypeStruct((N, H, LD), f32),
            jax.ShapeDtypeStruct((N, H, LD), f32),
        ],
    )(feats, qkv_w, qkv_b[None], qt2, kt2)

    scale = D ** -0.5
    q_all = qkv[:, :E].reshape(N, H, D) * scale
    k_all = qkv[:, E:2 * E].reshape(N, H, D)
    v_all = qkv[:, 2 * E:].reshape(N, H, D)

    mn = xyz.min(axis=0)
    rel_xyz = xyz - mn
    batch_i = batch.astype(jnp.int32)
    quant = jnp.array([QUANT, QUANT, QUANT], dtype=f32)
    strip_ws = [
        jnp.array([WIN, WIN, 1.0], dtype=f32),
        jnp.array([WIN, 1.0, WIN], dtype=f32),
        jnp.array([1.0, WIN, WIN], dtype=f32),
    ]
    strip_C = [(CW, CW, CZ), (CW, CZ, CW), (CZ, CW, CW)]

    qaug_l, kaug_l, vaug_l, widc_l, widr_l = [], [], [], [], []
    qd_strips = []
    for s in range(3):
        ws = strip_ws[s]
        Cs = strip_C[s]
        w_idx = jnp.floor(rel_xyz / ws).astype(jnp.int32)
        wid = ((batch_i * 1024 + w_idx[:, 0]) * 1024 + w_idx[:, 1]) * 1024 \
            + w_idx[:, 2]
        qd = jnp.floor((rel_xyz % ws) / quant).astype(jnp.int32)
        qd_strips.append(qd)
        widc_l.append(wid.reshape(nblk, NB, 1))
        widr_l.append(wid.reshape(1, N))

        tq_s = tq[:, 2 * s:2 * s + 2, :]
        tk_s = tk[:, 2 * s:2 * s + 2, :]
        oh_l, gq_l, gk_l = [], [], []
        for d in range(3):
            C = Cs[d]
            c = jnp.arange(C, dtype=jnp.int32)
            oh_l.append((qd[:, d:d + 1] == c[None]).astype(f32))
            gq = jnp.clip(qd[:, d:d + 1] - c[None] + (L - 1), 0, L2 - 1)
            gk = jnp.clip(c[None] - qd[:, d:d + 1] + (L - 1), 0, L2 - 1)
            gq_l.append(gq * 3 + d)
            gk_l.append(gk * 3 + d)
        gq_all = jnp.broadcast_to(
            jnp.concatenate(gq_l, axis=1)[:, None, :], (N, 2, CSUM))
        gk_all = jnp.broadcast_to(
            jnp.concatenate(gk_l, axis=1)[:, None, :], (N, 2, CSUM))
        S = jnp.take_along_axis(tq_s, gq_all, axis=2)
        T = jnp.take_along_axis(tk_s, gk_all, axis=2)
        oh = jnp.concatenate(oh_l, axis=1)
        oh2 = jnp.broadcast_to(oh[:, None, :], (N, 2, CSUM))
        q_s = q_all[:, 2 * s:2 * s + 2, :]
        k_s = k_all[:, 2 * s:2 * s + 2, :]
        v_s = v_all[:, 2 * s:2 * s + 2, :]
        qaug_l.append(jnp.concatenate([q_s, S, oh2], axis=2).transpose(1, 0, 2))
        kaug_l.append(jnp.concatenate([k_s, oh2, T], axis=2).transpose(1, 0, 2))
        vaug_l.append(jnp.concatenate([v_s, oh2], axis=2).transpose(1, 0, 2))

    qaug = jnp.concatenate(qaug_l, axis=0)
    kaug = jnp.concatenate(kaug_l, axis=0)
    vaug = jnp.concatenate(vaug_l, axis=0)
    widc = jnp.stack(widc_l, axis=0)
    widr = jnp.stack(widr_l, axis=0)

    O = pl.pallas_call(
        _attn_kernel,
        grid=(H, nblk),
        in_specs=[
            pl.BlockSpec((1, 1, NB, 1), lambda h, i: (h // 2, i, 0, 0)),
            pl.BlockSpec((1, 1, N), lambda h, i: (h // 2, 0, 0)),
            pl.BlockSpec((1, NB, WA), lambda h, i: (h, i, 0)),
            pl.BlockSpec((1, N, WA), lambda h, i: (h, 0, 0)),
            pl.BlockSpec((1, N, WV), lambda h, i: (h, 0, 0)),
        ],
        out_specs=pl.BlockSpec((1, NB, WV), lambda h, i: (h, i, 0)),
        out_shape=jax.ShapeDtypeStruct((H, N, WV), f32),
    )(widc, widr, qaug, kaug, vaug)

    out1 = O[:, :, :D].transpose(1, 0, 2).reshape(N, E)

    w6_l = []
    lidx = jnp.arange(L2, dtype=jnp.int32)
    for s in range(3):
        qd = qd_strips[s]
        Cs = strip_C[s]
        offs = [D, D + Cs[0], D + Cs[0] + Cs[1]]
        Aall = O[2 * s:2 * s + 2, :, :]
        cs = jnp.cumsum(Aall[:, :, D:], axis=2)
        int_idx_l, int_inb_l, bnd_idx_l = [], [], []
        for d in range(3):
            C = Cs[d]
            off = offs[d]
            idx = qd[:, d][:, None] + (L - 1) - lidx[None, :]
            int_inb_l.append((idx >= 0) & (idx <= C - 1))
            int_idx_l.append(off + jnp.clip(idx, 0, C - 1))
            j0 = qd[:, d][:, None] + (L - 1)
            j1 = qd[:, d][:, None] - (L - 1)
            bnd_idx_l.append(off - D + jnp.clip(j0 - 1, 0, C - 1))
            bnd_idx_l.append(off - D + jnp.clip(j1, 0, C - 1))
        int_idx = jnp.concatenate(int_idx_l, axis=1)
        gat = jnp.take_along_axis(
            Aall, jnp.broadcast_to(int_idx[None], (2, N, LD)), axis=2)
        bnd_idx = jnp.concatenate(bnd_idx_l, axis=1)
        bnd = jnp.take_along_axis(
            cs, jnp.broadcast_to(bnd_idx[None], (2, N, 6)), axis=2)
        Wd_l = []
        for d in range(3):
            C = Cs[d]
            off = offs[d] - D
            Wd = jnp.where(int_inb_l[d][None],
                           gat[:, :, d * L2:(d + 1) * L2], 0.0)
            j0 = qd[:, d][None, :, None] + (L - 1)
            j1 = qd[:, d][None, :, None] - (L - 1)
            cs_end = cs[:, :, off + C - 1][..., None]
            base = cs[:, :, off - 1][..., None] if off > 0 else 0.0
            sfx = jnp.where(j0 <= C - 1, cs_end - bnd[:, :, 2 * d][..., None],
                            0.0)
            pfx = jnp.where(j1 >= 0, bnd[:, :, 2 * d + 1][..., None] - base,
                            0.0)
            Wd_l.append(jnp.concatenate([sfx, Wd[:, :, 1:L2 - 1], pfx],
                                        axis=2))
        Ws = jnp.stack(Wd_l, axis=3)
        w6_l.append(Ws.reshape(2, N, LD))
    w6 = jnp.concatenate(w6_l, axis=0).transpose(1, 0, 2)

    vt6 = jnp.stack([v_table.reshape(LD, SH, D)[:, h % SH, :]
                     for h in range(H)], axis=0)
    out = pl.pallas_call(
        _combine_proj_kernel,
        grid=(nblk,),
        in_specs=[
            pl.BlockSpec((NB, E), lambda i: (i, 0)),
            pl.BlockSpec((NB, H, LD), lambda i: (i, 0, 0)),
            pl.BlockSpec((H, LD, D), lambda i: (0, 0, 0)),
            pl.BlockSpec((E, E), lambda i: (0, 0)),
            pl.BlockSpec((1, E), lambda i: (0, 0)),
        ],
        out_specs=pl.BlockSpec((NB, E), lambda i: (i, 0)),
        out_shape=jax.ShapeDtypeStruct((N, E), f32),
    )(out1, w6, vt6, proj_w, proj_b[None])
    return out

# --- scband reference (transcript-rebuilt; emitter-appended) ---
"""Pipeline reference for scband-window-attention-35442070126954 (READ-ONLY COPY).

The authoritative reference and input builder live on the scoring server;
editing this copy changes nothing except your own understanding.
"""

import jax, jax.numpy as jnp
import numpy as np

EMBED_DIM = 384
NUM_HEADS = 6
HEAD_DIM = EMBED_DIM // NUM_HEADS
SH = NUM_HEADS // 3
WIN = 0.4
QUANT = 0.01
L = 40  # quant_grid_length
L2 = 2 * L - 1
N = 2048


def setup_inputs(seed: int = 0) -> dict:
    key = jax.random.key(seed)
    ks = jax.random.split(key, 12)
    feats = jax.random.normal(ks[0], (N, EMBED_DIM), dtype=jnp.float32)
    xyz = jax.random.uniform(ks[1], (N, 3), dtype=jnp.float32)
    batch = jnp.sort(jax.random.randint(ks[2], (N,), 0, 2)).astype(jnp.int32)
    qkv_w = jax.random.normal(ks[3], (3 * EMBED_DIM, EMBED_DIM), dtype=jnp.float32) * (EMBED_DIM ** -0.5)
    qkv_b = jnp.zeros((3 * EMBED_DIM,), dtype=jnp.float32)
    proj_w = jax.random.normal(ks[4], (EMBED_DIM, EMBED_DIM), dtype=jnp.float32) * (EMBED_DIM ** -0.5)
    proj_b = jnp.zeros((EMBED_DIM,), dtype=jnp.float32)
    q_table = jax.random.normal(ks[5], (L2, 3, SH, HEAD_DIM), dtype=jnp.float32) * 0.02
    k_table = jax.random.normal(ks[6], (L2, 3, SH, HEAD_DIM), dtype=jnp.float32) * 0.02
    v_table = jax.random.normal(ks[7], (L2, 3, SH, HEAD_DIM), dtype=jnp.float32) * 0.02
    return {"feats": feats, "xyz": xyz, "batch": batch, "qkv_w": qkv_w, "qkv_b": qkv_b,
            "proj_w": proj_w, "proj_b": proj_b, "q_table": q_table, "k_table": k_table, "v_table": v_table}


def _strip_attention(q, k, v, xyz, batch, win_size, quant_size, q_table, k_table, v_table):
    n = q.shape[0]
    sh = q.shape[1]
    scale = HEAD_DIM ** -0.5
    mn = xyz.min(axis=0)
    rel_xyz = xyz - mn
    w_idx = jnp.floor(rel_xyz / win_size).astype(jnp.int32)  # [N,3]
    wid = ((batch.astype(jnp.int32) * 1024 + w_idx[:, 0]) * 1024 + w_idx[:, 1]) * 1024 + w_idx[:, 2]
    mask = wid[:, None] == wid[None, :]
    xyz_quant = jnp.floor((rel_xyz % win_size) / quant_size).astype(jnp.int32)
    rel = xyz_quant[:, None, :] - xyz_quant[None, :, :] + (L - 1)
    rel = jnp.clip(rel, 0, L2 - 1)  # [N,N,3]
    qs = q * scale
    attn = jnp.einsum('nhc,mhc->nmh', qs, k)
    tq = jnp.einsum('nhc,ldhc->nldh', qs, q_table)  # [N,L2,3,h]
    tk = jnp.einsum('nhc,ldhc->nldh', k, k_table)
    relT = jnp.swapaxes(rel, 0, 1)
    for d in range(3):
        attn = attn + jnp.take_along_axis(tq[:, :, d, :], rel[:, :, d][..., None], axis=1)
        bk = jnp.take_along_axis(tk[:, :, d, :], relT[:, :, d][..., None], axis=1)  # [j,i,h]
        attn = attn + jnp.swapaxes(bk, 0, 1)
    attn = jnp.where(mask[..., None], attn, -1e30)
    attn = jax.nn.softmax(attn, axis=1)
    out = jnp.einsum('nmh,mhc->nhc', attn, v)
    row = jnp.arange(n)[:, None]
    for d in range(3):
        w = jnp.zeros((n, L2, sh), dtype=attn.dtype).at[row, rel[:, :, d]].add(attn)
        out = out + jnp.einsum('nlh,lhc->nhc', w, v_table[:, d])
    return out


def reference(feats, xyz, batch, qkv_w, qkv_b, proj_w, proj_b, q_table, k_table, v_table):
    n = feats.shape[0]
    qkv = feats @ qkv_w.T + qkv_b
    qkv = qkv.reshape(n, 3, NUM_HEADS, HEAD_DIM)
    q, k, v = qkv[:, 0], qkv[:, 1], qkv[:, 2]
    quant = jnp.array([QUANT, QUANT, QUANT], dtype=jnp.float32)
    ws_xy = jnp.array([WIN, WIN, 1.0], dtype=jnp.float32)
    ws_xz = jnp.array([WIN, 1.0, WIN], dtype=jnp.float32)
    ws_yz = jnp.array([1.0, WIN, WIN], dtype=jnp.float32)
    out_xy = _strip_attention(q[:, :SH], k[:, :SH], v[:, :SH], xyz, batch, ws_xy, quant, q_table, k_table, v_table)
    out_xz = _strip_attention(q[:, SH:2 * SH], k[:, SH:2 * SH], v[:, SH:2 * SH], xyz, batch, ws_xz, quant, q_table, k_table, v_table)
    out_yz = _strip_attention(q[:, 2 * SH:], k[:, 2 * SH:], v[:, 2 * SH:], xyz, batch, ws_yz, quant, q_table, k_table, v_table)
    out = jnp.concatenate([out_xy, out_xz, out_yz], axis=1).reshape(n, EMBED_DIM)
    out = out @ proj_w.T + proj_b
    return out

if __name__ == "__main__":
    import jax
    _d = setup_inputs()
    print(jax.jit(kernel)(*tuple(_d.values())))

</pallas_src>

<mosaic_0001>
module attributes {stable_mosaic.version = 14 : i64} {
  func.func @_qkv_tables_kernel(%arg0: i32, %arg1: memref<256x384xf32, #tpu.memory_space<vmem>>, %arg2: memref<1152x384xf32, #tpu.memory_space<vmem>>, %arg3: memref<1x1152xf32, #tpu.memory_space<vmem>>, %arg4: memref<2x237x64xf32, #tpu.memory_space<vmem>>, %arg5: memref<2x237x64xf32, #tpu.memory_space<vmem>>, %arg6: memref<256x1152xf32, #tpu.memory_space<vmem>>, %arg7: memref<256x6x237xf32, #tpu.memory_space<vmem>>, %arg8: memref<256x6x237xf32, #tpu.memory_space<vmem>>) attributes {dimension_semantics = [#tpu.dimension_semantics<arbitrary>], iteration_bounds = array<i64: 8>, scalar_prefetch = 0 : i64, scratch_operands = 0 : i64, tpu.core_type = #tpu.core_type<tc>, window_params = [{transform_indices = @transform_0, window_bounds = array<i64: 256, 384>}, {pipeline_mode = #tpu.pipeline_mode<synchronous>, transform_indices = @transform_1, window_bounds = array<i64: 1152, 384>}, {pipeline_mode = #tpu.pipeline_mode<synchronous>, transform_indices = @transform_2, window_bounds = array<i64: 1, 1152>}, {pipeline_mode = #tpu.pipeline_mode<synchronous>, transform_indices = @transform_3, window_bounds = array<i64: 2, 237, 64>}, {pipeline_mode = #tpu.pipeline_mode<synchronous>, transform_indices = @transform_4, window_bounds = array<i64: 2, 237, 64>}, {transform_indices = @transform_5, window_bounds = array<i64: 256, 1152>}, {transform_indices = @transform_6, window_bounds = array<i64: 256, 6, 237>}, {transform_indices = @transform_7, window_bounds = array<i64: 256, 6, 237>}]} {
    %get3A = arith.constant 0 : index
    %get3A_0 = arith.constant 0 : index
    %get3A_1 = vector.load %arg1[%get3A, %get3A_0] : memref<256x384xf32, #tpu.memory_space<vmem>>, vector<256x384xf32>
    %get3A_2 = arith.constant 0 : index
    %get3A_3 = arith.constant 0 : index
    %get3A_4 = vector.load %arg2[%get3A_2, %get3A_3] : memref<1152x384xf32, #tpu.memory_space<vmem>>, vector<1152x384xf32>
    %dot_general3A = arith.constant dense<0.000000e+00> : vector<256x1152xf32>
    %dot_general3A_5 = tpu.matmul %get3A_1, %get3A_4, %dot_general3A {dimension_numbers = #tpu.dot_dimension_numbers<[1], [1], [0], [0], [0, 0, 1, 0], [], []>, transpose_lhs_hint = false} : vector<256x384xf32>, vector<1152x384xf32>, vector<256x1152xf32> -> vector<256x1152xf32>
    %get3A_6 = arith.constant 0 : index
    %get3A_7 = arith.constant 0 : index
    %get3A_8 = vector.load %arg3[%get3A_6, %get3A_7] : memref<1x1152xf32, #tpu.memory_space<vmem>>, vector<1x1152xf32>
    %add3A = vector.broadcast %get3A_8 : vector<1x1152xf32> to vector<256x1152xf32>
    %add3A_9 = arith.addf %dot_general3A_5, %add3A : vector<256x1152xf32>
    %swap3A = arith.constant 0 : index
    %swap3A_10 = arith.constant 0 : index
    %swap3A_11 = vector.load %arg6[%swap3A, %swap3A_10] : memref<256x1152xf32, #tpu.memory_space<vmem>>, vector<256x1152xf32>
    tpu.vector_store %arg6[%swap3A, %swap3A_10], %add3A_9 {strides = array<i32>} : memref<256x1152xf32, #tpu.memory_space<vmem>>, vector<256x1152xf32>,
    %slice3A = vector.extract_strided_slice %add3A_9 {offsets = [0, 0], sizes = [256, 64], strides = [1, 1]} : vector<256x1152xf32> to vector<256x64xf32>
    %mul3A = arith.constant 1.250000e-01 : f32
    %mul3A_12 = vector.broadcast %mul3A : f32 to vector<256x64xf32>
    %mul3A_13 = arith.mulf %slice3A, %mul3A_12 : vector<256x64xf32>
    %slice3A_14 = vector.extract_strided_slice %add3A_9 {offsets = [0, 384], sizes = [256, 64], strides = [1, 1]} : vector<256x1152xf32> to vector<256x64xf32>
    %get3A_15 = arith.constant 0 : index
    %get3A_16 = arith.constant 0 : index
    %get3A_17 = arith.constant 0 : index
    %get3A_18 = vector.load %arg4[%get3A_15, %get3A_16, %get3A_17] : memref<2x237x64xf32, #tpu.memory_space<vmem>>, vector<1x237x64xf32>
    %get3A_19 = vector.shape_cast %get3A_18 : vector<1x237x64xf32> to vector<237x64xf32>
    %get3A_20 = arith.constant 0 : index
    %get3A_21 = arith.constant 0 : index
    %get3A_22 = arith.constant 0 : index
    %get3A_23 = vector.load %arg5[%get3A_20, %get3A_21, %get3A_22] : memref<2x237x64xf32, #tpu.memory_space<vmem>>, vector<1x237x64xf32>
    %get3A_24 = vector.shape_cast %get3A_23 : vector<1x237x64xf32> to vector<237x64xf32>
    %dot_general3A_25 = arith.constant dense<0.000000e+00> : vector<256x237xf32>
    %dot_general3A_26 = tpu.matmul %mul3A_13, %get3A_19, %dot_general3A_25 {dimension_numbers = #tpu.dot_dimension_numbers<[1], [1], [0], [0], [0, 0, 1, 0], [], []>, transpose_lhs_hint = false} : vector<256x64xf32>, vector<237x64xf32>, vector<256x237xf32> -> vector<256x237xf32>
    %swap3A_27 = arith.constant 0 : index
    %swap3A_28 = arith.constant 0 : index
    %swap3A_29 = arith.constant 0 : index
    %swap3A_30 = vector.load %arg7[%swap3A_27, %swap3A_28, %swap3A_29] : memref<256x6x237xf32, #tpu.memory_space<vmem>>, vector<256x1x237xf32>
    %swap3A_31 = vector.shape_cast %swap3A_30 : vector<256x1x237xf32> to vector<256x237xf32>
    %swap3A_32 = vector.shape_cast %dot_general3A_26 : vector<256x237xf32> to vector<256x1x237xf32>
    tpu.vector_store %arg7[%swap3A_27, %swap3A_28, %swap3A_29], %swap3A_32 {strides = array<i32>} : memref<256x6x237xf32, #tpu.memory_space<vmem>>, vector<256x1x237xf32>,
    %dot_general3A_33 = arith.constant dense<0.000000e+00> : vector<256x237xf32>
    %dot_general3A_34 = tpu.matmul %slice3A_14, %get3A_24, %dot_general3A_33 {dimension_numbers = #tpu.dot_dimension_numbers<[1], [1], [0], [0], [0, 0, 1, 0], [], []>, transpose_lhs_hint = false} : vector<256x64xf32>, vector<237x64xf32>, vector<256x237xf32> -> vector<256x237xf32>
    %swap3A_35 = arith.constant 0 : index
    %swap3A_36 = arith.constant 0 : index
    %swap3A_37 = arith.constant 0 : index
    %swap3A_38 = vector.load %arg8[%swap3A_35, %swap3A_36, %swap3A_37] : memref<256x6x237xf32, #tpu.memory_space<vmem>>, vector<256x1x237xf32>
    %swap3A_39 = vector.shape_cast %swap3A_38 : vector<256x1x237xf32> to vector<256x237xf32>
    %swap3A_40 = vector.shape_cast %dot_general3A_34 : vector<256x237xf32> to vector<256x1x237xf32>
    tpu.vector_store %arg8[%swap3A_35, %swap3A_36, %swap3A_37], %swap3A_40 {strides = array<i32>} : memref<256x6x237xf32, #tpu.memory_space<vmem>>, vector<256x1x237xf32>,
    %slice3A_41 = vector.extract_strided_slice %add3A_9 {offsets = [0, 64], sizes = [256, 64], strides = [1, 1]} : vector<256x1152xf32> to vector<256x64xf32>
    %mul3A_42 = arith.constant 1.250000e-01 : f32
    %mul3A_43 = vector.broadcast %mul3A_42 : f32 to vector<256x64xf32>
    %mul3A_44 = arith.mulf %slice3A_41, %mul3A_43 : vector<256x64xf32>
    %slice3A_45 = vector.extract_strided_slice %add3A_9 {offsets = [0, 448], sizes = [256, 64], strides = [1, 1]} : vector<256x1152xf32> to vector<256x64xf32>
    %get3A_46 = arith.constant 1 : index
    %get3A_47 = arith.constant 0 : index
    %get3A_48 = arith.constant 0 : index
    %get3A_49 = vector.load %arg4[%get3A_46, %get3A_47, %get3A_48] : memref<2x237x64xf32, #tpu.memory_space<vmem>>, vector<1x237x64xf32>
    %get3A_50 = vector.shape_cast %get3A_49 : vector<1x237x64xf32> to vector<237x64xf32>
    %get3A_51 = arith.constant 1 : index
    %get3A_52 = arith.constant 0 : index
    %get3A_53 = arith.constant 0 : index
    %get3A_54 = vector.load %arg5[%get3A_51, %get3A_52, %get3A_53] : memref<2x237x64xf32, #tpu.memory_space<vmem>>, vector<1x237x64xf32>
    %get3A_55 = vector.shape_cast %get3A_54 : vector<1x237x64xf32> to vector<237x64xf32>
    %dot_general3A_56 = arith.constant dense<0.000000e+00> : vector<256x237xf32>
    %dot_general3A_57 = tpu.matmul %mul3A_44, %get3A_50, %dot_general3A_56 {dimension_numbers = #tpu.dot_dimension_numbers<[1], [1], [0], [0], [0, 0, 1, 0], [], []>, transpose_lhs_hint = false} : vector<256x64xf32>, vector<237x64xf32>, vector<256x237xf32> -> vector<256x237xf32>
    %swap3A_58 = arith.constant 0 : index
    %swap3A_59 = arith.constant 1 : index
    %swap3A_60 = arith.constant 0 : index
    %swap3A_61 = vector.load %arg7[%swap3A_58, %swap3A_59, %swap3A_60] : memref<256x6x237xf32, #tpu.memory_space<vmem>>, vector<256x1x237xf32>
    %swap3A_62 = vector.shape_cast %swap3A_61 : vector<256x1x237xf32> to vector<256x237xf32>
    %swap3A_63 = vector.shape_cast %dot_general3A_57 : vector<256x237xf32> to vector<256x1x237xf32>
    tpu.vector_store %arg7[%swap3A_58, %swap3A_59, %swap3A_60], %swap3A_63 {strides = array<i32>} : memref<256x6x237xf32, #tpu.memory_space<vmem>>, vector<256x1x237xf32>,
    %dot_general3A_64 = arith.constant dense<0.000000e+00> : vector<256x237xf32>
    %dot_general3A_65 = tpu.matmul %slice3A_45, %get3A_55, %dot_general3A_64 {dimension_numbers = #tpu.dot_dimension_numbers<[1], [1], [0], [0], [0, 0, 1, 0], [], []>, transpose_lhs_hint = false} : vector<256x64xf32>, vector<237x64xf32>, vector<256x237xf32> -> vector<256x237xf32>
    %swap3A_66 = arith.constant 0 : index
    %swap3A_67 = arith.constant 1 : index
    %swap3A_68 = arith.constant 0 : index
    %swap3A_69 = vector.load %arg8[%swap3A_66, %swap3A_67, %swap3A_68] : memref<256x6x237xf32, #tpu.memory_space<vmem>>, vector<256x1x237xf32>
    %swap3A_70 = vector.shape_cast %swap3A_69 : vector<256x1x237xf32> to vector<256x237xf32>
    %swap3A_71 = vector.shape_cast %dot_general3A_65 : vector<256x237xf32> to vector<256x1x237xf32>
    tpu.vector_store %arg8[%swap3A_66, %swap3A_67, %swap3A_68], %swap3A_71 {strides = array<i32>} : memref<256x6x237xf32, #tpu.memory_space<vmem>>, vector<256x1x237xf32>,
    %slice3A_72 = vector.extract_strided_slice %add3A_9 {offsets = [0, 128], sizes = [256, 64], strides = [1, 1]} : vector<256x1152xf32> to vector<256x64xf32>
    %mul3A_73 = arith.constant 1.250000e-01 : f32
    %mul3A_74 = vector.broadcast %mul3A_73 : f32 to vector<256x64xf32>
    %mul3A_75 = arith.mulf %slice3A_72, %mul3A_74 : vector<256x64xf32>
    %slice3A_76 = vector.extract_strided_slice %add3A_9 {offsets = [0, 512], sizes = [256, 64], strides = [1, 1]} : vector<256x1152xf32> to vector<256x64xf32>
    %get3A_77 = arith.constant 0 : index
    %get3A_78 = arith.constant 0 : index
    %get3A_79 = arith.constant 0 : index
    %get3A_80 = vector.load %arg4[%get3A_77, %get3A_78, %get3A_79] : memref<2x237x64xf32, #tpu.memory_space<vmem>>, vector<1x237x64xf32>
    %get3A_81 = vector.shape_cast %get3A_80 : vector<1x237x64xf32> to vector<237x64xf32>
    %get3A_82 = arith.constant 0 : index
    %get3A_83 = arith.constant 0 : index
    %get3A_84 = arith.constant 0 : index
    %get3A_85 = vector.load %arg5[%get3A_82, %get3A_83, %get3A_84] : memref<2x237x64xf32, #tpu.memory_space<vmem>>, vector<1x237x64xf32>
    %get3A_86 = vector.shape_cast %get3A_85 : vector<1x237x64xf32> to vector<237x64xf32>
    %dot_general3A_87 = arith.constant dense<0.000000e+00> : vector<256x237xf32>
    %dot_general3A_88 = tpu.matmul %mul3A_75, %get3A_81, %dot_general3A_87 {dimension_numbers = #tpu.dot_dimension_numbers<[1], [1], [0], [0], [0, 0, 1, 0], [], []>, transpose_lhs_hint = false} : vector<256x64xf32>, vector<237x64xf32>, vector<256x237xf32> -> vector<256x237xf32>
    %swap3A_89 = arith.constant 0 : index
    %swap3A_90 = arith.constant 2 : index
    %swap3A_91 = arith.constant 0 : index
    %swap3A_92 = vector.load %arg7[%swap3A_89, %swap3A_90, %swap3A_91] : memref<256x6x237xf32, #tpu.memory_space<vmem>>, vector<256x1x237xf32>
    %swap3A_93 = vector.shape_cast %swap3A_92 : vector<256x1x237xf32> to vector<256x237xf32>
    %swap3A_94 = vector.shape_cast %dot_general3A_88 : vector<256x237xf32> to vector<256x1x237xf32>
    tpu.vector_store %arg7[%swap3A_89, %swap3A_90, %swap3A_91], %swap3A_94 {strides = array<i32>} : memref<256x6x237xf32, #tpu.memory_space<vmem>>, vector<256x1x237xf32>,
    %dot_general3A_95 = arith.constant dense<0.000000e+00> : vector<256x237xf32>
    %dot_general3A_96 = tpu.matmul %slice3A_76, %get3A_86, %dot_general3A_95 {dimension_numbers = #tpu.dot_dimension_numbers<[1], [1], [0], [0], [0, 0, 1, 0], [], []>, transpose_lhs_hint = false} : vector<256x64xf32>, vector<237x64xf32>, vector<256x237xf32> -> vector<256x237xf32>
    %swap3A_97 = arith.constant 0 : index
    %swap3A_98 = arith.constant 2 : index
    %swap3A_99 = arith.constant 0 : index
    %swap3A_100 = vector.load %arg8[%swap3A_97, %swap3A_98, %swap3A_99] : memref<256x6x237xf32, #tpu.memory_space<vmem>>, vector<256x1x237xf32>
    %swap3A_101 = vector.shape_cast %swap3A_100 : vector<256x1x237xf32> to vector<256x237xf32>
    %swap3A_102 = vector.shape_cast %dot_general3A_96 : vector<256x237xf32> to vector<256x1x237xf32>
    tpu.vector_store %arg8[%swap3A_97, %swap3A_98, %swap3A_99], %swap3A_102 {strides = array<i32>} : memref<256x6x237xf32, #tpu.memory_space<vmem>>, vector<256x1x237xf32>,
    %slice3A_103 = vector.extract_strided_slice %add3A_9 {offsets = [0, 192], sizes = [256, 64], strides = [1, 1]} : vector<256x1152xf32> to vector<256x64xf32>
    %mul3A_104 = arith.constant 1.250000e-01 : f32
    %mul3A_105 = vector.broadcast %mul3A_104 : f32 to vector<256x64xf32>
    %mul3A_106 = arith.mulf %slice3A_103, %mul3A_105 : vector<256x64xf32>
    %slice3A_107 = vector.extract_strided_slice %add3A_9 {offsets = [0, 576], sizes = [256, 64], strides = [1, 1]} : vector<256x1152xf32> to vector<256x64xf32>
    %get3A_108 = arith.constant 1 : index
    %get3A_109 = arith.constant 0 : index
    %get3A_110 = arith.constant 0 : index
    %get3A_111 = vector.load %arg4[%get3A_108, %get3A_109, %get3A_110] : memref<2x237x64xf32, #tpu.memory_space<vmem>>, vector<1x237x64xf32>
    %get3A_112 = vector.shape_cast %get3A_111 : vector<1x237x64xf32> to vector<237x64xf32>
    %get3A_113 = arith.constant 1 : index
    %get3A_114 = arith.constant 0 : index
    %get3A_115 = arith.constant 0 : index
    %get3A_116 = vector.load %arg5[%get3A_113, %get3A_114, %get3A_115] : memref<2x237x64xf32, #tpu.memory_space<vmem>>, vector<1x237x64xf32>
    %get3A_117 = vector.shape_cast %get3A_116 : vector<1x237x64xf32> to vector<237x64xf32>
    %dot_general3A_118 = arith.constant dense<0.000000e+00> : vector<256x237xf32>
    %dot_general3A_119 = tpu.matmul %mul3A_106, %get3A_112, %dot_general3A_118 {dimension_numbers = #tpu.dot_dimension_numbers<[1], [1], [0], [0], [0, 0, 1, 0], [], []>, transpose_lhs_hint = false} : vector<256x64xf32>, vector<237x64xf32>, vector<256x237xf32> -> vector<256x237xf32>
    %swap3A_120 = arith.constant 0 : index
    %swap3A_121 = arith.constant 3 : index
    %swap3A_122 = arith.constant 0 : index
    %swap3A_123 = vector.load %arg7[%swap3A_120, %swap3A_121, %swap3A_122] : memref<256x6x237xf32, #tpu.memory_space<vmem>>, vector<256x1x237xf32>
    %swap3A_124 = vector.shape_cast %swap3A_123 : vector<256x1x237xf32> to vector<256x237xf32>
    %swap3A_125 = vector.shape_cast %dot_general3A_119 : vector<256x237xf32> to vector<256x1x237xf32>
    tpu.vector_store %arg7[%swap3A_120, %swap3A_121, %swap3A_122], %swap3A_125 {strides = array<i32>} : memref<256x6x237xf32, #tpu.memory_space<vmem>>, vector<256x1x237xf32>,
    %dot_general3A_126 = arith.constant dense<0.000000e+00> : vector<256x237xf32>
    %dot_general3A_127 = tpu.matmul %slice3A_107, %get3A_117, %dot_general3A_126 {dimension_numbers = #tpu.dot_dimension_numbers<[1], [1], [0], [0], [0, 0, 1, 0], [], []>, transpose_lhs_hint = false} : vector<256x64xf32>, vector<237x64xf32>, vector<256x237xf32> -> vector<256x237xf32>
    %swap3A_128 = arith.constant 0 : index
    %swap3A_129 = arith.constant 3 : index
    %swap3A_130 = arith.constant 0 : index
    %swap3A_131 = vector.load %arg8[%swap3A_128, %swap3A_129, %swap3A_130] : memref<256x6x237xf32, #tpu.memory_space<vmem>>, vector<256x1x237xf32>
    %swap3A_132 = vector.shape_cast %swap3A_131 : vector<256x1x237xf32> to vector<256x237xf32>
    %swap3A_133 = vector.shape_cast %dot_general3A_127 : vector<256x237xf32> to vector<256x1x237xf32>
    tpu.vector_store %arg8[%swap3A_128, %swap3A_129, %swap3A_130], %swap3A_133 {strides = array<i32>} : memref<256x6x237xf32, #tpu.memory_space<vmem>>, vector<256x1x237xf32>,
    %slice3A_134 = vector.extract_strided_slice %add3A_9 {offsets = [0, 256], sizes = [256, 64], strides = [1, 1]} : vector<256x1152xf32> to vector<256x64xf32>
    %mul3A_135 = arith.constant 1.250000e-01 : f32
    %mul3A_136 = vector.broadcast %mul3A_135 : f32 to vector<256x64xf32>
    %mul3A_137 = arith.mulf %slice3A_134, %mul3A_136 : vector<256x64xf32>
    %slice3A_138 = vector.extract_strided_slice %add3A_9 {offsets = [0, 640], sizes = [256, 64], strides = [1, 1]} : vector<256x1152xf32> to vector<256x64xf32>
    %get3A_139 = arith.constant 0 : index
    %get3A_140 = arith.constant 0 : index
    %get3A_141 = arith.constant 0 : index
    %get3A_142 = vector.load %arg4[%get3A_139, %get3A_140, %get3A_141] : memref<2x237x64xf32, #tpu.memory_space<vmem>>, vector<1x237x64xf32>
    %get3A_143 = vector.shape_cast %get3A_142 : vector<1x237x64xf32> to vector<237x64xf32>
    %get3A_144 = arith.constant 0 : index
    %get3A_145 = arith.constant 0 : index
    %get3A_146 = arith.constant 0 : index
    %get3A_147 = vector.load %arg5[%get3A_144, %get3A_145, %get3A_146] : memref<2x237x64xf32, #tpu.memory_space<vmem>>, vector<1x237x64xf32>
    %get3A_148 = vector.shape_cast %get3A_147 : vector<1x237x64xf32> to vector<237x64xf32>
    %dot_general3A_149 = arith.constant dense<0.000000e+00> : vector<256x237xf32>
    %dot_general3A_150 = tpu.matmul %mul3A_137, %get3A_143, %dot_general3A_149 {dimension_numbers = #tpu.dot_dimension_numbers<[1], [1], [0], [0], [0, 0, 1, 0], [], []>, transpose_lhs_hint = false} : vector<256x64xf32>, vector<237x64xf32>, vector<256x237xf32> -> vector<256x237xf32>
    %swap3A_151 = arith.constant 0 : index
    %swap3A_152 = arith.constant 4 : index
    %swap3A_153 = arith.constant 0 : index
    %swap3A_154 = vector.load %arg7[%swap3A_151, %swap3A_152, %swap3A_153] : memref<256x6x237xf32, #tpu.memory_space<vmem>>, vector<256x1x237xf32>
    %swap3A_155 = vector.shape_cast %swap3A_154 : vector<256x1x237xf32> to vector<256x237xf32>
    %swap3A_156 = vector.shape_cast %dot_general3A_150 : vector<256x237xf32> to vector<256x1x237xf32>
    tpu.vector_store %arg7[%swap3A_151, %swap3A_152, %swap3A_153], %swap3A_156 {strides = array<i32>} : memref<256x6x237xf32, #tpu.memory_space<vmem>>, vector<256x1x237xf32>,
    %dot_general3A_157 = arith.constant dense<0.000000e+00> : vector<256x237xf32>
    %dot_general3A_158 = tpu.matmul %slice3A_138, %get3A_148, %dot_general3A_157 {dimension_numbers = #tpu.dot_dimension_numbers<[1], [1], [0], [0], [0, 0, 1, 0], [], []>, transpose_lhs_hint = false} : vector<256x64xf32>, vector<237x64xf32>, vector<256x237xf32> -> vector<256x237xf32>
    %swap3A_159 = arith.constant 0 : index
    %swap3A_160 = arith.constant 4 : index
    %swap3A_161 = arith.constant 0 : index
    %swap3A_162 = vector.load %arg8[%swap3A_159, %swap3A_160, %swap3A_161] : memref<256x6x237xf32, #tpu.memory_space<vmem>>, vector<256x1x237xf32>
    %swap3A_163 = vector.shape_cast %swap3A_162 : vector<256x1x237xf32> to vector<256x237xf32>
    %swap3A_164 = vector.shape_cast %dot_general3A_158 : vector<256x237xf32> to vector<256x1x237xf32>
    tpu.vector_store %arg8[%swap3A_159, %swap3A_160, %swap3A_161], %swap3A_164 {strides = array<i32>} : memref<256x6x237xf32, #tpu.memory_space<vmem>>, vector<256x1x237xf32>,
    %slice3A_165 = vector.extract_strided_slice %add3A_9 {offsets = [0, 320], sizes = [256, 64], strides = [1, 1]} : vector<256x1152xf32> to vector<256x64xf32>
    %mul3A_166 = arith.constant 1.250000e-01 : f32
    %mul3A_167 = vector.broadcast %mul3A_166 : f32 to vector<256x64xf32>
    %mul3A_168 = arith.mulf %slice3A_165, %mul3A_167 : vector<256x64xf32>
    %slice3A_169 = vector.extract_strided_slice %add3A_9 {offsets = [0, 704], sizes = [256, 64], strides = [1, 1]} : vector<256x1152xf32> to vector<256x64xf32>
    %get3A_170 = arith.constant 1 : index
    %get3A_171 = arith.constant 0 : index
    %get3A_172 = arith.constant 0 : index
    %get3A_173 = vector.load %arg4[%get3A_170, %get3A_171, %get3A_172] : memref<2x237x64xf32, #tpu.memory_space<vmem>>, vector<1x237x64xf32>
    %get3A_174 = vector.shape_cast %get3A_173 : vector<1x237x64xf32> to vector<237x64xf32>
    %get3A_175 = arith.constant 1 : index
    %get3A_176 = arith.constant 0 : index
    %get3A_177 = arith.constant 0 : index
    %get3A_178 = vector.load %arg5[%get3A_175, %get3A_176, %get3A_177] : memref<2x237x64xf32, #tpu.memory_space<vmem>>, vector<1x237x64xf32>
    %get3A_179 = vector.shape_cast %get3A_178 : vector<1x237x64xf32> to vector<237x64xf32>
    %dot_general3A_180 = arith.constant dense<0.000000e+00> : vector<256x237xf32>
    %dot_general3A_181 = tpu.matmul %mul3A_168, %get3A_174, %dot_general3A_180 {dimension_numbers = #tpu.dot_dimension_numbers<[1], [1], [0], [0], [0, 0, 1, 0], [], []>, transpose_lhs_hint = false} : vector<256x64xf32>, vector<237x64xf32>, vector<256x237xf32> -> vector<256x237xf32>
    %swap3A_182 = arith.constant 0 : index
    %swap3A_183 = arith.constant 5 : index
    %swap3A_184 = arith.constant 0 : index
    %swap3A_185 = vector.load %arg7[%swap3A_182, %swap3A_183, %swap3A_184] : memref<256x6x237xf32, #tpu.memory_space<vmem>>, vector<256x1x237xf32>
    %swap3A_186 = vector.shape_cast %swap3A_185 : vector<256x1x237xf32> to vector<256x237xf32>
    %swap3A_187 = vector.shape_cast %dot_general3A_181 : vector<256x237xf32> to vector<256x1x237xf32>
    tpu.vector_store %arg7[%swap3A_182, %swap3A_183, %swap3A_184], %swap3A_187 {strides = array<i32>} : memref<256x6x237xf32, #tpu.memory_space<vmem>>, vector<256x1x237xf32>,
    %dot_general3A_188 = arith.constant dense<0.000000e+00> : vector<256x237xf32>
    %dot_general3A_189 = tpu.matmul %slice3A_169, %get3A_179, %dot_general3A_188 {dimension_numbers = #tpu.dot_dimension_numbers<[1], [1], [0], [0], [0, 0, 1, 0], [], []>, transpose_lhs_hint = false} : vector<256x64xf32>, vector<237x64xf32>, vector<256x237xf32> -> vector<256x237xf32>
    %swap3A_190 = arith.constant 0 : index
    %swap3A_191 = arith.constant 5 : index
    %swap3A_192 = arith.constant 0 : index
    %swap3A_193 = vector.load %arg8[%swap3A_190, %swap3A_191, %swap3A_192] : memref<256x6x237xf32, #tpu.memory_space<vmem>>, vector<256x1x237xf32>
    %swap3A_194 = vector.shape_cast %swap3A_193 : vector<256x1x237xf32> to vector<256x237xf32>
    %swap3A_195 = vector.shape_cast %dot_general3A_189 : vector<256x237xf32> to vector<256x1x237xf32>
    tpu.vector_store %arg8[%swap3A_190, %swap3A_191, %swap3A_192], %swap3A_195 {strides = array<i32>} : memref<256x6x237xf32, #tpu.memory_space<vmem>>, vector<256x1x237xf32>,
    return
  }
  func.func @transform_0(%arg0: i32) -> (i32, i32) {
    %c0_i32 = arith.constant 0 : i32
    %c0_i32_0 = arith.constant 0 : i32
    return %arg0, %c0_i32 : i32, i32
  }
  func.func @transform_1(%arg0: i32) -> (i32, i32) {
    %c0_i32 = arith.constant 0 : i32
    %c0_i32_0 = arith.constant 0 : i32
    %c0_i32_1 = arith.constant 0 : i32
    return %c0_i32, %c0_i32_0 : i32, i32
  }
  func.func @transform_2(%arg0: i32) -> (i32, i32) {
    %c0_i32 = arith.constant 0 : i32
    %c0_i32_0 = arith.constant 0 : i32
    %c0_i32_1 = arith.constant 0 : i32
    return %c0_i32, %c0_i32_0 : i32, i32
  }
  func.func @transform_3(%arg0: i32) -> (i32, i32, i32) {
    %c0_i32 = arith.constant 0 : i32
    %c0_i32_0 = arith.constant 0 : i32
    %c0_i32_1 = arith.constant 0 : i32
    %c0_i32_2 = arith.constant 0 : i32
    return %c0_i32, %c0_i32_0, %c0_i32_1 : i32, i32, i32
  }
  func.func @transform_4(%arg0: i32) -> (i32, i32, i32) {
    %c0_i32 = arith.constant 0 : i32
    %c0_i32_0 = arith.constant 0 : i32
    %c0_i32_1 = arith.constant 0 : i32
    %c0_i32_2 = arith.constant 0 : i32
    return %c0_i32, %c0_i32_0, %c0_i32_1 : i32, i32, i32
  }
  func.func @transform_5(%arg0: i32) -> (i32, i32) {
    %c0_i32 = arith.constant 0 : i32
    %c0_i32_0 = arith.constant 0 : i32
    return %arg0, %c0_i32 : i32, i32
  }
  func.func @transform_6(%arg0: i32) -> (i32, i32, i32) {
    %c0_i32 = arith.constant 0 : i32
    %c0_i32_0 = arith.constant 0 : i32
    %c0_i32_1 = arith.constant 0 : i32
    return %arg0, %c0_i32, %c0_i32_0 : i32, i32, i32
  }
  func.func @transform_7(%arg0: i32) -> (i32, i32, i32) {
    %c0_i32 = arith.constant 0 : i32
    %c0_i32_0 = arith.constant 0 : i32
    %c0_i32_1 = arith.constant 0 : i32
    return %arg0, %c0_i32, %c0_i32_0 : i32, i32, i32
  }
}

module attributes {stable_mosaic.version = 14 : i64} {
  func.func @_attn_kernel(%arg0: i32, %arg1: i32, %arg2: memref<1x1x256x1xi32, #tpu.memory_space<vmem>>, %arg3: memref<1x1x2048xi32, #tpu.memory_space<vmem>>, %arg4: memref<1x256x430xf32, #tpu.memory_space<vmem>>, %arg5: memref<1x2048x430xf32, #tpu.memory_space<vmem>>, %arg6: memref<1x2048x247xf32, #tpu.memory_space<vmem>>, %arg7: memref<1x256x247xf32, #tpu.memory_space<vmem>>) attributes {dimension_semantics = [#tpu.dimension_semantics<arbitrary>, #tpu.dimension_semantics<arbitrary>], iteration_bounds = array<i64: 6, 8>, scalar_prefetch = 0 : i64, scratch_operands = 0 : i64, tpu.core_type = #tpu.core_type<tc>, window_params = [{transform_indices = @transform_0, window_bounds = array<i64: 1, 1, 256, 1>}, {transform_indices = @transform_1, window_bounds = array<i64: 1, 1, 2048>}, {transform_indices = @transform_2, window_bounds = array<i64: 1, 256, 430>}, {transform_indices = @transform_3, window_bounds = array<i64: 1, 2048, 430>}, {transform_indices = @transform_4, window_bounds = array<i64: 1, 2048, 247>}, {transform_indices = @transform_5, window_bounds = array<i64: 1, 256, 247>}]} {
    %get3A = arith.constant 0 : index
    %get3A_0 = arith.constant 0 : index
    %get3A_1 = arith.constant 0 : index
    %get3A_2 = vector.load %arg4[%get3A, %get3A_0, %get3A_1] : memref<1x256x430xf32, #tpu.memory_space<vmem>>, vector<1x256x430xf32>
    %get3A_3 = vector.shape_cast %get3A_2 : vector<1x256x430xf32> to vector<256x430xf32>
    %get3A_4 = arith.constant 0 : index
    %get3A_5 = arith.constant 0 : index
    %get3A_6 = arith.constant 0 : index
    %get3A_7 = vector.load %arg5[%get3A_4, %get3A_5, %get3A_6] : memref<1x2048x430xf32, #tpu.memory_space<vmem>>, vector<1x2048x430xf32>
    %get3A_8 = vector.shape_cast %get3A_7 : vector<1x2048x430xf32> to vector<2048x430xf32>
    %dot_general3A = arith.constant dense<0.000000e+00> : vector<256x2048xf32>
    %dot_general3A_9 = tpu.matmul %get3A_3, %get3A_8, %dot_general3A {dimension_numbers = #tpu.dot_dimension_numbers<[1], [1], [0], [0], [0, 0, 1, 0], [], []>, transpose_lhs_hint = false} : vector<256x430xf32>, vector<2048x430xf32>, vector<256x2048xf32> -> vector<256x2048xf32>
    %get3A_10 = arith.constant 0 : index
    %get3A_11 = arith.constant 0 : index
    %get3A_12 = arith.constant 0 : index
    %get3A_13 = arith.constant 0 : index
    %get3A_14 = vector.load %arg2[%get3A_10, %get3A_11, %get3A_12, %get3A_13] : memref<1x1x256x1xi32, #tpu.memory_space<vmem>>, vector<1x1x256x1xi32>
    %get3A_15 = vector.shape_cast %get3A_14 : vector<1x1x256x1xi32> to vector<256x1xi32>
    %get3A_16 = arith.constant 0 : index
    %get3A_17 = arith.constant 0 : index
    %get3A_18 = arith.constant 0 : index
    %get3A_19 = vector.load %arg3[%get3A_16, %get3A_17, %get3A_18] : memref<1x1x2048xi32, #tpu.memory_space<vmem>>, vector<1x1x2048xi32>
    %get3A_20 = vector.shape_cast %get3A_19 : vector<1x1x2048xi32> to vector<1x2048xi32>
    %eq3A = vector.broadcast %get3A_15 : vector<256x1xi32> to vector<256x2048xi32>
    %eq3A_21 = vector.broadcast %get3A_20 : vector<1x2048xi32> to vector<256x2048xi32>
    %eq3A_22 = arith.cmpi eq, %eq3A, %eq3A_21 : vector<256x2048xi32>
    %jit3A = arith.constant -1.000000e+30 : f32
    %broadcast_in_dim3A = vector.broadcast %jit3A : f32 to vector<256x2048xf32>
    %select_n3A = arith.select %eq3A_22, %dot_general3A_9, %broadcast_in_dim3A : vector<256x2048xi1>, vector<256x2048xf32>
    %reduce_max3A = arith.constant dense<0xFF800000> : vector<256xf32>
    %reduce_max3A_23 = vector.multi_reduction <maximumf>, %select_n3A, %reduce_max3A [1] : vector<256x2048xf32> to vector<256xf32>
    %broadcast_in_dim3A_24 = vector.shape_cast %reduce_max3A_23 : vector<256xf32> to vector<256x1xf32>
    %sub3A = vector.broadcast %broadcast_in_dim3A_24 : vector<256x1xf32> to vector<256x2048xf32>
    %sub3A_25 = arith.subf %select_n3A, %sub3A : vector<256x2048xf32>
    %exp3A = math.exp %sub3A_25 : vector<256x2048xf32>
    %reduce_sum3A = arith.constant dense<0.000000e+00> : vector<256xf32>
    %reduce_sum3A_26 = vector.multi_reduction <add>, %exp3A, %reduce_sum3A [1] : vector<256x2048xf32> to vector<256xf32>
    %broadcast_in_dim3A_27 = vector.shape_cast %reduce_sum3A_26 : vector<256xf32> to vector<256x1xf32>
    %div3A = vector.broadcast %broadcast_in_dim3A_27 : vector<256x1xf32> to vector<256x2048xf32>
    %div3A_28 = arith.divf %exp3A, %div3A : vector<256x2048xf32>
    %get3A_29 = arith.constant 0 : index
    %get3A_30 = arith.constant 0 : index
    %get3A_31 = arith.constant 0 : index
    %get3A_32 = vector.load %arg6[%get3A_29, %get3A_30, %get3A_31] : memref<1x2048x247xf32, #tpu.memory_space<vmem>>, vector<1x2048x247xf32>
    %get3A_33 = vector.shape_cast %get3A_32 : vector<1x2048x247xf32> to vector<2048x247xf32>
    %dot_general3A_34 = arith.constant dense<0.000000e+00> : vector<256x247xf32>
    %dot_general3A_35 = tpu.matmul %div3A_28, %get3A_33, %dot_general3A_34 {dimension_numbers = #tpu.dot_dimension_numbers<[1], [0], [0], [1], [0, 0, 1, 1], [], []>, transpose_lhs_hint = false} : vector<256x2048xf32>, vector<2048x247xf32>, vector<256x247xf32> -> vector<256x247xf32>
    %swap3A = arith.constant 0 : index
    %swap3A_36 = arith.constant 0 : index
    %swap3A_37 = arith.constant 0 : index
    %swap3A_38 = vector.load %arg7[%swap3A, %swap3A_36, %swap3A_37] : memref<1x256x247xf32, #tpu.memory_space<vmem>>, vector<1x256x247xf32>
    %swap3A_39 = vector.shape_cast %swap3A_38 : vector<1x256x247xf32> to vector<256x247xf32>
    %swap3A_40 = vector.shape_cast %dot_general3A_35 : vector<256x247xf32> to vector<1x256x247xf32>
    tpu.vector_store %arg7[%swap3A, %swap3A_36, %swap3A_37], %swap3A_40 {strides = array<i32>} : memref<1x256x247xf32, #tpu.memory_space<vmem>>, vector<1x256x247xf32>,
    return
  }
  func.func @transform_0(%arg0: i32, %arg1: i32) -> (i32, i32, i32, i32) {
    %jit3A = arith.constant 2 : i32
    %div3A = arith.divsi %arg0, %jit3A : i32
    %sign3A = arith.constant 0 : i32
    %sign3A_0 = arith.cmpi sgt, %arg0, %sign3A : i32
    %sign3A_1 = arith.extui %sign3A_0 : i1 to i32
    %sign3A_2 = arith.constant 0 : i32
    %sign3A_3 = arith.cmpi slt, %arg0, %sign3A_2 : i32
    %sign3A_4 = arith.extui %sign3A_3 : i1 to i32
    %sign3A_5 = arith.subi %sign3A_1, %sign3A_4 : i32
    %sign3A_6 = arith.constant 0 : i32
    %sign3A_7 = arith.cmpi sgt, %jit3A, %sign3A_6 : i32
    %sign3A_8 = arith.extui %sign3A_7 : i1 to i32
    %sign3A_9 = arith.constant 0 : i32
    %sign3A_10 = arith.cmpi slt, %jit3A, %sign3A_9 : i32
    %sign3A_11 = arith.extui %sign3A_10 : i1 to i32
    %sign3A_12 = arith.subi %sign3A_8, %sign3A_11 : i32
    %ne3A = arith.cmpi ne, %sign3A_5, %sign3A_12 : i32
    %rem3A = arith.remsi %arg0, %jit3A : i32
    %ne3A_13 = arith.constant 0 : i32
    %ne3A_14 = arith.cmpi ne, %rem3A, %ne3A_13 : i32
    %and3A = arith.andi %ne3A, %ne3A_14 : i1
    %sub3A = arith.constant 1 : i32
    %sub3A_15 = arith.subi %div3A, %sub3A : i32
    %select_n3A = arith.select %and3A, %sub3A_15, %div3A : i32
    %c0_i32 = arith.constant 0 : i32
    %c0_i32_16 = arith.constant 0 : i32
    %c0_i32_17 = arith.constant 0 : i32
    return %select_n3A, %arg1, %c0_i32, %c0_i32_16 : i32, i32, i32, i32
  }
  func.func @transform_1(%arg0: i32, %arg1: i32) -> (i32, i32, i32) {
    %jit3A = arith.constant 2 : i32
    %div3A = arith.divsi %arg0, %jit3A : i32
    %sign3A = arith.constant 0 : i32
    %sign3A_0 = arith.cmpi sgt, %arg0, %sign3A : i32
    %sign3A_1 = arith.extui %sign3A_0 : i1 to i32
    %sign3A_2 = arith.constant 0 : i32
    %sign3A_3 = arith.cmpi slt, %arg0, %sign3A_2 : i32
    %sign3A_4 = arith.extui %sign3A_3 : i1 to i32
    %sign3A_5 = arith.subi %sign3A_1, %sign3A_4 : i32
    %sign3A_6 = arith.constant 0 : i32
    %sign3A_7 = arith.cmpi sgt, %jit3A, %sign3A_6 : i32
    %sign3A_8 = arith.extui %sign3A_7 : i1 to i32
    %sign3A_9 = arith.constant 0 : i32
    %sign3A_10 = arith.cmpi slt, %jit3A, %sign3A_9 : i32
    %sign3A_11 = arith.extui %sign3A_10 : i1 to i32
    %sign3A_12 = arith.subi %sign3A_8, %sign3A_11 : i32
    %ne3A = arith.cmpi ne, %sign3A_5, %sign3A_12 : i32
    %rem3A = arith.remsi %arg0, %jit3A : i32
    %ne3A_13 = arith.constant 0 : i32
    %ne3A_14 = arith.cmpi ne, %rem3A, %ne3A_13 : i32
    %and3A = arith.andi %ne3A, %ne3A_14 : i1
    %sub3A = arith.constant 1 : i32
    %sub3A_15 = arith.subi %div3A, %sub3A : i32
    %select_n3A = arith.select %and3A, %sub3A_15, %div3A : i32
    %c0_i32 = arith.constant 0 : i32
    %c0_i32_16 = arith.constant 0 : i32
    %c0_i32_17 = arith.constant 0 : i32
    return %select_n3A, %c0_i32, %c0_i32_16 : i32, i32, i32
  }
  func.func @transform_2(%arg0: i32, %arg1: i32) -> (i32, i32, i32) {
    %c0_i32 = arith.constant 0 : i32
    %c0_i32_0 = arith.constant 0 : i32
    return %arg0, %arg1, %c0_i32 : i32, i32, i32
  }
  func.func @transform_3(%arg0: i32, %arg1: i32) -> (i32, i32, i32) {
    %c0_i32 = arith.constant 0 : i32
    %c0_i32_0 = arith.constant 0 : i32
    %c0_i32_1 = arith.constant 0 : i32
    return %arg0, %c0_i32, %c0_i32_0 : i32, i32, i32
  }
  func.func @transform_4(%arg0: i32, %arg1: i32) -> (i32, i32, i32) {
    %c0_i32 = arith.constant 0 : i32
    %c0_i32_0 = arith.constant 0 : i32
    %c0_i32_1 = arith.constant 0 : i32
    return %arg0, %c0_i32, %c0_i32_0 : i32, i32, i32
  }
  func.func @transform_5(%arg0: i32, %arg1: i32) -> (i32, i32, i32) {
    %c0_i32 = arith.constant 0 : i32
    %c0_i32_0 = arith.constant 0 : i32
    return %arg0, %arg1, %c0_i32 : i32, i32, i32
  }
}

module attributes {stable_mosaic.version = 14 : i64} {
  func.func @_combine_proj_kernel(%arg0: i32, %arg1: memref<256x384xf32, #tpu.memory_space<vmem>>, %arg2: memref<256x6x237xf32, #tpu.memory_space<vmem>>, %arg3: memref<6x237x64xf32, #tpu.memory_space<vmem>>, %arg4: memref<384x384xf32, #tpu.memory_space<vmem>>, %arg5: memref<1x384xf32, #tpu.memory_space<vmem>>, %arg6: memref<256x384xf32, #tpu.memory_space<vmem>>) attributes {dimension_semantics = [#tpu.dimension_semantics<arbitrary>], iteration_bounds = array<i64: 8>, scalar_prefetch = 0 : i64, scratch_operands = 0 : i64, tpu.core_type = #tpu.core_type<tc>, window_params = [{transform_indices = @transform_0, window_bounds = array<i64: 256, 384>}, {transform_indices = @transform_1, window_bounds = array<i64: 256, 6, 237>}, {pipeline_mode = #tpu.pipeline_mode<synchronous>, transform_indices = @transform_2, window_bounds = array<i64: 6, 237, 64>}, {pipeline_mode = #tpu.pipeline_mode<synchronous>, transform_indices = @transform_3, window_bounds = array<i64: 384, 384>}, {pipeline_mode = #tpu.pipeline_mode<synchronous>, transform_indices = @transform_4, window_bounds = array<i64: 1, 384>}, {transform_indices = @transform_5, window_bounds = array<i64: 256, 384>}]} {
    %get3A = arith.constant 0 : index
    %get3A_0 = arith.constant 0 : index
    %get3A_1 = vector.load %arg1[%get3A, %get3A_0] : memref<256x384xf32, #tpu.memory_space<vmem>>, vector<256x384xf32>
    %get3A_2 = arith.constant 0 : index
    %get3A_3 = arith.constant 0 : index
    %get3A_4 = arith.constant 0 : index
    %get3A_5 = vector.load %arg2[%get3A_2, %get3A_3, %get3A_4] : memref<256x6x237xf32, #tpu.memory_space<vmem>>, vector<256x1x237xf32>
    %get3A_6 = vector.shape_cast %get3A_5 : vector<256x1x237xf32> to vector<256x237xf32>
    %get3A_7 = arith.constant 0 : index
    %get3A_8 = arith.constant 0 : index
    %get3A_9 = arith.constant 0 : index
    %get3A_10 = vector.load %arg3[%get3A_7, %get3A_8, %get3A_9] : memref<6x237x64xf32, #tpu.memory_space<vmem>>, vector<1x237x64xf32>
    %get3A_11 = vector.shape_cast %get3A_10 : vector<1x237x64xf32> to vector<237x64xf32>
    %dot_general3A = arith.constant dense<0.000000e+00> : vector<256x64xf32>
    %dot_general3A_12 = tpu.matmul %get3A_6, %get3A_11, %dot_general3A {dimension_numbers = #tpu.dot_dimension_numbers<[1], [0], [0], [1], [0, 0, 1, 1], [], []>, transpose_lhs_hint = false} : vector<256x237xf32>, vector<237x64xf32>, vector<256x64xf32> -> vector<256x64xf32>
    %get3A_13 = arith.constant 0 : index
    %get3A_14 = arith.constant 1 : index
    %get3A_15 = arith.constant 0 : index
    %get3A_16 = vector.load %arg2[%get3A_13, %get3A_14, %get3A_15] : memref<256x6x237xf32, #tpu.memory_space<vmem>>, vector<256x1x237xf32>
    %get3A_17 = vector.shape_cast %get3A_16 : vector<256x1x237xf32> to vector<256x237xf32>
    %get3A_18 = arith.constant 1 : index
    %get3A_19 = arith.constant 0 : index
    %get3A_20 = arith.constant 0 : index
    %get3A_21 = vector.load %arg3[%get3A_18, %get3A_19, %get3A_20] : memref<6x237x64xf32, #tpu.memory_space<vmem>>, vector<1x237x64xf32>
    %get3A_22 = vector.shape_cast %get3A_21 : vector<1x237x64xf32> to vector<237x64xf32>
    %dot_general3A_23 = arith.constant dense<0.000000e+00> : vector<256x64xf32>
    %dot_general3A_24 = tpu.matmul %get3A_17, %get3A_22, %dot_general3A_23 {dimension_numbers = #tpu.dot_dimension_numbers<[1], [0], [0], [1], [0, 0, 1, 1], [], []>, transpose_lhs_hint = false} : vector<256x237xf32>, vector<237x64xf32>, vector<256x64xf32> -> vector<256x64xf32>
    %get3A_25 = arith.constant 0 : index
    %get3A_26 = arith.constant 2 : index
    %get3A_27 = arith.constant 0 : index
    %get3A_28 = vector.load %arg2[%get3A_25, %get3A_26, %get3A_27] : memref<256x6x237xf32, #tpu.memory_space<vmem>>, vector<256x1x237xf32>
    %get3A_29 = vector.shape_cast %get3A_28 : vector<256x1x237xf32> to vector<256x237xf32>
    %get3A_30 = arith.constant 2 : index
    %get3A_31 = arith.constant 0 : index
    %get3A_32 = arith.constant 0 : index
    %get3A_33 = vector.load %arg3[%get3A_30, %get3A_31, %get3A_32] : memref<6x237x64xf32, #tpu.memory_space<vmem>>, vector<1x237x64xf32>
    %get3A_34 = vector.shape_cast %get3A_33 : vector<1x237x64xf32> to vector<237x64xf32>
    %dot_general3A_35 = arith.constant dense<0.000000e+00> : vector<256x64xf32>
    %dot_general3A_36 = tpu.matmul %get3A_29, %get3A_34, %dot_general3A_35 {dimension_numbers = #tpu.dot_dimension_numbers<[1], [0], [0], [1], [0, 0, 1, 1], [], []>, transpose_lhs_hint = false} : vector<256x237xf32>, vector<237x64xf32>, vector<256x64xf32> -> vector<256x64xf32>
    %get3A_37 = arith.constant 0 : index
    %get3A_38 = arith.constant 3 : index
    %get3A_39 = arith.constant 0 : index
    %get3A_40 = vector.load %arg2[%get3A_37, %get3A_38, %get3A_39] : memref<256x6x237xf32, #tpu.memory_space<vmem>>, vector<256x1x237xf32>
    %get3A_41 = vector.shape_cast %get3A_40 : vector<256x1x237xf32> to vector<256x237xf32>
    %get3A_42 = arith.constant 3 : index
    %get3A_43 = arith.constant 0 : index
    %get3A_44 = arith.constant 0 : index
    %get3A_45 = vector.load %arg3[%get3A_42, %get3A_43, %get3A_44] : memref<6x237x64xf32, #tpu.memory_space<vmem>>, vector<1x237x64xf32>
    %get3A_46 = vector.shape_cast %get3A_45 : vector<1x237x64xf32> to vector<237x64xf32>
    %dot_general3A_47 = arith.constant dense<0.000000e+00> : vector<256x64xf32>
    %dot_general3A_48 = tpu.matmul %get3A_41, %get3A_46, %dot_general3A_47 {dimension_numbers = #tpu.dot_dimension_numbers<[1], [0], [0], [1], [0, 0, 1, 1], [], []>, transpose_lhs_hint = false} : vector<256x237xf32>, vector<237x64xf32>, vector<256x64xf32> -> vector<256x64xf32>
    %get3A_49 = arith.constant 0 : index
    %get3A_50 = arith.constant 4 : index
    %get3A_51 = arith.constant 0 : index
    %get3A_52 = vector.load %arg2[%get3A_49, %get3A_50, %get3A_51] : memref<256x6x237xf32, #tpu.memory_space<vmem>>, vector<256x1x237xf32>
    %get3A_53 = vector.shape_cast %get3A_52 : vector<256x1x237xf32> to vector<256x237xf32>
    %get3A_54 = arith.constant 4 : index
    %get3A_55 = arith.constant 0 : index
    %get3A_56 = arith.constant 0 : index
    %get3A_57 = vector.load %arg3[%get3A_54, %get3A_55, %get3A_56] : memref<6x237x64xf32, #tpu.memory_space<vmem>>, vector<1x237x64xf32>
    %get3A_58 = vector.shape_cast %get3A_57 : vector<1x237x64xf32> to vector<237x64xf32>
    %dot_general3A_59 = arith.constant dense<0.000000e+00> : vector<256x64xf32>
    %dot_general3A_60 = tpu.matmul %get3A_53, %get3A_58, %dot_general3A_59 {dimension_numbers = #tpu.dot_dimension_numbers<[1], [0], [0], [1], [0, 0, 1, 1], [], []>, transpose_lhs_hint = false} : vector<256x237xf32>, vector<237x64xf32>, vector<256x64xf32> -> vector<256x64xf32>
    %get3A_61 = arith.constant 0 : index
    %get3A_62 = arith.constant 5 : index
    %get3A_63 = arith.constant 0 : index
    %get3A_64 = vector.load %arg2[%get3A_61, %get3A_62, %get3A_63] : memref<256x6x237xf32, #tpu.memory_space<vmem>>, vector<256x1x237xf32>
    %get3A_65 = vector.shape_cast %get3A_64 : vector<256x1x237xf32> to vector<256x237xf32>
    %get3A_66 = arith.constant 5 : index
    %get3A_67 = arith.constant 0 : index
    %get3A_68 = arith.constant 0 : index
    %get3A_69 = vector.load %arg3[%get3A_66, %get3A_67, %get3A_68] : memref<6x237x64xf32, #tpu.memory_space<vmem>>, vector<1x237x64xf32>
    %get3A_70 = vector.shape_cast %get3A_69 : vector<1x237x64xf32> to vector<237x64xf32>
    %dot_general3A_71 = arith.constant dense<0.000000e+00> : vector<256x64xf32>
    %dot_general3A_72 = tpu.matmul %get3A_65, %get3A_70, %dot_general3A_71 {dimension_numbers = #tpu.dot_dimension_numbers<[1], [0], [0], [1], [0, 0, 1, 1], [], []>, transpose_lhs_hint = false} : vector<256x237xf32>, vector<237x64xf32>, vector<256x64xf32> -> vector<256x64xf32>
    %concatenate3A = tpu.concatenate %dot_general3A_12, %dot_general3A_24, %dot_general3A_36, %dot_general3A_48, %dot_general3A_60, %dot_general3A_72 in 1 : vector<256x64xf32>, vector<256x64xf32>, vector<256x64xf32>, vector<256x64xf32>, vector<256x64xf32>, vector<256x64xf32> -> vector<256x384xf32>
    %add3A = arith.addf %get3A_1, %concatenate3A : vector<256x384xf32>
    %get3A_73 = arith.constant 0 : index
    %get3A_74 = arith.constant 0 : index
    %get3A_75 = vector.load %arg4[%get3A_73, %get3A_74] : memref<384x384xf32, #tpu.memory_space<vmem>>, vector<384x384xf32>
    %dot_general3A_76 = arith.constant dense<0.000000e+00> : vector<256x384xf32>
    %dot_general3A_77 = tpu.matmul %add3A, %get3A_75, %dot_general3A_76 {dimension_numbers = #tpu.dot_dimension_numbers<[1], [1], [0], [0], [0, 0, 1, 0], [], []>, transpose_lhs_hint = false} : vector<256x384xf32>, vector<384x384xf32>, vector<256x384xf32> -> vector<256x384xf32>
    %get3A_78 = arith.constant 0 : index
    %get3A_79 = arith.constant 0 : index
    %get3A_80 = vector.load %arg5[%get3A_78, %get3A_79] : memref<1x384xf32, #tpu.memory_space<vmem>>, vector<1x384xf32>
    %add3A_81 = vector.broadcast %get3A_80 : vector<1x384xf32> to vector<256x384xf32>
    %add3A_82 = arith.addf %dot_general3A_77, %add3A_81 : vector<256x384xf32>
    %swap3A = arith.constant 0 : index
    %swap3A_83 = arith.constant 0 : index
    %swap3A_84 = vector.load %arg6[%swap3A, %swap3A_83] : memref<256x384xf32, #tpu.memory_space<vmem>>, vector<256x384xf32>
    tpu.vector_store %arg6[%swap3A, %swap3A_83], %add3A_82 {strides = array<i32>} : memref<256x384xf32, #tpu.memory_space<vmem>>, vector<256x384xf32>,
    return
  }
  func.func @transform_0(%arg0: i32) -> (i32, i32) {
    %c0_i32 = arith.constant 0 : i32
    %c0_i32_0 = arith.constant 0 : i32
    return %arg0, %c0_i32 : i32, i32
  }
  func.func @transform_1(%arg0: i32) -> (i32, i32, i32) {
    %c0_i32 = arith.constant 0 : i32
    %c0_i32_0 = arith.constant 0 : i32
    %c0_i32_1 = arith.constant 0 : i32
    return %arg0, %c0_i32, %c0_i32_0 : i32, i32, i32
  }
  func.func @transform_2(%arg0: i32) -> (i32, i32, i32) {
    %c0_i32 = arith.constant 0 : i32
    %c0_i32_0 = arith.constant 0 : i32
    %c0_i32_1 = arith.constant 0 : i32
    %c0_i32_2 = arith.constant 0 : i32
    return %c0_i32, %c0_i32_0, %c0_i32_1 : i32, i32, i32
  }
  func.func @transform_3(%arg0: i32) -> (i32, i32) {
    %c0_i32 = arith.constant 0 : i32
    %c0_i32_0 = arith.constant 0 : i32
    %c0_i32_1 = arith.constant 0 : i32
    return %c0_i32, %c0_i32_0 : i32, i32
  }
  func.func @transform_4(%arg0: i32) -> (i32, i32) {
    %c0_i32 = arith.constant 0 : i32
    %c0_i32_0 = arith.constant 0 : i32
    %c0_i32_1 = arith.constant 0 : i32
    return %c0_i32, %c0_i32_0 : i32, i32
  }
  func.func @transform_5(%arg0: i32) -> (i32, i32) {
    %c0_i32 = arith.constant 0 : i32
    %c0_i32_0 = arith.constant 0 : i32
    return %arg0, %c0_i32 : i32, i32
  }
}

</mosaic_0001>

<sc_bundles>
// kernel: gather_offload_async_start.10
scs
__scs_entry_jumppad:
0x0: {  	(pc) =	sbr.rel $0x88, $3  }
0x1: {  	(tag) =	ssettag $0x0;
	lr =	simm.s32 $0x1  }
0x2: {  	[smem:$0x3F97] =	sst lr;
	_ =	strace $0xD0000000  }
0x3: {  	_ = 	snop  }
0x4: {  	_ = 	snop  }
0x5: {  	_ = 	snop  }
0x6: {  	_ = 	snop  }
0x7: {  	_ = 	snop  }
__scs_overlays_trampoline_lowered:
0x8: {  	[smem:$0x3FA6] =	sst s0  }
0x9: {  	[smem:$0x3FA7] =	sst s1  }
0xa: {  	[smem:$0x3FA8] =	sst s2  }
0xb: {  	[smem:$0x3FA9] =	sst s3  }
0xc: {  	[smem:$0x3FAA] =	sst s4  }
0xd: {  	[smem:$0x3FAB] =	sst s5  }
0xe: {  	[smem:$0x3FAC] =	sst s6  }
0xf: {  	[smem:$0x3FAD] =	sst s7  }
0x10: {  	[smem:$0x3FAE] =	sst s8  }
0x11: {  	[smem:$0x3FAF] =	sst s9;
	s0 =	simm.s32 @!p0 $0x0  }
0x12: {  	s1 =	sld [smem:$0x3F95];
	s0 =	simm.s32 @p0 $0x1  }
0x13: {  	[smem:$0x3FB0] =	sst s0;
	s0 =	simm.s32 @!p1 $0x0  }
0x14: {  	s2 =	sld [smem:$0x3F94];
	s0 =	simm.s32 @p1 $0x1  }
0x15: {  	[smem:$0x3FB1] =	sst s0;
	s0 =	simm.s32 @!p2 $0x0  }
0x16: {  	s3 =	sld [smem:$0x3FDB];
	s0 =	simm.s32 @p2 $0x1  }
0x17: {  	s4 =	simm.s32 $0x1BF5;
	[smem:$0x3FB3] =	sst s0  }
0x18: {  	s0 =	sld [smem:$0x3F96];
	_ =	swait.ge [sflag:s4], $0x0  }
0x19: {  	s7 =	sld [smem:$0x3F97]  }
0x1a: {  	s8 =	sadd.s32 $0xFFFFE003, lr  }
0x1b: {  	s9 =	sadd.s32 $0xFFFFFEF7, lr;
	s5 =	simm.s32 $0xFFFFFFFF;
	p2 =	slt.u32 s8, $0xFFFFF086  }
0x1c: {  	p1 =	slt.u32 s9, $0xF7A;
	s5 =	simm.s32 @!p2 $0x0  }
0x1d: {  	s5 =	simm.s32 @p1 $0x1;
	p0 =	seq.s32 s7, s2  }
0x1e: {  	s7 =	smul.u32 @!p0 $0xF7A, s2;
	p2 =	seq.s32 @!p0 s5, $0x0  }
0x1f: {  	s9 =	smul.u32 $0xF7A, s1;
	s8 =	simm.s32 @!p0 $0x1BF5;
	p2 =	por !p2, p0  }
0x20: {  	[sflag:s8] =	ssyncset.s32 @!p0 $0xFFFFF086;
	s6 =	sadd.s32 @!p0 s3, s7;
	s7 =	simm.s32 @!p0 $0x108  }
0x21: {  	s3 =	sadd.s32 s3, s9;
	s6 =	sadd.s32 @!p0 $0x88, s6;
	s7 =	simm.s32 @p2 $0x1082  }
0x22: {  	[simem:s7], [sflag:s8] =	dma.local @!p0 [hbm:s6], $0xF7A  }
0x23: {  	s9 =	sor.u32 $0xD0000000, s2;
	s6 =	simm.s32 $0x108;
	_ =	swait.ge @!p0 [sflag:s8], $0x0  }
0x24: {  	s3 =	sadd.s32 $0x88, s3;
	s6 =	simm.s32 @!p1 $0x1082;
	[sflag:s4] =	ssyncset.s32 $0xFFFFF086  }
0x25: {  	[simem:s6], [sflag:s4] =	dma.local [hbm:s3], $0xF7A  }
0x26: {  	[smem:$0x3F97] =	sst s1;
	(tag) =	ssettag s2;
	_ =	strace s9  }
0x27: {  	s1 =	sld [smem:$0x3FA7]  }
0x28: {  	s2 =	sld [smem:$0x3FA8]  }
0x29: {  	s4 =	sld [smem:$0x3FAA]  }
0x2a: {  	p0 =	seq.s32 s5, $0x0;
	s5 =	sld [smem:$0x3FAB]  }
0x2b: {  	s6 =	sld [smem:$0x3FAC]  }
0x2c: {  	s7 =	sld [smem:$0x3FAD]  }
0x2d: {  	s3 =	simm.s32 $0x108;
	s8 =	sld [smem:$0x3FAE]  }
0x2e: {  	s3 =	simm.s32 @!p0 $0x1082;
	s9 =	sld [smem:$0x3FAF]  }
0x2f: {  	lr =	sadd.s32 s0, s3;
	s0 =	sld [smem:$0x3FA6]  }
0x30: {  	s3 =	sld [smem:$0x3FA9]  }
0x31: {  	[smem:$0x3FB2] =	sst s10  }
0x32: {  	s10 =	sld [smem:$0x3FB0];
	_ =	sdelay $0x3  }
0x33: {  	p0 =	seq.s32 s10, $0x1;
	s10 =	sld [smem:$0x3FB2];
	_ =	sdelay $0x3  }
0x34: {  	[smem:$0x3FB2] =	sst s10  }
0x35: {  	s10 =	sld [smem:$0x3FB1];
	_ =	sdelay $0x3  }
0x36: {  	p1 =	seq.s32 s10, $0x1;
	s10 =	sld [smem:$0x3FB2];
	_ =	sdelay $0x3  }
0x37: {  	[smem:$0x3FB2] =	sst s10  }
0x38: {  	s10 =	sld [smem:$0x3FB3]  }
0x39: {  	_ = 	snop;
	(pc) =	sbr.ind lr, $3  }
0x3a: {  	_ = 	snop  }
0x3b: {  	_ = 	snop  }
0x3c: {  	p2 =	seq.s32 s10, $0x1;
	s10 =	sld [smem:$0x3FB2]  }
0x3d: {  	_ =	shalt  }
0x3e: {  	_ =	shalt  }
0x3f: {  	_ =	shalt  }
0x40: {  	_ =	shalt  }
0x41: {  	_ =	shalt  }
0x42: {  	_ =	shalt  }
0x43: {  	_ =	shalt  }
0x44: {  	_ =	shalt  }
0x45: {  	_ =	shalt  }
0x46: {  	_ =	shalt  }
0x47: {  	_ =	shalt  }
0x48: {  	_ =	shalt  }
0x49: {  	_ =	shalt  }
0x4a: {  	_ =	shalt  }
0x4b: {  	_ =	shalt  }
0x4c: {  	_ =	shalt  }
0x4d: {  	_ =	shalt  }
0x4e: {  	_ =	shalt  }
0x4f: {  	_ =	shalt  }
0x50: {  	_ =	shalt  }
0x51: {  	_ =	shalt  }
0x52: {  	_ =	shalt  }
0x53: {  	_ =	shalt  }
0x54: {  	_ =	shalt  }
0x55: {  	_ =	shalt  }
0x56: {  	_ =	shalt  }
0x57: {  	_ =	shalt  }
0x58: {  	_ =	shalt  }
0x59: {  	_ =	shalt  }
0x5a: {  	_ =	shalt  }
0x5b: {  	_ =	shalt  }
0x5c: {  	_ =	shalt  }
0x5d: {  	_ =	shalt  }
0x5e: {  	_ =	shalt  }
0x5f: {  	_ =	shalt  }
0x60: {  	_ =	shalt  }
0x61: {  	_ =	shalt  }
0x62: {  	_ =	shalt  }
0x63: {  	_ =	shalt  }
0x64: {  	_ =	shalt  }
0x65: {  	_ =	shalt  }
0x66: {  	_ =	shalt  }
0x67: {  	_ =	shalt  }
0x68: {  	_ =	shalt  }
0x69: {  	_ =	shalt  }
0x6a: {  	_ =	shalt  }
0x6b: {  	_ =	shalt  }
0x6c: {  	_ =	shalt  }
0x6d: {  	_ =	shalt  }
0x6e: {  	_ =	shalt  }
0x6f: {  	_ =	shalt  }
0x70: {  	_ =	shalt  }
0x71: {  	_ =	shalt  }
0x72: {  	_ =	shalt  }
0x73: {  	_ =	shalt  }
0x74: {  	_ =	shalt  }
0x75: {  	_ =	shalt  }
0x76: {  	_ =	shalt  }
0x77: {  	_ =	shalt  }
0x78: {  	_ =	shalt  }
0x79: {  	_ =	shalt  }
0x7a: {  	_ =	shalt  }
0x7b: {  	_ =	shalt  }
0x7c: {  	_ =	shalt  }
0x7d: {  	_ =	shalt  }
0x7e: {  	_ =	shalt  }
0x7f: {  	_ =	shalt  }
0x80: {  	_ =	shalt  }
0x81: {  	_ =	shalt  }
0x82: {  	_ =	shalt  }
0x83: {  	_ =	shalt  }
0x84: {  	_ =	shalt  }
0x85: {  	_ =	shalt  }
0x86: {  	_ =	shalt  }
0x87: {  	_ =	shalt  }
.Lfunc_end0:
.L_simem_size_0:
called_computation.10_lowered:
.L_overlay_start_0:
0x88: {  	s2 =	sld [smem:$0x3FD9]  }
0x89: {  	s3 =	sld [smem:$0x3FFE];
	_ =	sdelay $0x1  }
0x8a: {  	s1 =	srdreg.scid  }
0x8b: {  	s0 =	sand.u32 $0x1, s1  }
0x8c: {  	s16 =	sshll.u32 s0, $0xA;
	s2 =	sadd.s32 s3, s2  }
0x8d: {  	s2 =	sadd.s32 s2, s16  }
0x8e: {  	[smem:$0x3FBE] =	sst s2  }
0x8f: {  	_ = 	snop  }
0x90: {  	(tm) =	ssettm $0x1  }
0x91: {  	s17 =	sld [smem:$0x3FFB];
	_ =	sdelay $0x3  }
0x92: {  	_ =	strace s17  }
0x93: {  	s2 =	sld [smem:$0x3FFC];
	_ =	sdelay $0x3  }
0x94: {  	_ =	strace s2  }
0x95: {  	s2 =	sld [smem:$0x3FFD];
	_ =	sdelay $0x3  }
0x96: {  	_ =	strace s2  }
0x97: {  	_ =	strace $0x8FFFFFFF  }
0x98: {  	s18 =	sld [smem:$0x3FDB];
	_ =	sdelay $0x1  }
0x99: {  	s19 =	simm.s32 $_scs_section_size  }
0x9a: {  	s4 =	simm.s32 $_size__tile_overlayer_lowered;
	s5 =	simm.s32 $_tile_overlayer_lowered  }
0x9b: {  	s22 =	simm.s32 $0x1BFF;
	s21 =	sshll.u32 s5, $0x1;
	s2 =	sadd.s32 s19, s18  }
0x9c: {  	s6 =	simm.s32 $0x0;
	s20 =	sshll.u32 s4, $0x1;
	s4 =	sadd.s32 s21, s2  }
0x9d: {  	[timem:s6], [sflag:s22] =	dma.local [hbm:s4], s20  }
0x9e: {  	_ =	swait.ge [sflag:s22], s20  }
0x9f: {  	s3 =	ssub.s32 $0x0, s20;
	[sflag:s22] =	ssyncset.done $0x0  }
0xa0: {  	[sflag:s22] =	ssyncadd.s32 s3;
	_ =	sdelay $0x1  }
0xa1: {  	s23 =	simm.s32 $0x1B8B  }
0xa2: {  	_ =	swait.ge [sflag:s23], $0x1  }
0xa3: {  	[sflag:s23] =	ssyncset.done $0x0  }
0xa4: {  	s25 =	simm.s32 $0x1B8E;
	s24 =	sld [smem:$0x3FFE];
	[sflag:s23] =	ssyncadd.s32 $0xFFFFFFFF  }
0xa5: {  	s26 =	simm.s32 $execute0_lowered;
	[smem:$0x3FD2] =	sst s25  }
0xa6: {  	s4 =	sshll.u32 s26, $0x1;
	_ =	strace $0x80000067;
	[dreg:$0x1] =	wrdreg $0xFFFFFFFF  }
0xa7: {  	s28 =	simm.s32 $_size_execute0_lowered;
	s2 =	sadd.s32 s2, s4;
	[dreg:$0x0] =	wrdreg $0x0  }
0xa8: {  	s4 =	sshll.u32 s28, $0x1;
	[dreg:$0x2] =	wrdreg s2  }
0xa9: {  	[dreg:$0x3] =	wrdreg s4  }
0xaa: {  	[dreg:$0x4] =	wrdreg $0xC0  }
0xab: {  	_ =	task [dreg:s6], $0x5FFFF  }
0xac: {  	[dreg:$0x1] =	wrdreg $0xFFFFFFFF  }
0xad: {  	[dreg:$0x0] =	wrdreg $0x60  }
0xae: {  	[dreg:$0x2] =	wrdreg s24  }
0xaf: {  	[dreg:$0x3] =	wrdreg $0x9  }
0xb0: {  	_ =	task.clear_ibuf [dreg:s6], $0x4FFFF;
	_ =	strace $0x90000067  }
0xb1: {  	s29 =	simm.s32 $0x9;
	_ =	strace $0x80000069  }
0xb2: {  	_ =	swait.ge [sflag:s29], $0x1  }
0xb3: {  	[sflag:s29] =	ssyncadd.s32 $0xFFFFFFFF  }
0xb4: {  	_ =	strace $0x90000069  }
0xb5: {  	_ =	sfence  }
0xb6: {  	s30 =	sld [smem:$0x0];
	_ =	sdelay $0x2  }
0xb7: {  	s31 =	sshll.u32 s1, $0xD;
	s1 =	sshrl.u32 s1, $0x2  }
0xb8: {  	s3 =	sand.u32 $0x4000, s31;
	s1 =	sadd.s32 s1, s30  }
0xb9: {  	s0 =	sor.u32 s3, s0;
	s1 =	sshll.u32 s1, $0x11  }
0xba: {  	s0 =	sor.u32 s1, s0  }
0xbb: {  	s0 =	sadd.s32 $0x8F2B, s0  }
0xbc: {  	[sflag:s0] =	ssyncadd.remote.s32 $0x1  }
0xbd: {  	_ =	sfence.sel $0xFFFF  }
0xbe: {  	[dreg:$0x0] =	wrdreg $0xFFFFFFFF;
	(pc) =	sbr.abs _section_cstart, $3  }
0xbf: {  	[dreg:$0x1] =	wrdreg $0xFFFFFFFF  }
0xc0: {  	_ =	task.clear_ibuf [dreg:s6], $0x2FFFF;
	_ =	strace $0x9FFFFFFF  }
0xc1: {  	(tm) =	ssettm $0x7FFFFFFF  }
tec
execute0_lowered:
.L_overlay_start_1:
0x0: {  	(tag) =	ssettag $0x1  }
0x1: {  	s0 =	srdreg.scid;
	s5 =	rddreg [dreg:$0x0]  }
0x2: {  	s1 =	stileid.u32;
	s6 =	simm.s32 $0x1;
	s9 =	simm.s32 $0x1  }
0x3: {  	s10 =	simm.s32 $0x3;
	s13 =	simm.s32 $0x0;
	s2 =	sshll.u32 s0, $0x9  }
0x4: {  	s12 =	simm.s32 $0x0;
	s3 =	sshll.u32 s1, $0xA;
	s2 =	sand.u32 $0x200, s2  }
0x5: {  	s0 =	rddreg [dreg:$0x1];
	_ =	strace $0x80000068;
	s2 =	sor.u32 s3, s2  }
0x6: {  	s4 =	sadd.s32 $0x24A00, s5;
	[sflag:s6] =	ssyncpa.u1 $0x0;
	s8 =	ssub.s32 $0x6000, s2  }
.Ltmp0:
0x7: {  	s3 =	sadd.s32 $0x166800, s5;
	s7 =	sand.u32 $0x3E00, s8;
	(pc) =	sbr.rel .LBB2_1-.Ltmp0, $4  }
0x8: {  	s5 =	sadd.s32 $0x56E00, s5;
	s11 =	smov.u32 s2;
	p0 =	sne.s32 s7, $0x0  }
0x9: {  	s8 =	sshrl.u32 s8, $0xE;
	s7 =	simm.s32 $0x2;
	s9 =	simm.s32 @!p0 $0x0  }
0xa: {  	[sflag:s7] =	ssyncpa.u1 $0x0;
	p0 =	por $0x0, $0x0;
	s8 =	sadd.s32 s9, s8  }
0xb: {  	vm0 =	vmmov $0xffff;
	[sflag:s10] =	ssyncpa.u1 $0x0;
	s10 =	simm.s32 $0x0;
	s9 =	sadd.s32 $0x1, s8  }
.LBB2_4:
0xc: {  	vm1 =	veq.s32 v0, $0x80000000;
	v3 =	vand.u32 $0x1, v0;
	v62 =	vshll.u32 v0, $0x8  }
0xd: {  	v2 =	vand.u32 $0xFF, v2;
	v3 =	vsel vm1, $0xFFFFFFFF, v3;
	v0 =	vand.u32 $0xFFE00, v62  }
0xe: {  	v0 =	vsel vm1, $0xFFFFFE00, v0;
	v4 =	vand.u32 $0xFFFFFE00, v3;
	v3 =	vshll.u32 v3, $0x7  }
0xf: {  	v2 =	vsel vm1, $0xFFFFFFFF, v2;
	v0 =	vadd.s32 v4, v0;
	v3 =	vand.u32 $0x80, v3  }
0x10: {  	v63 =	vand.u32 $0x7F, v2;
	v2 =	vshll.u32 v2, $0x1;
	v0 =	vor.u32 v3, v0  }
0x11: {  	v2 =	vand.u32 $0xFFFFFF00, v2;
	v0 =	vor.u32 v63, v0  }
0x12: {  	v0 =	vadd.s32 v2, v0;
	_ =	sdelay $0x1  }
0x13: {  	(ifvalue) =	ssetifvalue $0x7FFFFFFF;
	s14 =	sadd.s32 $0x10, s14  }
0x14: {  	[tilespmem:s14], [sflag:$0x1] =	stream.indirect_vreg.gather [hbm4b:s3+s10], $0x1, v1, vm0, $0x4038;
	[tilespmem:$0x800] =	vst v63  }
0x15: {  	(ifvalue) =	ssetifvalue $0x7FFFFFFF;
	s14 =	sadd.s32 $0x10, s14  }
0x16: {  	[tilespmem:s14], [sflag:$0x1] =	stream.indirect_vreg.gather [hbm4b:s3+s10], $0x1, v0, vm0, $0x4038;
	[tilespmem:$0x800] =	vst v63  }
0x17: {  	_ =	swait.ge [sflag:s6], $0x200  }
0x18: {  	s30 =	sshrl.u32 s13, $0x3;
	[sflag:s6] =	ssyncset.done $0x0  }
0x19: {  	s31 =	sand.u32 $0x7, s13;
	s14 =	sadd.s32 s5, s30;
	[sflag:s6] =	ssyncadd.s32 $0xFFFFFE00  }
0x1a: {  	[hbm4b:s14+s31] =	stream.linear.scatter [tilespmem:s15], [sflag:$0x3], $0x200, $0x38;
	[tilespmem:$0x800] =	vst v63  }
.LBB2_5:
0x1b: {  	s15 =	sadd.s32 $0x4000, s11  }
0x1c: {  	p2 =	sgt.s32 s15, $0x5FFF  }
0x1d: {  	s15 =	smov.u32 @p2 s2;
	p2 =	sne.s32 s12, s9  }
.Ltmp1:
0x1e: {  	p1 =	slt.u32 s12, $0x2;
	(pc) =	sbr.rel @!p2 .LBB2_6-.Ltmp1, $4  }
0x1f: {  	s14 =	simm.s32 @!p1 $0x3  }
0x20: {  	s16 =	sadd.s32 $0x1, s12;
	_ =	swait.ge @!p1 [sflag:s14], $0x200  }
0x21: {  	s13 =	smov.u32 s11;
	p0 =	por !p0, !p0;
	[sflag:s14] =	ssyncset.done @!p1 $0x0  }
0x22: {  	s12 =	smov.u32 s16;
	s11 =	smov.u32 s15;
	[sflag:s14] =	ssyncadd.s32 @!p1 $0xFFFFFE00  }
.LBB2_1:
0x23: {  	p1 =	sge.u32 s12, s8  }
0x24: {  	s14 =	sxor.u32 @!p1 $0xFFFFFFFF, s12  }
0x25: {  	s31 =	sadd.s32 $0xFFFFFFFF, s12;
	s15 =	sshrl.u32 @!p1 s11, $0x3;
	s14 =	sshll.u32 @!p1 s14, $0x9  }
0x26: {  	s16 =	sand.u32 @!p1 $0x7, s11;
	s15 =	sadd.s32 @!p1 s4, s15;
	s14 =	sand.u32 @!p1 $0x200, s14  }
0x27: {  	[tilespmem:s14], [sflag:$0x2] =	stream.linear.gather @!p1 [hbm4b:s15+s16], $0x200, $0x38;
	[tilespmem:$0x800] =	vst v63  }
0x28: {  	p1 =	sge.u32 s31, s8  }
.Ltmp2:
0x29: {  	_ = 	snop;
	(pc) =	sbr.rel @p1 .LBB2_5-.Ltmp2, $1  }
0x2a: {  	_ =	sdelay $0x3  }
0x2b: {  	s14 =	simm.s32 $0x1  }
0x2c: {  	_ =	swait.ge [sflag:s7], $0x200;
	s14 =	simm.s32 @!p0 $0x0  }
0x2d: {  	[sflag:s7] =	ssyncset.done $0x0;
	s14 =	sshll.u32 s14, $0x9  }
0x2e: {  	[sflag:s7] =	ssyncadd.s32 $0xFFFFFE00;
	(ifvalue) =	ssetifvalue $0x7FFFFFFF;
	v0 =	vld.msk [tilespmem:s14+$0x0 ss:$0x1], $0xffff;
	_ =	sdelay $0x1  }
0x2f: {  	s15 =	sadd.s32 $0x10, s14  }
0x30: {  	v3 =	vld.msk [tilespmem:s15+$0x0 ss:$0x1], $0xffff;
	_ =	sdelay $0x1  }
0x31: {  	v1 =	vshrl.u32 v0, $0xC  }
0x32: {  	vm1 =	veq.s32 v0, $0x80000000;
	v2 =	vand.u32 $0x1, v0;
	v0 =	vshll.u32 v0, $0x8  }
0x33: {  	v2 =	vsel vm1, $0xFFFFFFFF, v2;
	v0 =	vand.u32 $0xFFE00, v0  }
0x34: {  	v1 =	vand.u32 $0xFF, v1;
	v62 =	vand.u32 $0x1, v3;
	v0 =	vsel vm1, $0xFFFFFE00, v0  }
0x35: {  	v4 =	vand.u32 $0xFFFFFE00, v2;
	v2 =	vshll.u32 v2, $0x7;
	v1 =	vsel vm1, $0xFFFFFFFF, v1  }
0x36: {  	vm1 =	veq.s32 v3, $0x80000000;
	v0 =	vadd.s32 v4, v0;
	v2 =	vand.u32 $0x80, v2  }
0x37: {  	v61 =	vand.u32 $0x7F, v1;
	v1 =	vshll.u32 v1, $0x1;
	v0 =	vor.u32 v2, v0  }
0x38: {  	v4 =	vsel vm1, $0xFFFFFFFF, v62;
	v1 =	vand.u32 $0xFFFFFF00, v1;
	v0 =	vor.u32 v61, v0  }
0x39: {  	s17 =	sadd.s32 $0x10, s15;
	v2 =	vshrl.u32 v3, $0xC;
	v3 =	vshll.u32 v3, $0x8;
	v1 =	vadd.s32 v1, v0  }
0x3a: {  	v5 =	vand.u32 $0xFFFFFE00, v4;
	v3 =	vand.u32 $0xFFE00, v3;
	v0 =	vld.msk [tilespmem:s17+$0x0 ss:$0x1], $0xffff  }
0x3b: {  	v4 =	vshll.u32 v4, $0x7;
	v2 =	vand.u32 $0xFF, v2;
	v3 =	vsel vm1, $0xFFFFFE00, v3  }
0x3c: {  	s31 =	sshll.u32 s12, $0x9;
	v4 =	vand.u32 $0x80, v4;
	v2 =	vsel vm1, $0xFFFFFFFF, v2;
	v3 =	vadd.s32 v5, v3  }
0x3d: {  	s14 =	sor.u32 $0x400, s14;
	s15 =	sand.u32 $0x200, s31;
	(ifvalue) =	ssetifvalue $0x7FFFFFFF;
	v63 =	vand.u32 $0x7F, v2;
	v2 =	vshll.u32 v2, $0x1;
	v3 =	vor.u32 v4, v3  }
0x3e: {  	v3 =	vor.u32 v63, v3;
	[tilespmem:s14], [sflag:$0x1] =	stream.indirect_vreg.gather [hbm4b:s3+s10], $0x1, v1, vm0, $0x4038;
	v1 =	vand.u32 $0xFFFFFF00, v2;
	[tilespmem:$0x800] =	vst v63  }
0x3f: {  	s16 =	simm.s32 $0x20;
	s15 =	sor.u32 $0x400, s15;
	s17 =	sadd.s32 $0x10, s17;
	v2 =	vshrl.u32 v0, $0xC;
	v1 =	vadd.s32 v1, v3  }
.LBB2_3:
0x40: {  	vm1 =	veq.s32 v0, $0x80000000;
	v3 =	vand.u32 $0x1, v0;
	v4 =	vshll.u32 v0, $0x8;
	v0 =	vld.msk [tilespmem:s17+$0x0 ss:$0x1], $0xffff;
	s16 =	sadd.s32 $0x10, s16  }
0x41: {  	v2 =	vand.u32 $0xFF, v2;
	v3 =	vsel vm1, $0xFFFFFFFF, v3;
	v4 =	vand.u32 $0xFFE00, v4;
	p1 =	slt.u32 s16, $0x1F0  }
.Ltmp3:
0x42: {  	v4 =	vsel vm1, $0xFFFFFE00, v4;
	v5 =	vand.u32 $0xFFFFFE00, v3;
	v3 =	vshll.u32 v3, $0x7;
	(pc) =	sbr.rel @p1 .LBB2_3-.Ltmp3, $4  }
0x43: {  	s14 =	sadd.s32 $0x10, s14;
	v2 =	vsel vm1, $0xFFFFFFFF, v2;
	v4 =	vadd.s32 v5, v4;
	v3 =	vand.u32 $0x80, v3;
	(ifvalue) =	ssetifvalue $0x7FFFFFFF  }
0x44: {  	v5 =	vand.u32 $0x7F, v2;
	v2 =	vshll.u32 v2, $0x1;
	v3 =	vor.u32 v3, v4;
	[tilespmem:s14], [sflag:$0x1] =	stream.indirect_vreg.gather [hbm4b:s3+s10], $0x1, v1, vm0, $0x4038;
	[tilespmem:$0x800] =	vst v63  }
0x45: {  	v1 =	vand.u32 $0xFFFFFF00, v2;
	v3 =	vor.u32 v5, v3  }
0x46: {  	s17 =	sadd.s32 $0x10, s17;
	v2 =	vshrl.u32 v0, $0xC;
	v1 =	vadd.s32 v1, v3  }
.Ltmp4:
0x47: {  	_ = 	snop;
	(pc) =	sbr.rel .LBB2_4-.Ltmp4, $1  }
0x48: {  	_ =	sdelay $0x3  }
.LBB2_6:
0x49: {  	_ =	sfence.sel $0x180000  }
0x4a: {  	s2 =	simm.s32 $0x2;
	[bflag:$0x0] =	sbarrier.arrive $0xFFFF  }
0x4b: {  	s30 =	simm.s32 $0x3;
	[sflag:s2] =	ssyncpa.u1 $0x1  }
0x4c: {  	s31 =	simm.s32 $0x1;
	[sflag:s30] =	ssyncpa.u1 $0x1  }
0x4d: {  	[sflag:s31] =	ssyncpa.u1 $0x1  }
0x4e: {  	p0 =	sne.s32 s1, $0x0;
	_ =	strace $0x90000068  }
0x4f: {  	s0 =	sadd.s32 @!p0 $0x100000, s0;
	[bflag:$0x2] =	sbarrier.arrive $0xFFFF  }
0x50: {  	[sflag:s0] =	ssyncadd.tile.s32 @!p0 $0x1;
	_ =	shalt  }
.Lfunc_end2:
_tile_overlayer_lowered:
.L_overlay_start_2:
0x51: {  	(tag) =	ssettag $0x2  }
0x52: {  	s0 =	rddreg [dreg:$0x0];
	s2 =	stileid.u32  }
0x53: {  	s1 =	rddreg [dreg:$0x1];
	p0 =	sne.s32 s2, $0x0  }
0x54: {  	s3 =	rddreg [dreg:$0x2];
	[bflag:$0x3] =	sbarrier.arrive $0xFFFF;
	s2 =	simm.s32 @!p0 $0x1C01  }
0x55: {  	[timem:s3], [sflag:s2] =	dma.local @!p0 [hbm:s0], s1  }
0x56: {  	s0 =	simm.s32 @!p0 $0x1  }
0x57: {  	_ =	swait.ge @!p0 [sflag:s0], s1  }
0x58: {  	s1 =	ssub.s32 @!p0 $0x0, s1;
	[sflag:s0] =	ssyncset.done @!p0 $0x0  }
0x59: {  	[sflag:s0] =	ssyncadd.s32 @!p0 s1  }
0x5a: {  	[bflag:$0x3] =	sbarrier.arrive $0xFFFF  }
0x5b: {  	_ =	shalt  }

// kernel: gather_offload_async_start.11
scs
__scs_entry_jumppad:
0x0: {  	(pc) =	sbr.rel $0x88, $3  }
0x1: {  	(tag) =	ssettag $0x0;
	lr =	simm.s32 $0x1  }
0x2: {  	[smem:$0x3F97] =	sst lr;
	_ =	strace $0xD0000000  }
0x3: {  	_ = 	snop  }
0x4: {  	_ = 	snop  }
0x5: {  	_ = 	snop  }
0x6: {  	_ = 	snop  }
0x7: {  	_ = 	snop  }
__scs_overlays_trampoline_lowered:
0x8: {  	[smem:$0x3FA6] =	sst s0  }
0x9: {  	[smem:$0x3FA7] =	sst s1  }
0xa: {  	[smem:$0x3FA8] =	sst s2  }
0xb: {  	[smem:$0x3FA9] =	sst s3  }
0xc: {  	[smem:$0x3FAA] =	sst s4  }
0xd: {  	[smem:$0x3FAB] =	sst s5  }
0xe: {  	[smem:$0x3FAC] =	sst s6  }
0xf: {  	[smem:$0x3FAD] =	sst s7  }
0x10: {  	[smem:$0x3FAE] =	sst s8  }
0x11: {  	[smem:$0x3FAF] =	sst s9;
	s0 =	simm.s32 @!p0 $0x0  }
0x12: {  	s1 =	sld [smem:$0x3F95];
	s0 =	simm.s32 @p0 $0x1  }
0x13: {  	[smem:$0x3FB0] =	sst s0;
	s0 =	simm.s32 @!p1 $0x0  }
0x14: {  	s2 =	sld [smem:$0x3F94];
	s0 =	simm.s32 @p1 $0x1  }
0x15: {  	[smem:$0x3FB1] =	sst s0;
	s0 =	simm.s32 @!p2 $0x0  }
0x16: {  	s3 =	sld [smem:$0x3FDB];
	s0 =	simm.s32 @p2 $0x1  }
0x17: {  	s4 =	simm.s32 $0x1BF5;
	[smem:$0x3FB3] =	sst s0  }
0x18: {  	s0 =	sld [smem:$0x3F96];
	_ =	swait.ge [sflag:s4], $0x0  }
0x19: {  	s7 =	sld [smem:$0x3F97]  }
0x1a: {  	s8 =	sadd.s32 $0xFFFFE003, lr  }
0x1b: {  	s9 =	sadd.s32 $0xFFFFFEF7, lr;
	s5 =	simm.s32 $0xFFFFFFFF;
	p2 =	slt.u32 s8, $0xFFFFF086  }
0x1c: {  	p1 =	slt.u32 s9, $0xF7A;
	s5 =	simm.s32 @!p2 $0x0  }
0x1d: {  	s5 =	simm.s32 @p1 $0x1;
	p0 =	seq.s32 s7, s2  }
0x1e: {  	s7 =	smul.u32 @!p0 $0xF7A, s2;
	p2 =	seq.s32 @!p0 s5, $0x0  }
0x1f: {  	s9 =	smul.u32 $0xF7A, s1;
	s8 =	simm.s32 @!p0 $0x1BF5;
	p2 =	por !p2, p0  }
0x20: {  	[sflag:s8] =	ssyncset.s32 @!p0 $0xFFFFF086;
	s6 =	sadd.s32 @!p0 s3, s7;
	s7 =	simm.s32 @!p0 $0x108  }
0x21: {  	s3 =	sadd.s32 s3, s9;
	s6 =	sadd.s32 @!p0 $0x88, s6;
	s7 =	simm.s32 @p2 $0x1082  }
0x22: {  	[simem:s7], [sflag:s8] =	dma.local @!p0 [hbm:s6], $0xF7A  }
0x23: {  	s9 =	sor.u32 $0xD0000000, s2;
	s6 =	simm.s32 $0x108;
	_ =	swait.ge @!p0 [sflag:s8], $0x0  }
0x24: {  	s3 =	sadd.s32 $0x88, s3;
	s6 =	simm.s32 @!p1 $0x1082;
	[sflag:s4] =	ssyncset.s32 $0xFFFFF086  }
0x25: {  	[simem:s6], [sflag:s4] =	dma.local [hbm:s3], $0xF7A  }
0x26: {  	[smem:$0x3F97] =	sst s1;
	(tag) =	ssettag s2;
	_ =	strace s9  }
0x27: {  	s1 =	sld [smem:$0x3FA7]  }
0x28: {  	s2 =	sld [smem:$0x3FA8]  }
0x29: {  	s4 =	sld [smem:$0x3FAA]  }
0x2a: {  	p0 =	seq.s32 s5, $0x0;
	s5 =	sld [smem:$0x3FAB]  }
0x2b: {  	s6 =	sld [smem:$0x3FAC]  }
0x2c: {  	s7 =	sld [smem:$0x3FAD]  }
0x2d: {  	s3 =	simm.s32 $0x108;
	s8 =	sld [smem:$0x3FAE]  }
0x2e: {  	s3 =	simm.s32 @!p0 $0x1082;
	s9 =	sld [smem:$0x3FAF]  }
0x2f: {  	lr =	sadd.s32 s0, s3;
	s0 =	sld [smem:$0x3FA6]  }
0x30: {  	s3 =	sld [smem:$0x3FA9]  }
0x31: {  	[smem:$0x3FB2] =	sst s10  }
0x32: {  	s10 =	sld [smem:$0x3FB0];
	_ =	sdelay $0x3  }
0x33: {  	p0 =	seq.s32 s10, $0x1;
	s10 =	sld [smem:$0x3FB2];
	_ =	sdelay $0x3  }
0x34: {  	[smem:$0x3FB2] =	sst s10  }
0x35: {  	s10 =	sld [smem:$0x3FB1];
	_ =	sdelay $0x3  }
0x36: {  	p1 =	seq.s32 s10, $0x1;
	s10 =	sld [smem:$0x3FB2];
	_ =	sdelay $0x3  }
0x37: {  	[smem:$0x3FB2] =	sst s10  }
0x38: {  	s10 =	sld [smem:$0x3FB3]  }
0x39: {  	_ = 	snop;
	(pc) =	sbr.ind lr, $3  }
0x3a: {  	_ = 	snop  }
0x3b: {  	_ = 	snop  }
0x3c: {  	p2 =	seq.s32 s10, $0x1;
	s10 =	sld [smem:$0x3FB2]  }
0x3d: {  	_ =	shalt  }
0x3e: {  	_ =	shalt  }
0x3f: {  	_ =	shalt  }
0x40: {  	_ =	shalt  }
0x41: {  	_ =	shalt  }
0x42: {  	_ =	shalt  }
0x43: {  	_ =	shalt  }
0x44: {  	_ =	shalt  }
0x45: {  	_ =	shalt  }
0x46: {  	_ =	shalt  }
0x47: {  	_ =	shalt  }
0x48: {  	_ =	shalt  }
0x49: {  	_ =	shalt  }
0x4a: {  	_ =	shalt  }
0x4b: {  	_ =	shalt  }
0x4c: {  	_ =	shalt  }
0x4d: {  	_ =	shalt  }
0x4e: {  	_ =	shalt  }
0x4f: {  	_ =	shalt  }
0x50: {  	_ =	shalt  }
0x51: {  	_ =	shalt  }
0x52: {  	_ =	shalt  }
0x53: {  	_ =	shalt  }
0x54: {  	_ =	shalt  }
0x55: {  	_ =	shalt  }
0x56: {  	_ =	shalt  }
0x57: {  	_ =	shalt  }
0x58: {  	_ =	shalt  }
0x59: {  	_ =	shalt  }
0x5a: {  	_ =	shalt  }
0x5b: {  	_ =	shalt  }
0x5c: {  	_ =	shalt  }
0x5d: {  	_ =	shalt  }
0x5e: {  	_ =	shalt  }
0x5f: {  	_ =	shalt  }
0x60: {  	_ =	shalt  }
0x61: {  	_ =	shalt  }
0x62: {  	_ =	shalt  }
0x63: {  	_ =	shalt  }
0x64: {  	_ =	shalt  }
0x65: {  	_ =	shalt  }
0x66: {  	_ =	shalt  }
0x67: {  	_ =	shalt  }
0x68: {  	_ =	shalt  }
0x69: {  	_ =	shalt  }
0x6a: {  	_ =	shalt  }
0x6b: {  	_ =	shalt  }
0x6c: {  	_ =	shalt  }
0x6d: {  	_ =	shalt  }
0x6e: {  	_ =	shalt  }
0x6f: {  	_ =	shalt  }
0x70: {  	_ =	shalt  }
0x71: {  	_ =	shalt  }
0x72: {  	_ =	shalt  }
0x73: {  	_ =	shalt  }
0x74: {  	_ =	shalt  }
0x75: {  	_ =	shalt  }
0x76: {  	_ =	shalt  }
0x77: {  	_ =	shalt  }
0x78: {  	_ =	shalt  }
0x79: {  	_ =	shalt  }
0x7a: {  	_ =	shalt  }
0x7b: {  	_ =	shalt  }
0x7c: {  	_ =	shalt  }
0x7d: {  	_ =	shalt  }
0x7e: {  	_ =	shalt  }
0x7f: {  	_ =	shalt  }
0x80: {  	_ =	shalt  }
0x81: {  	_ =	shalt  }
0x82: {  	_ =	shalt  }
0x83: {  	_ =	shalt  }
0x84: {  	_ =	shalt  }
0x85: {  	_ =	shalt  }
0x86: {  	_ =	shalt  }
0x87: {  	_ =	shalt  }
.Lfunc_end0:
.L_simem_size_0:
called_computation.11_lowered:
.L_overlay_start_0:
0x88: {  	s2 =	sld [smem:$0x3FD9]  }
0x89: {  	s3 =	sld [smem:$0x3FFE];
	_ =	sdelay $0x1  }
0x8a: {  	s1 =	srdreg.scid  }
0x8b: {  	s0 =	sand.u32 $0x1, s1  }
0x8c: {  	s16 =	sshll.u32 s0, $0xA;
	s2 =	sadd.s32 s3, s2  }
0x8d: {  	s2 =	sadd.s32 s2, s16  }
0x8e: {  	[smem:$0x3FBE] =	sst s2  }
0x8f: {  	_ = 	snop  }
0x90: {  	(tm) =	ssettm $0x1  }
0x91: {  	s17 =	sld [smem:$0x3FFB];
	_ =	sdelay $0x3  }
0x92: {  	_ =	strace s17  }
0x93: {  	s2 =	sld [smem:$0x3FFC];
	_ =	sdelay $0x3  }
0x94: {  	_ =	strace s2  }
0x95: {  	s2 =	sld [smem:$0x3FFD];
	_ =	sdelay $0x3  }
0x96: {  	_ =	strace s2  }
0x97: {  	_ =	strace $0x8FFFFFFF  }
0x98: {  	s18 =	sld [smem:$0x3FDB];
	_ =	sdelay $0x1  }
0x99: {  	s19 =	simm.s32 $_scs_section_size  }
0x9a: {  	s4 =	simm.s32 $_size__tile_overlayer_lowered;
	s5 =	simm.s32 $_tile_overlayer_lowered  }
0x9b: {  	s22 =	simm.s32 $0x1BFF;
	s21 =	sshll.u32 s5, $0x1;
	s2 =	sadd.s32 s19, s18  }
0x9c: {  	s6 =	simm.s32 $0x0;
	s20 =	sshll.u32 s4, $0x1;
	s4 =	sadd.s32 s21, s2  }
0x9d: {  	[timem:s6], [sflag:s22] =	dma.local [hbm:s4], s20  }
0x9e: {  	_ =	swait.ge [sflag:s22], s20  }
0x9f: {  	s3 =	ssub.s32 $0x0, s20;
	[sflag:s22] =	ssyncset.done $0x0  }
0xa0: {  	[sflag:s22] =	ssyncadd.s32 s3;
	_ =	sdelay $0x1  }
0xa1: {  	s23 =	simm.s32 $0x1B8B  }
0xa2: {  	_ =	swait.ge [sflag:s23], $0x1  }
0xa3: {  	[sflag:s23] =	ssyncset.done $0x0  }
0xa4: {  	s25 =	simm.s32 $0x1B8E;
	s24 =	sld [smem:$0x3FFE];
	[sflag:s23] =	ssyncadd.s32 $0xFFFFFFFF  }
0xa5: {  	s26 =	simm.s32 $execute0_lowered;
	[smem:$0x3FD2] =	sst s25  }
0xa6: {  	s4 =	sshll.u32 s26, $0x1;
	_ =	strace $0x80000064;
	[dreg:$0x1] =	wrdreg $0xFFFFFFFF  }
0xa7: {  	s28 =	simm.s32 $_size_execute0_lowered;
	s2 =	sadd.s32 s2, s4;
	[dreg:$0x0] =	wrdreg $0x0  }
0xa8: {  	s4 =	sshll.u32 s28, $0x1;
	[dreg:$0x2] =	wrdreg s2  }
0xa9: {  	[dreg:$0x3] =	wrdreg s4  }
0xaa: {  	[dreg:$0x4] =	wrdreg $0xC0  }
0xab: {  	_ =	task [dreg:s6], $0x5FFFF  }
0xac: {  	[dreg:$0x1] =	wrdreg $0xFFFFFFFF  }
0xad: {  	[dreg:$0x0] =	wrdreg $0x60  }
0xae: {  	[dreg:$0x2] =	wrdreg s24  }
0xaf: {  	[dreg:$0x3] =	wrdreg $0x9  }
0xb0: {  	_ =	task.clear_ibuf [dreg:s6], $0x4FFFF;
	_ =	strace $0x90000064  }
0xb1: {  	s29 =	simm.s32 $0x9;
	_ =	strace $0x80000066  }
0xb2: {  	_ =	swait.ge [sflag:s29], $0x1  }
0xb3: {  	[sflag:s29] =	ssyncadd.s32 $0xFFFFFFFF  }
0xb4: {  	_ =	strace $0x90000066  }
0xb5: {  	_ =	sfence  }
0xb6: {  	s30 =	sld [smem:$0x0];
	_ =	sdelay $0x2  }
0xb7: {  	s31 =	sshll.u32 s1, $0xD;
	s1 =	sshrl.u32 s1, $0x2  }
0xb8: {  	s3 =	sand.u32 $0x4000, s31;
	s1 =	sadd.s32 s1, s30  }
0xb9: {  	s0 =	sor.u32 s3, s0;
	s1 =	sshll.u32 s1, $0x11  }
0xba: {  	s0 =	sor.u32 s1, s0  }
0xbb: {  	s0 =	sadd.s32 $0x8F2B, s0  }
0xbc: {  	[sflag:s0] =	ssyncadd.remote.s32 $0x1  }
0xbd: {  	_ =	sfence.sel $0xFFFF  }
0xbe: {  	[dreg:$0x0] =	wrdreg $0xFFFFFFFF;
	(pc) =	sbr.abs _section_cstart, $3  }
0xbf: {  	[dreg:$0x1] =	wrdreg $0xFFFFFFFF  }
0xc0: {  	_ =	task.clear_ibuf [dreg:s6], $0x2FFFF;
	_ =	strace $0x9FFFFFFF  }
0xc1: {  	(tm) =	ssettm $0x7FFFFFFF  }
tec
execute0_lowered:
.L_overlay_start_1:
0x0: {  	(tag) =	ssettag $0x1  }
0x1: {  	s8 =	rddreg [dreg:$0x0];
	s1 =	stileid.u32  }
0x2: {  	s2 =	srdreg.scid;
	s0 =	rddreg [dreg:$0x1]  }
0x3: {  	_ =	strace $0x80000065;
	s5 =	simm.s32 $0x1;
	s9 =	simm.s32 $0x1  }
0x4: {  	s10 =	simm.s32 $0x3;
	s2 =	sand.u32 $0x1, s2;
	s3 =	sshll.u32 s1, $0x1  }
0x5: {  	s13 =	simm.s32 $0x0;
	s12 =	simm.s32 $0x0;
	s6 =	sor.u32 s3, s2  }
0x6: {  	[sflag:s5] =	ssyncpa.u1 $0x0;
	s2 =	sadd.s32 $0xC6800, s8;
	s4 =	smul.u32 $0x4F00, s6  }
0x7: {  	s3 =	sadd.s32 $0x3CD600, s8;
	p0 =	slt.u32 s6, $0x11;
	s6 =	simm.s32 $0x9E000  }
.Ltmp0:
0x8: {  	s6 =	simm.s32 @!p0 $0x0;
	s7 =	ssub.s32 $0xED000, s4;
	(pc) =	sbr.rel .LBB2_1-.Ltmp0, $4  }
0x9: {  	s9 =	simm.s32 @!p0 $0x0;
	p0 =	sne.s32 s7, s6;
	s7 =	simm.s32 $0x1  }
0xa: {  	s8 =	sadd.s32 $0x86800, s8;
	s6 =	simm.s32 $0x2;
	s7 =	simm.s32 @!p0 $0x0  }
0xb: {  	s11 =	smov.u32 s4;
	[sflag:s6] =	ssyncpa.u1 $0x0;
	s7 =	sadd.s32 s9, s7  }
0xc: {  	vm0 =	vmmov $0xffff;
	[sflag:s10] =	ssyncpa.u1 $0x0;
	s10 =	simm.s32 $0x0;
	s9 =	sadd.s32 $0x1, s7  }
.LBB2_4:
0xd: {  	v3 =	vshrl.u32 v0, $0x1;
	v4 =	vshrl.u32 v0, $0xC;
	v1 =	vor.u32 v1, v2  }
0xe: {  	v62 =	vshll.u32 v0, $0x13;
	v60 =	vand.u32 $0x7FF, v3;
	v61 =	vand.u32 $0xFF, v4  }
0xf: {  	v0 =	vand.u32 $0x80000, v62;
	v2 =	vsel vm1, $0xFFFFFFFF, v60;
	v3 =	vsel vm1, $0xFFFFFFFF, v61  }
0x10: {  	v0 =	vsel vm1, $0xFFF80000, v0;
	v63 =	vand.u32 $0x7F, v3;
	v5 =	vshll.u32 v2, $0x8  }
0x11: {  	v3 =	vshll.u32 v3, $0x3;
	v5 =	vand.u32 $0xFFFFF800, v5;
	v0 =	vor.u32 v0, v63  }
0x12: {  	v2 =	vshll.u32 v2, $0x7;
	v3 =	vand.u32 $0xFFFFFC00, v3;
	v0 =	vadd.s32 v5, v0  }
0x13: {  	v2 =	vand.u32 $0x380, v2;
	v0 =	vadd.s32 v3, v0  }
0x14: {  	v0 =	vor.u32 v2, v0;
	_ =	sdelay $0x1  }
0x15: {  	(ifvalue) =	ssetifvalue $0x7FFFFFFF;
	s15 =	sadd.s32 $0x10, s15  }
0x16: {  	[tilespmem:s15], [sflag:$0x1] =	stream.indirect_vreg.gather [hbm4b:s2+s10], $0x1, v1, vm0, $0x4038;
	[tilespmem:$0x13C00] =	vst v63  }
0x17: {  	(ifvalue) =	ssetifvalue $0x7FFFFFFF;
	s15 =	sadd.s32 $0x10, s15  }
0x18: {  	[tilespmem:s15], [sflag:$0x1] =	stream.indirect_vreg.gather [hbm4b:s2+s10], $0x1, v0, vm0, $0x4038;
	[tilespmem:$0x13C00] =	vst v63  }
0x19: {  	_ =	swait.ge [sflag:s5], $0x4F00  }
0x1a: {  	s30 =	sshrl.u32 s13, $0x3;
	[sflag:s5] =	ssyncset.done $0x0  }
0x1b: {  	s31 =	sand.u32 $0x7, s13;
	s15 =	sadd.s32 s8, s30;
	[sflag:s5] =	ssyncadd.s32 $0xFFFFB100  }
0x1c: {  	[hbm4b:s15+s31] =	stream.linear.scatter [tilespmem:s14], [sflag:$0x3], $0x4F00, $0x38;
	[tilespmem:$0x13C00] =	vst v63  }
.LBB2_5:
0x1d: {  	s15 =	sadd.s32 $0x9E000, s11  }
0x1e: {  	p1 =	sgt.s32 s15, $0xECFFF  }
0x1f: {  	s15 =	smov.u32 @p1 s4;
	p1 =	sne.s32 s12, s9  }
.Ltmp1:
0x20: {  	p0 =	slt.u32 s12, $0x2;
	(pc) =	sbr.rel @!p1 .LBB2_6-.Ltmp1, $4  }
0x21: {  	s14 =	simm.s32 @!p0 $0x3  }
0x22: {  	_ =	swait.ge @!p0 [sflag:s14], $0x4F00  }
0x23: {  	s16 =	sadd.s32 $0x1, s12;
	s13 =	smov.u32 s11;
	[sflag:s14] =	ssyncset.done @!p0 $0x0  }
0x24: {  	s12 =	smov.u32 s16;
	s11 =	smov.u32 s15;
	[sflag:s14] =	ssyncadd.s32 @!p0 $0xFFFFB100  }
.LBB2_1:
0x25: {  	p0 =	sge.u32 s12, s7  }
0x26: {  	s14 =	sxor.u32 @!p0 $0x1, s12  }
0x27: {  	s14 =	smul.u32 @!p0 $0x13C00, s14  }
0x28: {  	s31 =	sadd.s32 $0xFFFFFFFF, s12;
	s15 =	sshrl.u32 @!p0 s11, $0x3  }
0x29: {  	s16 =	sand.u32 @!p0 $0x7, s11;
	s15 =	sadd.s32 @!p0 s3, s15;
	s14 =	sshra.s32 @!p0 s14, $0x2  }
0x2a: {  	[tilespmem:s14], [sflag:$0x2] =	stream.linear.gather @!p0 [hbm4b:s15+s16], $0x4F00, $0x38;
	[tilespmem:$0x13C00] =	vst v63  }
0x2b: {  	p0 =	sge.u32 s31, s7  }
.Ltmp2:
0x2c: {  	_ = 	snop;
	(pc) =	sbr.rel @p0 .LBB2_5-.Ltmp2, $1  }
0x2d: {  	_ =	sdelay $0x3  }
0x2e: {  	s14 =	sand.u32 $0x1, s12  }
0x2f: {  	_ =	swait.ge [sflag:s6], $0x4F00;
	p0 =	seq.s32 s14, $0x1;
	s14 =	simm.s32 $0x4F00  }
0x30: {  	[sflag:s6] =	ssyncset.done $0x0;
	s14 =	simm.s32 @!p0 $0x0  }
0x31: {  	[sflag:s6] =	ssyncadd.s32 $0xFFFFB100;
	(ifvalue) =	ssetifvalue $0x7FFFFFFF;
	v0 =	vld.msk [tilespmem:s14+$0x0 ss:$0x1], $0xffff;
	_ =	sdelay $0x4  }
0x32: {  	s15 =	sadd.s32 $0x10, s14;
	vm1 =	veq.s32 v0, $0x80000000;
	v1 =	vshrl.u32 v0, $0x1;
	v2 =	vshrl.u32 v0, $0xC  }
0x33: {  	v3 =	vld.msk [tilespmem:s15+$0x0 ss:$0x1], $0xffff;
	v0 =	vshll.u32 v0, $0x13;
	v1 =	vand.u32 $0x7FF, v1;
	v2 =	vand.u32 $0xFF, v2  }
0x34: {  	v0 =	vand.u32 $0x80000, v0;
	v1 =	vsel vm1, $0xFFFFFFFF, v1;
	v2 =	vsel vm1, $0xFFFFFFFF, v2  }
0x35: {  	v0 =	vsel vm1, $0xFFF80000, v0;
	v4 =	vand.u32 $0x7F, v2;
	v5 =	vshll.u32 v1, $0x8  }
0x36: {  	v2 =	vshll.u32 v2, $0x3;
	v5 =	vand.u32 $0xFFFFF800, v5;
	v0 =	vor.u32 v0, v4  }
0x37: {  	v1 =	vshll.u32 v1, $0x7;
	v2 =	vand.u32 $0xFFFFFC00, v2;
	v0 =	vadd.s32 v5, v0  }
0x38: {  	v62 =	vshrl.u32 v3, $0xC;
	v1 =	vand.u32 $0x380, v1;
	v0 =	vadd.s32 v2, v0  }
0x39: {  	s15 =	sadd.s32 $0x10, s15;
	vm1 =	veq.s32 v3, $0x80000000;
	v2 =	vshrl.u32 v3, $0x1;
	v1 =	vor.u32 v1, v0  }
0x3a: {  	v4 =	vand.u32 $0xFF, v62;
	v3 =	vshll.u32 v3, $0x13;
	v0 =	vld.msk [tilespmem:s15+$0x0 ss:$0x1], $0xffff;
	v2 =	vand.u32 $0x7FF, v2  }
0x3b: {  	v4 =	vsel vm1, $0xFFFFFFFF, v4;
	v3 =	vand.u32 $0x80000, v3;
	v2 =	vsel vm1, $0xFFFFFFFF, v2  }
0x3c: {  	v63 =	vand.u32 $0x7F, v4;
	v3 =	vsel vm1, $0xFFF80000, v3;
	v6 =	vshll.u32 v2, $0x8  }
0x3d: {  	s14 =	sadd.s32 $0x9E00, s14;
	v4 =	vshll.u32 v4, $0x3;
	(ifvalue) =	ssetifvalue $0x7FFFFFFF;
	v3 =	vor.u32 v3, v63;
	v6 =	vand.u32 $0xFFFFF800, v6  }
0x3e: {  	v4 =	vand.u32 $0xFFFFFC00, v4;
	[tilespmem:s14], [sflag:$0x1] =	stream.indirect_vreg.gather [hbm4b:s2+s10], $0x1, v1, vm0, $0x4038;
	v1 =	vshll.u32 v2, $0x7;
	v2 =	vadd.s32 v6, v3;
	[tilespmem:$0x13C00] =	vst v63  }
0x3f: {  	s16 =	simm.s32 $0x20;
	s17 =	sadd.s32 $0x10, s15;
	s15 =	smov.u32 s14;
	vm1 =	veq.s32 v0, $0x80000000;
	v1 =	vand.u32 $0x380, v1;
	v2 =	vadd.s32 v4, v2  }
.LBB2_3:
0x40: {  	v3 =	vld.msk [tilespmem:s17+$0x0 ss:$0x1], $0xffff;
	v4 =	vshrl.u32 v0, $0x1;
	v5 =	vshrl.u32 v0, $0xC;
	v1 =	vor.u32 v1, v2;
	s16 =	sadd.s32 $0x10, s16  }
0x41: {  	v0 =	vshll.u32 v0, $0x13;
	v2 =	vand.u32 $0x7FF, v4;
	v4 =	vand.u32 $0xFF, v5;
	p0 =	slt.u32 s16, $0x4EF0  }
.Ltmp3:
0x42: {  	v0 =	vand.u32 $0x80000, v0;
	v2 =	vsel vm1, $0xFFFFFFFF, v2;
	v4 =	vsel vm1, $0xFFFFFFFF, v4;
	(pc) =	sbr.rel @p0 .LBB2_3-.Ltmp3, $4  }
0x43: {  	v0 =	vsel vm1, $0xFFF80000, v0;
	v5 =	vand.u32 $0x7F, v4;
	v6 =	vshll.u32 v2, $0x8  }
0x44: {  	s15 =	sadd.s32 $0x10, s15;
	v4 =	vshll.u32 v4, $0x3;
	v6 =	vand.u32 $0xFFFFF800, v6;
	v7 =	vor.u32 v0, v5;
	(ifvalue) =	ssetifvalue $0x7FFFFFFF  }
0x45: {  	v2 =	vshll.u32 v2, $0x7;
	v4 =	vand.u32 $0xFFFFFC00, v4;
	v5 =	vadd.s32 v6, v7;
	[tilespmem:s15], [sflag:$0x1] =	stream.indirect_vreg.gather [hbm4b:s2+s10], $0x1, v1, vm0, $0x4038;
	[tilespmem:$0x13C00] =	vst v63  }
0x46: {  	s17 =	sadd.s32 $0x10, s17;
	vm1 =	veq.s32 v3, $0x80000000;
	v1 =	vand.u32 $0x380, v2;
	v0 =	vmovc v3;
	v2 =	vadd.s32 v4, v5  }
.Ltmp4:
0x47: {  	_ = 	snop;
	(pc) =	sbr.rel .LBB2_4-.Ltmp4, $1  }
0x48: {  	_ =	sdelay $0x3  }
.LBB2_6:
0x49: {  	_ =	sfence.sel $0x180000  }
0x4a: {  	s2 =	simm.s32 $0x2;
	[bflag:$0x0] =	sbarrier.arrive $0xFFFF  }
0x4b: {  	s30 =	simm.s32 $0x3;
	[sflag:s2] =	ssyncpa.u1 $0x1  }
0x4c: {  	s31 =	simm.s32 $0x1;
	[sflag:s30] =	ssyncpa.u1 $0x1  }
0x4d: {  	[sflag:s31] =	ssyncpa.u1 $0x1  }
0x4e: {  	p0 =	sne.s32 s1, $0x0;
	_ =	strace $0x90000065  }
0x4f: {  	s0 =	sadd.s32 @!p0 $0x100000, s0;
	[bflag:$0x2] =	sbarrier.arrive $0xFFFF  }
0x50: {  	[sflag:s0] =	ssyncadd.tile.s32 @!p0 $0x1;
	_ =	shalt  }
.Lfunc_end2:
_tile_overlayer_lowered:
.L_overlay_start_2:
0x51: {  	(tag) =	ssettag $0x2  }
0x52: {  	s0 =	rddreg [dreg:$0x0];
	s2 =	stileid.u32  }
0x53: {  	s1 =	rddreg [dreg:$0x1];
	p0 =	sne.s32 s2, $0x0  }
0x54: {  	s3 =	rddreg [dreg:$0x2];
	[bflag:$0x3] =	sbarrier.arrive $0xFFFF;
	s2 =	simm.s32 @!p0 $0x1C01  }
0x55: {  	[timem:s3], [sflag:s2] =	dma.local @!p0 [hbm:s0], s1  }
0x56: {  	s0 =	simm.s32 @!p0 $0x1  }
0x57: {  	_ =	swait.ge @!p0 [sflag:s0], s1  }
0x58: {  	s1 =	ssub.s32 @!p0 $0x0, s1;
	[sflag:s0] =	ssyncset.done @!p0 $0x0  }
0x59: {  	[sflag:s0] =	ssyncadd.s32 @!p0 s1  }
0x5a: {  	[bflag:$0x3] =	sbarrier.arrive $0xFFFF  }
0x5b: {  	_ =	shalt  }

// kernel: gather_offload_async_start.1
scs
__scs_entry_jumppad:
0x0: {  	(pc) =	sbr.rel $0x88, $3  }
0x1: {  	(tag) =	ssettag $0x0;
	lr =	simm.s32 $0x1  }
0x2: {  	[smem:$0x3F97] =	sst lr;
	_ =	strace $0xD0000000  }
0x3: {  	_ = 	snop  }
0x4: {  	_ = 	snop  }
0x5: {  	_ = 	snop  }
0x6: {  	_ = 	snop  }
0x7: {  	_ = 	snop  }
__scs_overlays_trampoline_lowered:
0x8: {  	[smem:$0x3FA6] =	sst s0  }
0x9: {  	[smem:$0x3FA7] =	sst s1  }
0xa: {  	[smem:$0x3FA8] =	sst s2  }
0xb: {  	[smem:$0x3FA9] =	sst s3  }
0xc: {  	[smem:$0x3FAA] =	sst s4  }
0xd: {  	[smem:$0x3FAB] =	sst s5  }
0xe: {  	[smem:$0x3FAC] =	sst s6  }
0xf: {  	[smem:$0x3FAD] =	sst s7  }
0x10: {  	[smem:$0x3FAE] =	sst s8  }
0x11: {  	[smem:$0x3FAF] =	sst s9;
	s0 =	simm.s32 @!p0 $0x0  }
0x12: {  	s1 =	sld [smem:$0x3F95];
	s0 =	simm.s32 @p0 $0x1  }
0x13: {  	[smem:$0x3FB0] =	sst s0;
	s0 =	simm.s32 @!p1 $0x0  }
0x14: {  	s2 =	sld [smem:$0x3F94];
	s0 =	simm.s32 @p1 $0x1  }
0x15: {  	[smem:$0x3FB1] =	sst s0;
	s0 =	simm.s32 @!p2 $0x0  }
0x16: {  	s3 =	sld [smem:$0x3FDB];
	s0 =	simm.s32 @p2 $0x1  }
0x17: {  	s4 =	simm.s32 $0x1BF5;
	[smem:$0x3FB3] =	sst s0  }
0x18: {  	s0 =	sld [smem:$0x3F96];
	_ =	swait.ge [sflag:s4], $0x0  }
0x19: {  	s7 =	sld [smem:$0x3F97]  }
0x1a: {  	s8 =	sadd.s32 $0xFFFFE003, lr  }
0x1b: {  	s9 =	sadd.s32 $0xFFFFFEF7, lr;
	s5 =	simm.s32 $0xFFFFFFFF;
	p2 =	slt.u32 s8, $0xFFFFF086  }
0x1c: {  	p1 =	slt.u32 s9, $0xF7A;
	s5 =	simm.s32 @!p2 $0x0  }
0x1d: {  	s5 =	simm.s32 @p1 $0x1;
	p0 =	seq.s32 s7, s2  }
0x1e: {  	s7 =	smul.u32 @!p0 $0xF7A, s2;
	p2 =	seq.s32 @!p0 s5, $0x0  }
0x1f: {  	s9 =	smul.u32 $0xF7A, s1;
	s8 =	simm.s32 @!p0 $0x1BF5;
	p2 =	por !p2, p0  }
0x20: {  	[sflag:s8] =	ssyncset.s32 @!p0 $0xFFFFF086;
	s6 =	sadd.s32 @!p0 s3, s7;
	s7 =	simm.s32 @!p0 $0x108  }
0x21: {  	s3 =	sadd.s32 s3, s9;
	s6 =	sadd.s32 @!p0 $0x88, s6;
	s7 =	simm.s32 @p2 $0x1082  }
0x22: {  	[simem:s7], [sflag:s8] =	dma.local @!p0 [hbm:s6], $0xF7A  }
0x23: {  	s9 =	sor.u32 $0xD0000000, s2;
	s6 =	simm.s32 $0x108;
	_ =	swait.ge @!p0 [sflag:s8], $0x0  }
0x24: {  	s3 =	sadd.s32 $0x88, s3;
	s6 =	simm.s32 @!p1 $0x1082;
	[sflag:s4] =	ssyncset.s32 $0xFFFFF086  }
0x25: {  	[simem:s6], [sflag:s4] =	dma.local [hbm:s3], $0xF7A  }
0x26: {  	[smem:$0x3F97] =	sst s1;
	(tag) =	ssettag s2;
	_ =	strace s9  }
0x27: {  	s1 =	sld [smem:$0x3FA7]  }
0x28: {  	s2 =	sld [smem:$0x3FA8]  }
0x29: {  	s4 =	sld [smem:$0x3FAA]  }
0x2a: {  	p0 =	seq.s32 s5, $0x0;
	s5 =	sld [smem:$0x3FAB]  }
0x2b: {  	s6 =	sld [smem:$0x3FAC]  }
0x2c: {  	s7 =	sld [smem:$0x3FAD]  }
0x2d: {  	s3 =	simm.s32 $0x108;
	s8 =	sld [smem:$0x3FAE]  }
0x2e: {  	s3 =	simm.s32 @!p0 $0x1082;
	s9 =	sld [smem:$0x3FAF]  }
0x2f: {  	lr =	sadd.s32 s0, s3;
	s0 =	sld [smem:$0x3FA6]  }
0x30: {  	s3 =	sld [smem:$0x3FA9]  }
0x31: {  	[smem:$0x3FB2] =	sst s10  }
0x32: {  	s10 =	sld [smem:$0x3FB0];
	_ =	sdelay $0x3  }
0x33: {  	p0 =	seq.s32 s10, $0x1;
	s10 =	sld [smem:$0x3FB2];
	_ =	sdelay $0x3  }
0x34: {  	[smem:$0x3FB2] =	sst s10  }
0x35: {  	s10 =	sld [smem:$0x3FB1];
	_ =	sdelay $0x3  }
0x36: {  	p1 =	seq.s32 s10, $0x1;
	s10 =	sld [smem:$0x3FB2];
	_ =	sdelay $0x3  }
0x37: {  	[smem:$0x3FB2] =	sst s10  }
0x38: {  	s10 =	sld [smem:$0x3FB3]  }
0x39: {  	_ = 	snop;
	(pc) =	sbr.ind lr, $3  }
0x3a: {  	_ = 	snop  }
0x3b: {  	_ = 	snop  }
0x3c: {  	p2 =	seq.s32 s10, $0x1;
	s10 =	sld [smem:$0x3FB2]  }
0x3d: {  	_ =	shalt  }
0x3e: {  	_ =	shalt  }
0x3f: {  	_ =	shalt  }
0x40: {  	_ =	shalt  }
0x41: {  	_ =	shalt  }
0x42: {  	_ =	shalt  }
0x43: {  	_ =	shalt  }
0x44: {  	_ =	shalt  }
0x45: {  	_ =	shalt  }
0x46: {  	_ =	shalt  }
0x47: {  	_ =	shalt  }
0x48: {  	_ =	shalt  }
0x49: {  	_ =	shalt  }
0x4a: {  	_ =	shalt  }
0x4b: {  	_ =	shalt  }
0x4c: {  	_ =	shalt  }
0x4d: {  	_ =	shalt  }
0x4e: {  	_ =	shalt  }
0x4f: {  	_ =	shalt  }
0x50: {  	_ =	shalt  }
0x51: {  	_ =	shalt  }
0x52: {  	_ =	shalt  }
0x53: {  	_ =	shalt  }
0x54: {  	_ =	shalt  }
0x55: {  	_ =	shalt  }
0x56: {  	_ =	shalt  }
0x57: {  	_ =	shalt  }
0x58: {  	_ =	shalt  }
0x59: {  	_ =	shalt  }
0x5a: {  	_ =	shalt  }
0x5b: {  	_ =	shalt  }
0x5c: {  	_ =	shalt  }
0x5d: {  	_ =	shalt  }
0x5e: {  	_ =	shalt  }
0x5f: {  	_ =	shalt  }
0x60: {  	_ =	shalt  }
0x61: {  	_ =	shalt  }
0x62: {  	_ =	shalt  }
0x63: {  	_ =	shalt  }
0x64: {  	_ =	shalt  }
0x65: {  	_ =	shalt  }
0x66: {  	_ =	shalt  }
0x67: {  	_ =	shalt  }
0x68: {  	_ =	shalt  }
0x69: {  	_ =	shalt  }
0x6a: {  	_ =	shalt  }
0x6b: {  	_ =	shalt  }
0x6c: {  	_ =	shalt  }
0x6d: {  	_ =	shalt  }
0x6e: {  	_ =	shalt  }
0x6f: {  	_ =	shalt  }
0x70: {  	_ =	shalt  }
0x71: {  	_ =	shalt  }
0x72: {  	_ =	shalt  }
0x73: {  	_ =	shalt  }
0x74: {  	_ =	shalt  }
0x75: {  	_ =	shalt  }
0x76: {  	_ =	shalt  }
0x77: {  	_ =	shalt  }
0x78: {  	_ =	shalt  }
0x79: {  	_ =	shalt  }
0x7a: {  	_ =	shalt  }
0x7b: {  	_ =	shalt  }
0x7c: {  	_ =	shalt  }
0x7d: {  	_ =	shalt  }
0x7e: {  	_ =	shalt  }
0x7f: {  	_ =	shalt  }
0x80: {  	_ =	shalt  }
0x81: {  	_ =	shalt  }
0x82: {  	_ =	shalt  }
0x83: {  	_ =	shalt  }
0x84: {  	_ =	shalt  }
0x85: {  	_ =	shalt  }
0x86: {  	_ =	shalt  }
0x87: {  	_ =	shalt  }
.Lfunc_end0:
.L_simem_size_0:
called_computation.1_lowered:
.L_overlay_start_0:
0x88: {  	s2 =	sld [smem:$0x3FD9]  }
0x89: {  	s3 =	sld [smem:$0x3FFE];
	_ =	sdelay $0x1  }
0x8a: {  	s1 =	srdreg.scid  }
0x8b: {  	s0 =	sand.u32 $0x1, s1  }
0x8c: {  	s16 =	sshll.u32 s0, $0xA;
	s2 =	sadd.s32 s3, s2  }
0x8d: {  	s2 =	sadd.s32 s2, s16  }
0x8e: {  	[smem:$0x3FBE] =	sst s2  }
0x8f: {  	_ = 	snop  }
0x90: {  	(tm) =	ssettm $0x1  }
0x91: {  	s17 =	sld [smem:$0x3FFB];
	_ =	sdelay $0x3  }
0x92: {  	_ =	strace s17  }
0x93: {  	s2 =	sld [smem:$0x3FFC];
	_ =	sdelay $0x3  }
0x94: {  	_ =	strace s2  }
0x95: {  	s2 =	sld [smem:$0x3FFD];
	_ =	sdelay $0x3  }
0x96: {  	_ =	strace s2  }
0x97: {  	_ =	strace $0x8FFFFFFF  }
0x98: {  	s18 =	sld [smem:$0x3FDB];
	_ =	sdelay $0x1  }
0x99: {  	s19 =	simm.s32 $_scs_section_size  }
0x9a: {  	s4 =	simm.s32 $_size__tile_overlayer_lowered;
	s5 =	simm.s32 $_tile_overlayer_lowered  }
0x9b: {  	s22 =	simm.s32 $0x1BFF;
	s21 =	sshll.u32 s5, $0x1;
	s2 =	sadd.s32 s19, s18  }
0x9c: {  	s6 =	simm.s32 $0x0;
	s20 =	sshll.u32 s4, $0x1;
	s4 =	sadd.s32 s21, s2  }
0x9d: {  	[timem:s6], [sflag:s22] =	dma.local [hbm:s4], s20  }
0x9e: {  	_ =	swait.ge [sflag:s22], s20  }
0x9f: {  	s3 =	ssub.s32 $0x0, s20;
	[sflag:s22] =	ssyncset.done $0x0  }
0xa0: {  	[sflag:s22] =	ssyncadd.s32 s3;
	_ =	sdelay $0x1  }
0xa1: {  	s23 =	simm.s32 $0x1B8B  }
0xa2: {  	_ =	swait.ge [sflag:s23], $0x1  }
0xa3: {  	[sflag:s23] =	ssyncset.done $0x0  }
0xa4: {  	s25 =	simm.s32 $0x1B8E;
	s24 =	sld [smem:$0x3FFE];
	[sflag:s23] =	ssyncadd.s32 $0xFFFFFFFF  }
0xa5: {  	s26 =	simm.s32 $execute0_lowered;
	[smem:$0x3FD2] =	sst s25  }
0xa6: {  	s4 =	sshll.u32 s26, $0x1;
	_ =	strace $0x8000004F;
	[dreg:$0x1] =	wrdreg $0xFFFFFFFF  }
0xa7: {  	s28 =	simm.s32 $_size_execute0_lowered;
	s2 =	sadd.s32 s2, s4;
	[dreg:$0x0] =	wrdreg $0x0  }
0xa8: {  	s4 =	sshll.u32 s28, $0x1;
	[dreg:$0x2] =	wrdreg s2  }
0xa9: {  	[dreg:$0x3] =	wrdreg s4  }
0xaa: {  	[dreg:$0x4] =	wrdreg $0xC0  }
0xab: {  	_ =	task [dreg:s6], $0x5FFFF  }
0xac: {  	[dreg:$0x1] =	wrdreg $0xFFFFFFFF  }
0xad: {  	[dreg:$0x0] =	wrdreg $0x60  }
0xae: {  	[dreg:$0x2] =	wrdreg s24  }
0xaf: {  	[dreg:$0x3] =	wrdreg $0x9  }
0xb0: {  	_ =	task.clear_ibuf [dreg:s6], $0x4FFFF;
	_ =	strace $0x9000004F  }
0xb1: {  	s29 =	simm.s32 $0x9;
	_ =	strace $0x80000051  }
0xb2: {  	_ =	swait.ge [sflag:s29], $0x1  }
0xb3: {  	[sflag:s29] =	ssyncadd.s32 $0xFFFFFFFF  }
0xb4: {  	_ =	strace $0x90000051  }
0xb5: {  	_ =	sfence  }
0xb6: {  	s30 =	sld [smem:$0x0];
	_ =	sdelay $0x2  }
0xb7: {  	s31 =	sshll.u32 s1, $0xD;
	s1 =	sshrl.u32 s1, $0x2  }
0xb8: {  	s3 =	sand.u32 $0x4000, s31;
	s1 =	sadd.s32 s1, s30  }
0xb9: {  	s0 =	sor.u32 s3, s0;
	s1 =	sshll.u32 s1, $0x11  }
0xba: {  	s0 =	sor.u32 s1, s0  }
0xbb: {  	s0 =	sadd.s32 $0x8F2B, s0  }
0xbc: {  	[sflag:s0] =	ssyncadd.remote.s32 $0x1  }
0xbd: {  	_ =	sfence.sel $0xFFFF  }
0xbe: {  	[dreg:$0x0] =	wrdreg $0xFFFFFFFF;
	(pc) =	sbr.abs _section_cstart, $3  }
0xbf: {  	[dreg:$0x1] =	wrdreg $0xFFFFFFFF  }
0xc0: {  	_ =	task.clear_ibuf [dreg:s6], $0x2FFFF;
	_ =	strace $0x9FFFFFFF  }
0xc1: {  	(tm) =	ssettm $0x7FFFFFFF  }
tec
execute0_lowered:
.L_overlay_start_1:
0x0: {  	(tag) =	ssettag $0x1  }
0x1: {  	s8 =	rddreg [dreg:$0x0]  }
0x2: {  	s0 =	rddreg [dreg:$0x1];
	_ =	strace $0x80000050;
	s1 =	stileid.u32  }
0x3: {  	s3 =	srdreg.scid;
	s4 =	simm.s32 $0x1;
	s7 =	simm.s32 $0x1  }
0x4: {  	s9 =	simm.s32 $0x1;
	s10 =	simm.s32 $0x3;
	s13 =	simm.s32 $0x0  }
0x5: {  	s12 =	simm.s32 $0x0;
	s5 =	sand.u32 $0x1, s3;
	s6 =	sshll.u32 s1, $0x1  }
0x6: {  	s2 =	sadd.s32 $0x144A00, s8;
	s3 =	sadd.s32 $0x25F800, s8;
	s5 =	sor.u32 s6, s5  }
.Ltmp0:
0x7: {  	[sflag:s4] =	ssyncpa.u1 $0x0;
	p0 =	slt.u32 s5, $0x11;
	(pc) =	sbr.rel .LBB2_1-.Ltmp0, $4  }
0x8: {  	s6 =	simm.s32 $0x2;
	s7 =	simm.s32 @!p0 $0x0;
	p0 =	sne.s32 s5, $0x10  }
0x9: {  	[sflag:s6] =	ssyncpa.u1 $0x0;
	s5 =	smul.u32 $0x3D00, s5;
	s9 =	simm.s32 @!p0 $0x0  }
0xa: {  	s8 =	sadd.s32 $0x228A00, s8;
	[sflag:s10] =	ssyncpa.u1 $0x0;
	s7 =	sadd.s32 s9, s7  }
0xb: {  	vm0 =	vmmov $0xffff;
	s10 =	simm.s32 $0x0;
	s11 =	smov.u32 s5;
	s9 =	sadd.s32 $0x1, s7  }
.LBB2_4:
0xc: {  	v2 =	vand.u32 $0x1, v2;
	v3 =	vshrl.u32 v0, $0xC;
	v63 =	vshll.u32 v0, $0x9  }
0xd: {  	v2 =	vsel vm1, $0xFFFFFFFF, v2;
	v3 =	vand.u32 $0xFF, v3;
	v0 =	vand.u32 $0xFFE00, v63  }
0xe: {  	v3 =	vsel vm1, $0xFFFFFFFF, v3;
	v0 =	vsel vm1, $0xFFFFFE00, v0;
	v4 =	vand.u32 $0xFFFFFE00, v2  }
0xf: {  	v5 =	vand.u32 $0x7F, v3;
	v0 =	vadd.s32 v0, v4;
	v3 =	vshll.u32 v3, $0x1  }
0x10: {  	v2 =	vshll.u32 v2, $0x7;
	v3 =	vand.u32 $0xFFFFFF00, v3;
	v0 =	vor.u32 v5, v0  }
0x11: {  	v2 =	vand.u32 $0x80, v2;
	v0 =	vadd.s32 v3, v0  }
0x12: {  	v0 =	vor.u32 v2, v0;
	_ =	sdelay $0x1  }
0x13: {  	(ifvalue) =	ssetifvalue $0x7FFFFFFF;
	s15 =	sadd.s32 $0x10, s15  }
0x14: {  	[tilespmem:s15], [sflag:$0x1] =	stream.indirect_vreg.gather [hbm4b:s2+s10], $0x1, v1, vm0, $0x4038;
	[tilespmem:$0xF400] =	vst v63  }
0x15: {  	(ifvalue) =	ssetifvalue $0x7FFFFFFF;
	s15 =	sadd.s32 $0x10, s15  }
0x16: {  	[tilespmem:s15], [sflag:$0x1] =	stream.indirect_vreg.gather [hbm4b:s2+s10], $0x1, v0, vm0, $0x4038;
	[tilespmem:$0xF400] =	vst v63  }
0x17: {  	_ =	swait.ge [sflag:s4], $0x3D00  }
0x18: {  	s30 =	sshrl.u32 s13, $0x3;
	[sflag:s4] =	ssyncset.done $0x0  }
0x19: {  	s31 =	sand.u32 $0x7, s13;
	s15 =	sadd.s32 s8, s30;
	[sflag:s4] =	ssyncadd.s32 $0xFFFFC300  }
0x1a: {  	[hbm4b:s15+s31] =	stream.linear.scatter [tilespmem:s14], [sflag:$0x3], $0x3D00, $0x38;
	[tilespmem:$0xF400] =	vst v63  }
.LBB2_5:
0x1b: {  	s15 =	sadd.s32 $0x7A000, s11  }
0x1c: {  	p1 =	sgt.s32 s15, $0xB6FFF  }
0x1d: {  	s15 =	smov.u32 @p1 s5;
	p1 =	sne.s32 s12, s9  }
.Ltmp1:
0x1e: {  	p0 =	slt.u32 s12, $0x2;
	(pc) =	sbr.rel @!p1 .LBB2_6-.Ltmp1, $4  }
0x1f: {  	s14 =	simm.s32 @!p0 $0x3  }
0x20: {  	_ =	swait.ge @!p0 [sflag:s14], $0x3D00  }
0x21: {  	s16 =	sadd.s32 $0x1, s12;
	s13 =	smov.u32 s11;
	[sflag:s14] =	ssyncset.done @!p0 $0x0  }
0x22: {  	s12 =	smov.u32 s16;
	s11 =	smov.u32 s15;
	[sflag:s14] =	ssyncadd.s32 @!p0 $0xFFFFC300  }
.LBB2_1:
0x23: {  	p0 =	sge.u32 s12, s7  }
0x24: {  	s14 =	sxor.u32 @!p0 $0x1, s12  }
0x25: {  	s14 =	smul.u32 @!p0 $0xF400, s14  }
0x26: {  	s31 =	sadd.s32 $0xFFFFFFFF, s12;
	s15 =	sshrl.u32 @!p0 s11, $0x3  }
0x27: {  	s16 =	sand.u32 @!p0 $0x7, s11;
	s15 =	sadd.s32 @!p0 s3, s15;
	s14 =	sshra.s32 @!p0 s14, $0x2  }
0x28: {  	[tilespmem:s14], [sflag:$0x2] =	stream.linear.gather @!p0 [hbm4b:s15+s16], $0x3D00, $0x38;
	[tilespmem:$0xF400] =	vst v63  }
0x29: {  	p0 =	sge.u32 s31, s7  }
.Ltmp2:
0x2a: {  	_ = 	snop;
	(pc) =	sbr.rel @p0 .LBB2_5-.Ltmp2, $1  }
0x2b: {  	_ =	sdelay $0x3  }
0x2c: {  	s14 =	sand.u32 $0x1, s12  }
0x2d: {  	_ =	swait.ge [sflag:s6], $0x3D00;
	p0 =	seq.s32 s14, $0x1;
	s14 =	simm.s32 $0x3D00  }
0x2e: {  	[sflag:s6] =	ssyncset.done $0x0;
	s14 =	simm.s32 @!p0 $0x0  }
0x2f: {  	[sflag:s6] =	ssyncadd.s32 $0xFFFFC300;
	(ifvalue) =	ssetifvalue $0x7FFFFFFF;
	v0 =	vld.msk [tilespmem:s14+$0x0 ss:$0x1], $0xffff;
	_ =	sdelay $0x1  }
0x30: {  	s15 =	sadd.s32 $0x10, s14  }
0x31: {  	v3 =	vld.msk [tilespmem:s15+$0x0 ss:$0x1], $0xffff;
	_ =	sdelay $0x1  }
0x32: {  	vm1 =	veq.s32 v0, $0x80000000  }
0x33: {  	v1 =	vshrl.u32 v0, $0xB;
	v2 =	vshrl.u32 v0, $0xC;
	v0 =	vshll.u32 v0, $0x9  }
0x34: {  	v1 =	vand.u32 $0x1, v1;
	v2 =	vand.u32 $0xFF, v2;
	v0 =	vand.u32 $0xFFE00, v0  }
0x35: {  	v62 =	vshrl.u32 v3, $0xC;
	v1 =	vsel vm1, $0xFFFFFFFF, v1;
	v2 =	vsel vm1, $0xFFFFFFFF, v2  }
0x36: {  	v0 =	vsel vm1, $0xFFFFFE00, v0;
	vm1 =	veq.s32 v3, $0x80000000;
	v4 =	vand.u32 $0xFFFFFE00, v1  }
0x37: {  	v5 =	vand.u32 $0x7F, v2;
	v2 =	vshll.u32 v2, $0x1;
	v0 =	vadd.s32 v0, v4  }
0x38: {  	v1 =	vshll.u32 v1, $0x7;
	v2 =	vand.u32 $0xFFFFFF00, v2;
	v0 =	vor.u32 v5, v0  }
0x39: {  	v1 =	vand.u32 $0x80, v1;
	v0 =	vadd.s32 v2, v0;
	v2 =	vshrl.u32 v3, $0xB  }
0x3a: {  	s15 =	sadd.s32 $0x10, s15;
	v3 =	vshll.u32 v3, $0x9;
	v1 =	vor.u32 v1, v0;
	v2 =	vand.u32 $0x1, v2  }
0x3b: {  	v4 =	vand.u32 $0xFF, v62;
	v0 =	vld.msk [tilespmem:s15+$0x0 ss:$0x1], $0xffff;
	v3 =	vand.u32 $0xFFE00, v3;
	v2 =	vsel vm1, $0xFFFFFFFF, v2  }
0x3c: {  	v4 =	vsel vm1, $0xFFFFFFFF, v4;
	v3 =	vsel vm1, $0xFFFFFE00, v3;
	v63 =	vand.u32 $0xFFFFFE00, v2  }
0x3d: {  	v6 =	vand.u32 $0x7F, v4;
	v4 =	vshll.u32 v4, $0x1;
	v3 =	vadd.s32 v3, v63  }
0x3e: {  	s14 =	sadd.s32 $0x7A00, s14;
	(ifvalue) =	ssetifvalue $0x7FFFFFFF;
	v4 =	vand.u32 $0xFFFFFF00, v4;
	v2 =	vshll.u32 v2, $0x7;
	v3 =	vor.u32 v6, v3  }
0x3f: {  	[tilespmem:s14], [sflag:$0x1] =	stream.indirect_vreg.gather [hbm4b:s2+s10], $0x1, v1, vm0, $0x4038;
	v1 =	vand.u32 $0x80, v2;
	v3 =	vadd.s32 v4, v3;
	[tilespmem:$0xF400] =	vst v63  }
0x40: {  	s16 =	simm.s32 $0x20;
	s17 =	sadd.s32 $0x10, s15;
	s15 =	smov.u32 s14;
	vm1 =	veq.s32 v0, $0x80000000;
	v2 =	vshrl.u32 v0, $0xB;
	v1 =	vor.u32 v1, v3  }
.LBB2_3:
0x41: {  	s16 =	sadd.s32 $0x10, s16;
	v2 =	vand.u32 $0x1, v2;
	v3 =	vshrl.u32 v0, $0xC;
	v4 =	vshll.u32 v0, $0x9;
	v0 =	vld.msk [tilespmem:s17+$0x0 ss:$0x1], $0xffff  }
0x42: {  	p0 =	slt.u32 s16, $0x3CF0;
	v2 =	vsel vm1, $0xFFFFFFFF, v2;
	v3 =	vand.u32 $0xFF, v3;
	v4 =	vand.u32 $0xFFE00, v4  }
.Ltmp3:
0x43: {  	v3 =	vsel vm1, $0xFFFFFFFF, v3;
	v4 =	vsel vm1, $0xFFFFFE00, v4;
	v5 =	vand.u32 $0xFFFFFE00, v2;
	(pc) =	sbr.rel @p0 .LBB2_3-.Ltmp3, $4  }
0x44: {  	s15 =	sadd.s32 $0x10, s15;
	v6 =	vand.u32 $0x7F, v3;
	v4 =	vadd.s32 v4, v5;
	v3 =	vshll.u32 v3, $0x1;
	(ifvalue) =	ssetifvalue $0x7FFFFFFF  }
0x45: {  	v2 =	vshll.u32 v2, $0x7;
	v3 =	vand.u32 $0xFFFFFF00, v3;
	v4 =	vor.u32 v6, v4;
	[tilespmem:s15], [sflag:$0x1] =	stream.indirect_vreg.gather [hbm4b:s2+s10], $0x1, v1, vm0, $0x4038;
	[tilespmem:$0xF400] =	vst v63  }
0x46: {  	v1 =	vand.u32 $0x80, v2;
	v3 =	vadd.s32 v3, v4  }
0x47: {  	s17 =	sadd.s32 $0x10, s17;
	vm1 =	veq.s32 v0, $0x80000000;
	v2 =	vshrl.u32 v0, $0xB;
	v1 =	vor.u32 v1, v3  }
.Ltmp4:
0x48: {  	_ = 	snop;
	(pc) =	sbr.rel .LBB2_4-.Ltmp4, $1  }
0x49: {  	_ =	sdelay $0x3  }
.LBB2_6:
0x4a: {  	_ =	sfence.sel $0x180000  }
0x4b: {  	s2 =	simm.s32 $0x2;
	[bflag:$0x0] =	sbarrier.arrive $0xFFFF  }
0x4c: {  	s30 =	simm.s32 $0x3;
	[sflag:s2] =	ssyncpa.u1 $0x1  }
0x4d: {  	s31 =	simm.s32 $0x1;
	[sflag:s30] =	ssyncpa.u1 $0x1  }
0x4e: {  	[sflag:s31] =	ssyncpa.u1 $0x1  }
0x4f: {  	p0 =	sne.s32 s1, $0x0;
	_ =	strace $0x90000050  }
0x50: {  	s0 =	sadd.s32 @!p0 $0x100000, s0;
	[bflag:$0x2] =	sbarrier.arrive $0xFFFF  }
0x51: {  	[sflag:s0] =	ssyncadd.tile.s32 @!p0 $0x1;
	_ =	shalt  }
.Lfunc_end2:
_tile_overlayer_lowered:
.L_overlay_start_2:
0x52: {  	(tag) =	ssettag $0x2  }
0x53: {  	s0 =	rddreg [dreg:$0x0];
	s2 =	stileid.u32  }
0x54: {  	s1 =	rddreg [dreg:$0x1];
	p0 =	sne.s32 s2, $0x0  }
0x55: {  	s3 =	rddreg [dreg:$0x2];
	[bflag:$0x3] =	sbarrier.arrive $0xFFFF;
	s2 =	simm.s32 @!p0 $0x1C01  }
0x56: {  	[timem:s3], [sflag:s2] =	dma.local @!p0 [hbm:s0], s1  }
0x57: {  	s0 =	simm.s32 @!p0 $0x1  }
0x58: {  	_ =	swait.ge @!p0 [sflag:s0], s1  }
0x59: {  	s1 =	ssub.s32 @!p0 $0x0, s1;
	[sflag:s0] =	ssyncset.done @!p0 $0x0  }
0x5a: {  	[sflag:s0] =	ssyncadd.s32 @!p0 s1  }
0x5b: {  	[bflag:$0x3] =	sbarrier.arrive $0xFFFF  }
0x5c: {  	_ =	shalt  }

// kernel: gather_offload_async_start.2
scs
__scs_entry_jumppad:
0x0: {  	(pc) =	sbr.rel $0x88, $3  }
0x1: {  	(tag) =	ssettag $0x0;
	lr =	simm.s32 $0x1  }
0x2: {  	[smem:$0x3F97] =	sst lr;
	_ =	strace $0xD0000000  }
0x3: {  	_ = 	snop  }
0x4: {  	_ = 	snop  }
0x5: {  	_ = 	snop  }
0x6: {  	_ = 	snop  }
0x7: {  	_ = 	snop  }
__scs_overlays_trampoline_lowered:
0x8: {  	[smem:$0x3FA6] =	sst s0  }
0x9: {  	[smem:$0x3FA7] =	sst s1  }
0xa: {  	[smem:$0x3FA8] =	sst s2  }
0xb: {  	[smem:$0x3FA9] =	sst s3  }
0xc: {  	[smem:$0x3FAA] =	sst s4  }
0xd: {  	[smem:$0x3FAB] =	sst s5  }
0xe: {  	[smem:$0x3FAC] =	sst s6  }
0xf: {  	[smem:$0x3FAD] =	sst s7  }
0x10: {  	[smem:$0x3FAE] =	sst s8  }
0x11: {  	[smem:$0x3FAF] =	sst s9;
	s0 =	simm.s32 @!p0 $0x0  }
0x12: {  	s1 =	sld [smem:$0x3F95];
	s0 =	simm.s32 @p0 $0x1  }
0x13: {  	[smem:$0x3FB0] =	sst s0;
	s0 =	simm.s32 @!p1 $0x0  }
0x14: {  	s2 =	sld [smem:$0x3F94];
	s0 =	simm.s32 @p1 $0x1  }
0x15: {  	[smem:$0x3FB1] =	sst s0;
	s0 =	simm.s32 @!p2 $0x0  }
0x16: {  	s3 =	sld [smem:$0x3FDB];
	s0 =	simm.s32 @p2 $0x1  }
0x17: {  	s4 =	simm.s32 $0x1BF5;
	[smem:$0x3FB3] =	sst s0  }
0x18: {  	s0 =	sld [smem:$0x3F96];
	_ =	swait.ge [sflag:s4], $0x0  }
0x19: {  	s7 =	sld [smem:$0x3F97]  }
0x1a: {  	s8 =	sadd.s32 $0xFFFFE003, lr  }
0x1b: {  	s9 =	sadd.s32 $0xFFFFFEF7, lr;
	s5 =	simm.s32 $0xFFFFFFFF;
	p2 =	slt.u32 s8, $0xFFFFF086  }
0x1c: {  	p1 =	slt.u32 s9, $0xF7A;
	s5 =	simm.s32 @!p2 $0x0  }
0x1d: {  	s5 =	simm.s32 @p1 $0x1;
	p0 =	seq.s32 s7, s2  }
0x1e: {  	s7 =	smul.u32 @!p0 $0xF7A, s2;
	p2 =	seq.s32 @!p0 s5, $0x0  }
0x1f: {  	s9 =	smul.u32 $0xF7A, s1;
	s8 =	simm.s32 @!p0 $0x1BF5;
	p2 =	por !p2, p0  }
0x20: {  	[sflag:s8] =	ssyncset.s32 @!p0 $0xFFFFF086;
	s6 =	sadd.s32 @!p0 s3, s7;
	s7 =	simm.s32 @!p0 $0x108  }
0x21: {  	s3 =	sadd.s32 s3, s9;
	s6 =	sadd.s32 @!p0 $0x88, s6;
	s7 =	simm.s32 @p2 $0x1082  }
0x22: {  	[simem:s7], [sflag:s8] =	dma.local @!p0 [hbm:s6], $0xF7A  }
0x23: {  	s9 =	sor.u32 $0xD0000000, s2;
	s6 =	simm.s32 $0x108;
	_ =	swait.ge @!p0 [sflag:s8], $0x0  }
0x24: {  	s3 =	sadd.s32 $0x88, s3;
	s6 =	simm.s32 @!p1 $0x1082;
	[sflag:s4] =	ssyncset.s32 $0xFFFFF086  }
0x25: {  	[simem:s6], [sflag:s4] =	dma.local [hbm:s3], $0xF7A  }
0x26: {  	[smem:$0x3F97] =	sst s1;
	(tag) =	ssettag s2;
	_ =	strace s9  }
0x27: {  	s1 =	sld [smem:$0x3FA7]  }
0x28: {  	s2 =	sld [smem:$0x3FA8]  }
0x29: {  	s4 =	sld [smem:$0x3FAA]  }
0x2a: {  	p0 =	seq.s32 s5, $0x0;
	s5 =	sld [smem:$0x3FAB]  }
0x2b: {  	s6 =	sld [smem:$0x3FAC]  }
0x2c: {  	s7 =	sld [smem:$0x3FAD]  }
0x2d: {  	s3 =	simm.s32 $0x108;
	s8 =	sld [smem:$0x3FAE]  }
0x2e: {  	s3 =	simm.s32 @!p0 $0x1082;
	s9 =	sld [smem:$0x3FAF]  }
0x2f: {  	lr =	sadd.s32 s0, s3;
	s0 =	sld [smem:$0x3FA6]  }
0x30: {  	s3 =	sld [smem:$0x3FA9]  }
0x31: {  	[smem:$0x3FB2] =	sst s10  }
0x32: {  	s10 =	sld [smem:$0x3FB0];
	_ =	sdelay $0x3  }
0x33: {  	p0 =	seq.s32 s10, $0x1;
	s10 =	sld [smem:$0x3FB2];
	_ =	sdelay $0x3  }
0x34: {  	[smem:$0x3FB2] =	sst s10  }
0x35: {  	s10 =	sld [smem:$0x3FB1];
	_ =	sdelay $0x3  }
0x36: {  	p1 =	seq.s32 s10, $0x1;
	s10 =	sld [smem:$0x3FB2];
	_ =	sdelay $0x3  }
0x37: {  	[smem:$0x3FB2] =	sst s10  }
0x38: {  	s10 =	sld [smem:$0x3FB3]  }
0x39: {  	_ = 	snop;
	(pc) =	sbr.ind lr, $3  }
0x3a: {  	_ = 	snop  }
0x3b: {  	_ = 	snop  }
0x3c: {  	p2 =	seq.s32 s10, $0x1;
	s10 =	sld [smem:$0x3FB2]  }
0x3d: {  	_ =	shalt  }
0x3e: {  	_ =	shalt  }
0x3f: {  	_ =	shalt  }
0x40: {  	_ =	shalt  }
0x41: {  	_ =	shalt  }
0x42: {  	_ =	shalt  }
0x43: {  	_ =	shalt  }
0x44: {  	_ =	shalt  }
0x45: {  	_ =	shalt  }
0x46: {  	_ =	shalt  }
0x47: {  	_ =	shalt  }
0x48: {  	_ =	shalt  }
0x49: {  	_ =	shalt  }
0x4a: {  	_ =	shalt  }
0x4b: {  	_ =	shalt  }
0x4c: {  	_ =	shalt  }
0x4d: {  	_ =	shalt  }
0x4e: {  	_ =	shalt  }
0x4f: {  	_ =	shalt  }
0x50: {  	_ =	shalt  }
0x51: {  	_ =	shalt  }
0x52: {  	_ =	shalt  }
0x53: {  	_ =	shalt  }
0x54: {  	_ =	shalt  }
0x55: {  	_ =	shalt  }
0x56: {  	_ =	shalt  }
0x57: {  	_ =	shalt  }
0x58: {  	_ =	shalt  }
0x59: {  	_ =	shalt  }
0x5a: {  	_ =	shalt  }
0x5b: {  	_ =	shalt  }
0x5c: {  	_ =	shalt  }
0x5d: {  	_ =	shalt  }
0x5e: {  	_ =	shalt  }
0x5f: {  	_ =	shalt  }
0x60: {  	_ =	shalt  }
0x61: {  	_ =	shalt  }
0x62: {  	_ =	shalt  }
0x63: {  	_ =	shalt  }
0x64: {  	_ =	shalt  }
0x65: {  	_ =	shalt  }
0x66: {  	_ =	shalt  }
0x67: {  	_ =	shalt  }
0x68: {  	_ =	shalt  }
0x69: {  	_ =	shalt  }
0x6a: {  	_ =	shalt  }
0x6b: {  	_ =	shalt  }
0x6c: {  	_ =	shalt  }
0x6d: {  	_ =	shalt  }
0x6e: {  	_ =	shalt  }
0x6f: {  	_ =	shalt  }
0x70: {  	_ =	shalt  }
0x71: {  	_ =	shalt  }
0x72: {  	_ =	shalt  }
0x73: {  	_ =	shalt  }
0x74: {  	_ =	shalt  }
0x75: {  	_ =	shalt  }
0x76: {  	_ =	shalt  }
0x77: {  	_ =	shalt  }
0x78: {  	_ =	shalt  }
0x79: {  	_ =	shalt  }
0x7a: {  	_ =	shalt  }
0x7b: {  	_ =	shalt  }
0x7c: {  	_ =	shalt  }
0x7d: {  	_ =	shalt  }
0x7e: {  	_ =	shalt  }
0x7f: {  	_ =	shalt  }
0x80: {  	_ =	shalt  }
0x81: {  	_ =	shalt  }
0x82: {  	_ =	shalt  }
0x83: {  	_ =	shalt  }
0x84: {  	_ =	shalt  }
0x85: {  	_ =	shalt  }
0x86: {  	_ =	shalt  }
0x87: {  	_ =	shalt  }
.Lfunc_end0:
.L_simem_size_0:
called_computation.2_lowered:
.L_overlay_start_0:
0x88: {  	s2 =	sld [smem:$0x3FD9]  }
0x89: {  	s3 =	sld [smem:$0x3FFE];
	_ =	sdelay $0x1  }
0x8a: {  	s1 =	srdreg.scid  }
0x8b: {  	s0 =	sand.u32 $0x1, s1  }
0x8c: {  	s16 =	sshll.u32 s0, $0xA;
	s2 =	sadd.s32 s3, s2  }
0x8d: {  	s2 =	sadd.s32 s2, s16  }
0x8e: {  	[smem:$0x3FBE] =	sst s2  }
0x8f: {  	_ = 	snop  }
0x90: {  	(tm) =	ssettm $0x1  }
0x91: {  	s17 =	sld [smem:$0x3FFB];
	_ =	sdelay $0x3  }
0x92: {  	_ =	strace s17  }
0x93: {  	s2 =	sld [smem:$0x3FFC];
	_ =	sdelay $0x3  }
0x94: {  	_ =	strace s2  }
0x95: {  	s2 =	sld [smem:$0x3FFD];
	_ =	sdelay $0x3  }
0x96: {  	_ =	strace s2  }
0x97: {  	_ =	strace $0x8FFFFFFF  }
0x98: {  	s18 =	sld [smem:$0x3FDB];
	_ =	sdelay $0x1  }
0x99: {  	s19 =	simm.s32 $_scs_section_size  }
0x9a: {  	s4 =	simm.s32 $_size__tile_overlayer_lowered;
	s5 =	simm.s32 $_tile_overlayer_lowered  }
0x9b: {  	s22 =	simm.s32 $0x1BFF;
	s21 =	sshll.u32 s5, $0x1;
	s2 =	sadd.s32 s19, s18  }
0x9c: {  	s6 =	simm.s32 $0x0;
	s20 =	sshll.u32 s4, $0x1;
	s4 =	sadd.s32 s21, s2  }
0x9d: {  	[timem:s6], [sflag:s22] =	dma.local [hbm:s4], s20  }
0x9e: {  	_ =	swait.ge [sflag:s22], s20  }
0x9f: {  	s3 =	ssub.s32 $0x0, s20;
	[sflag:s22] =	ssyncset.done $0x0  }
0xa0: {  	[sflag:s22] =	ssyncadd.s32 s3;
	_ =	sdelay $0x1  }
0xa1: {  	s23 =	simm.s32 $0x1B8B  }
0xa2: {  	_ =	swait.ge [sflag:s23], $0x1  }
0xa3: {  	[sflag:s23] =	ssyncset.done $0x0  }
0xa4: {  	s25 =	simm.s32 $0x1B8E;
	s24 =	sld [smem:$0x3FFE];
	[sflag:s23] =	ssyncadd.s32 $0xFFFFFFFF  }
0xa5: {  	s26 =	simm.s32 $execute0_lowered;
	[smem:$0x3FD2] =	sst s25  }
0xa6: {  	s4 =	sshll.u32 s26, $0x1;
	_ =	strace $0x80000052;
	[dreg:$0x1] =	wrdreg $0xFFFFFFFF  }
0xa7: {  	s28 =	simm.s32 $_size_execute0_lowered;
	s2 =	sadd.s32 s2, s4;
	[dreg:$0x0] =	wrdreg $0x0  }
0xa8: {  	s4 =	sshll.u32 s28, $0x1;
	[dreg:$0x2] =	wrdreg s2  }
0xa9: {  	[dreg:$0x3] =	wrdreg s4  }
0xaa: {  	[dreg:$0x4] =	wrdreg $0xC0  }
0xab: {  	_ =	task [dreg:s6], $0x5FFFF  }
0xac: {  	[dreg:$0x1] =	wrdreg $0xFFFFFFFF  }
0xad: {  	[dreg:$0x0] =	wrdreg $0x60  }
0xae: {  	[dreg:$0x2] =	wrdreg s24  }
0xaf: {  	[dreg:$0x3] =	wrdreg $0x9  }
0xb0: {  	_ =	task.clear_ibuf [dreg:s6], $0x4FFFF;
	_ =	strace $0x90000052  }
0xb1: {  	s29 =	simm.s32 $0x9;
	_ =	strace $0x80000054  }
0xb2: {  	_ =	swait.ge [sflag:s29], $0x1  }
0xb3: {  	[sflag:s29] =	ssyncadd.s32 $0xFFFFFFFF  }
0xb4: {  	_ =	strace $0x90000054  }
0xb5: {  	_ =	sfence  }
0xb6: {  	s30 =	sld [smem:$0x0];
	_ =	sdelay $0x2  }
0xb7: {  	s31 =	sshll.u32 s1, $0xD;
	s1 =	sshrl.u32 s1, $0x2  }
0xb8: {  	s3 =	sand.u32 $0x4000, s31;
	s1 =	sadd.s32 s1, s30  }
0xb9: {  	s0 =	sor.u32 s3, s0;
	s1 =	sshll.u32 s1, $0x11  }
0xba: {  	s0 =	sor.u32 s1, s0  }
0xbb: {  	s0 =	sadd.s32 $0x8F2B, s0  }
0xbc: {  	[sflag:s0] =	ssyncadd.remote.s32 $0x1  }
0xbd: {  	_ =	sfence.sel $0xFFFF  }
0xbe: {  	[dreg:$0x0] =	wrdreg $0xFFFFFFFF;
	(pc) =	sbr.abs _section_cstart, $3  }
0xbf: {  	[dreg:$0x1] =	wrdreg $0xFFFFFFFF  }
0xc0: {  	_ =	task.clear_ibuf [dreg:s6], $0x2FFFF;
	_ =	strace $0x9FFFFFFF  }
0xc1: {  	(tm) =	ssettm $0x7FFFFFFF  }
tec
execute0_lowered:
.L_overlay_start_1:
0x0: {  	(tag) =	ssettag $0x1  }
0x1: {  	s8 =	rddreg [dreg:$0x0]  }
0x2: {  	s0 =	rddreg [dreg:$0x1];
	_ =	strace $0x80000053;
	s1 =	stileid.u32  }
0x3: {  	s3 =	srdreg.scid;
	s4 =	simm.s32 $0x1;
	s7 =	simm.s32 $0x1  }
0x4: {  	s9 =	simm.s32 $0x1;
	s10 =	simm.s32 $0x3;
	s13 =	simm.s32 $0x0  }
0x5: {  	s12 =	simm.s32 $0x0;
	s5 =	sand.u32 $0x1, s3;
	s6 =	sshll.u32 s1, $0x1  }
0x6: {  	s2 =	sadd.s32 $0x3EB000, s8;
	s3 =	sadd.s32 $0x2BA600, s8;
	s5 =	sor.u32 s6, s5  }
.Ltmp0:
0x7: {  	[sflag:s4] =	ssyncpa.u1 $0x0;
	p0 =	slt.u32 s5, $0x11;
	(pc) =	sbr.rel .LBB2_1-.Ltmp0, $4  }
0x8: {  	s6 =	simm.s32 $0x2;
	s7 =	simm.s32 @!p0 $0x0;
	p0 =	sne.s32 s5, $0x10  }
0x9: {  	[sflag:s6] =	ssyncpa.u1 $0x0;
	s5 =	smul.u32 $0x3D00, s5;
	s9 =	simm.s32 @!p0 $0x0  }
0xa: {  	s8 =	sadd.s32 $0x25F800, s8;
	[sflag:s10] =	ssyncpa.u1 $0x0;
	s7 =	sadd.s32 s9, s7  }
0xb: {  	vm0 =	vmmov $0xffff;
	s10 =	simm.s32 $0x0;
	s11 =	smov.u32 s5;
	s9 =	sadd.s32 $0x1, s7  }
.LBB2_4:
0xc: {  	v2 =	vand.u32 $0x1, v2;
	v3 =	vshrl.u32 v0, $0xC;
	v63 =	vshll.u32 v0, $0x9  }
0xd: {  	v2 =	vsel vm1, $0xFFFFFFFF, v2;
	v3 =	vand.u32 $0xFF, v3;
	v0 =	vand.u32 $0xFFE00, v63  }
0xe: {  	v3 =	vsel vm1, $0xFFFFFFFF, v3;
	v0 =	vsel vm1, $0xFFFFFE00, v0;
	v4 =	vand.u32 $0xFFFFFE00, v2  }
0xf: {  	v5 =	vand.u32 $0x7F, v3;
	v0 =	vadd.s32 v0, v4;
	v3 =	vshll.u32 v3, $0x1  }
0x10: {  	v2 =	vshll.u32 v2, $0x7;
	v3 =	vand.u32 $0xFFFFFF00, v3;
	v0 =	vor.u32 v5, v0  }
0x11: {  	v2 =	vand.u32 $0x80, v2;
	v0 =	vadd.s32 v3, v0  }
0x12: {  	v0 =	vor.u32 v2, v0;
	_ =	sdelay $0x1  }
0x13: {  	(ifvalue) =	ssetifvalue $0x7FFFFFFF;
	s15 =	sadd.s32 $0x10, s15  }
0x14: {  	[tilespmem:s15], [sflag:$0x1] =	stream.indirect_vreg.gather [hbm4b:s2+s10], $0x1, v1, vm0, $0x4038;
	[tilespmem:$0xF400] =	vst v63  }
0x15: {  	(ifvalue) =	ssetifvalue $0x7FFFFFFF;
	s15 =	sadd.s32 $0x10, s15  }
0x16: {  	[tilespmem:s15], [sflag:$0x1] =	stream.indirect_vreg.gather [hbm4b:s2+s10], $0x1, v0, vm0, $0x4038;
	[tilespmem:$0xF400] =	vst v63  }
0x17: {  	_ =	swait.ge [sflag:s4], $0x3D00  }
0x18: {  	s30 =	sshrl.u32 s13, $0x3;
	[sflag:s4] =	ssyncset.done $0x0  }
0x19: {  	s31 =	sand.u32 $0x7, s13;
	s15 =	sadd.s32 s8, s30;
	[sflag:s4] =	ssyncadd.s32 $0xFFFFC300  }
0x1a: {  	[hbm4b:s15+s31] =	stream.linear.scatter [tilespmem:s14], [sflag:$0x3], $0x3D00, $0x38;
	[tilespmem:$0xF400] =	vst v63  }
.LBB2_5:
0x1b: {  	s15 =	sadd.s32 $0x7A000, s11  }
0x1c: {  	p1 =	sgt.s32 s15, $0xB6FFF  }
0x1d: {  	s15 =	smov.u32 @p1 s5;
	p1 =	sne.s32 s12, s9  }
.Ltmp1:
0x1e: {  	p0 =	slt.u32 s12, $0x2;
	(pc) =	sbr.rel @!p1 .LBB2_6-.Ltmp1, $4  }
0x1f: {  	s14 =	simm.s32 @!p0 $0x3  }
0x20: {  	_ =	swait.ge @!p0 [sflag:s14], $0x3D00  }
0x21: {  	s16 =	sadd.s32 $0x1, s12;
	s13 =	smov.u32 s11;
	[sflag:s14] =	ssyncset.done @!p0 $0x0  }
0x22: {  	s12 =	smov.u32 s16;
	s11 =	smov.u32 s15;
	[sflag:s14] =	ssyncadd.s32 @!p0 $0xFFFFC300  }
.LBB2_1:
0x23: {  	p0 =	sge.u32 s12, s7  }
0x24: {  	s14 =	sxor.u32 @!p0 $0x1, s12  }
0x25: {  	s14 =	smul.u32 @!p0 $0xF400, s14  }
0x26: {  	s31 =	sadd.s32 $0xFFFFFFFF, s12;
	s15 =	sshrl.u32 @!p0 s11, $0x3  }
0x27: {  	s16 =	sand.u32 @!p0 $0x7, s11;
	s15 =	sadd.s32 @!p0 s3, s15;
	s14 =	sshra.s32 @!p0 s14, $0x2  }
0x28: {  	[tilespmem:s14], [sflag:$0x2] =	stream.linear.gather @!p0 [hbm4b:s15+s16], $0x3D00, $0x38;
	[tilespmem:$0xF400] =	vst v63  }
0x29: {  	p0 =	sge.u32 s31, s7  }
.Ltmp2:
0x2a: {  	_ = 	snop;
	(pc) =	sbr.rel @p0 .LBB2_5-.Ltmp2, $1  }
0x2b: {  	_ =	sdelay $0x3  }
0x2c: {  	s14 =	sand.u32 $0x1, s12  }
0x2d: {  	_ =	swait.ge [sflag:s6], $0x3D00;
	p0 =	seq.s32 s14, $0x1;
	s14 =	simm.s32 $0x3D00  }
0x2e: {  	[sflag:s6] =	ssyncset.done $0x0;
	s14 =	simm.s32 @!p0 $0x0  }
0x2f: {  	[sflag:s6] =	ssyncadd.s32 $0xFFFFC300;
	(ifvalue) =	ssetifvalue $0x7FFFFFFF;
	v0 =	vld.msk [tilespmem:s14+$0x0 ss:$0x1], $0xffff;
	_ =	sdelay $0x1  }
0x30: {  	s15 =	sadd.s32 $0x10, s14  }
0x31: {  	v3 =	vld.msk [tilespmem:s15+$0x0 ss:$0x1], $0xffff;
	_ =	sdelay $0x1  }
0x32: {  	vm1 =	veq.s32 v0, $0x80000000  }
0x33: {  	v1 =	vshrl.u32 v0, $0xB;
	v2 =	vshrl.u32 v0, $0xC;
	v0 =	vshll.u32 v0, $0x9  }
0x34: {  	v1 =	vand.u32 $0x1, v1;
	v2 =	vand.u32 $0xFF, v2;
	v0 =	vand.u32 $0xFFE00, v0  }
0x35: {  	v62 =	vshrl.u32 v3, $0xC;
	v1 =	vsel vm1, $0xFFFFFFFF, v1;
	v2 =	vsel vm1, $0xFFFFFFFF, v2  }
0x36: {  	v0 =	vsel vm1, $0xFFFFFE00, v0;
	vm1 =	veq.s32 v3, $0x80000000;
	v4 =	vand.u32 $0xFFFFFE00, v1  }
0x37: {  	v5 =	vand.u32 $0x7F, v2;
	v2 =	vshll.u32 v2, $0x1;
	v0 =	vadd.s32 v0, v4  }
0x38: {  	v1 =	vshll.u32 v1, $0x7;
	v2 =	vand.u32 $0xFFFFFF00, v2;
	v0 =	vor.u32 v5, v0  }
0x39: {  	v1 =	vand.u32 $0x80, v1;
	v0 =	vadd.s32 v2, v0;
	v2 =	vshrl.u32 v3, $0xB  }
0x3a: {  	s15 =	sadd.s32 $0x10, s15;
	v3 =	vshll.u32 v3, $0x9;
	v1 =	vor.u32 v1, v0;
	v2 =	vand.u32 $0x1, v2  }
0x3b: {  	v4 =	vand.u32 $0xFF, v62;
	v0 =	vld.msk [tilespmem:s15+$0x0 ss:$0x1], $0xffff;
	v3 =	vand.u32 $0xFFE00, v3;
	v2 =	vsel vm1, $0xFFFFFFFF, v2  }
0x3c: {  	v4 =	vsel vm1, $0xFFFFFFFF, v4;
	v3 =	vsel vm1, $0xFFFFFE00, v3;
	v63 =	vand.u32 $0xFFFFFE00, v2  }
0x3d: {  	v6 =	vand.u32 $0x7F, v4;
	v4 =	vshll.u32 v4, $0x1;
	v3 =	vadd.s32 v3, v63  }
0x3e: {  	s14 =	sadd.s32 $0x7A00, s14;
	(ifvalue) =	ssetifvalue $0x7FFFFFFF;
	v4 =	vand.u32 $0xFFFFFF00, v4;
	v2 =	vshll.u32 v2, $0x7;
	v3 =	vor.u32 v6, v3  }
0x3f: {  	[tilespmem:s14], [sflag:$0x1] =	stream.indirect_vreg.gather [hbm4b:s2+s10], $0x1, v1, vm0, $0x4038;
	v1 =	vand.u32 $0x80, v2;
	v3 =	vadd.s32 v4, v3;
	[tilespmem:$0xF400] =	vst v63  }
0x40: {  	s16 =	simm.s32 $0x20;
	s17 =	sadd.s32 $0x10, s15;
	s15 =	smov.u32 s14;
	vm1 =	veq.s32 v0, $0x80000000;
	v2 =	vshrl.u32 v0, $0xB;
	v1 =	vor.u32 v1, v3  }
.LBB2_3:
0x41: {  	s16 =	sadd.s32 $0x10, s16;
	v2 =	vand.u32 $0x1, v2;
	v3 =	vshrl.u32 v0, $0xC;
	v4 =	vshll.u32 v0, $0x9;
	v0 =	vld.msk [tilespmem:s17+$0x0 ss:$0x1], $0xffff  }
0x42: {  	p0 =	slt.u32 s16, $0x3CF0;
	v2 =	vsel vm1, $0xFFFFFFFF, v2;
	v3 =	vand.u32 $0xFF, v3;
	v4 =	vand.u32 $0xFFE00, v4  }
.Ltmp3:
0x43: {  	v3 =	vsel vm1, $0xFFFFFFFF, v3;
	v4 =	vsel vm1, $0xFFFFFE00, v4;
	v5 =	vand.u32 $0xFFFFFE00, v2;
	(pc) =	sbr.rel @p0 .LBB2_3-.Ltmp3, $4  }
0x44: {  	s15 =	sadd.s32 $0x10, s15;
	v6 =	vand.u32 $0x7F, v3;
	v4 =	vadd.s32 v4, v5;
	v3 =	vshll.u32 v3, $0x1;
	(ifvalue) =	ssetifvalue $0x7FFFFFFF  }
0x45: {  	v2 =	vshll.u32 v2, $0x7;
	v3 =	vand.u32 $0xFFFFFF00, v3;
	v4 =	vor.u32 v6, v4;
	[tilespmem:s15], [sflag:$0x1] =	stream.indirect_vreg.gather [hbm4b:s2+s10], $0x1, v1, vm0, $0x4038;
	[tilespmem:$0xF400] =	vst v63  }
0x46: {  	v1 =	vand.u32 $0x80, v2;
	v3 =	vadd.s32 v3, v4  }
0x47: {  	s17 =	sadd.s32 $0x10, s17;
	vm1 =	veq.s32 v0, $0x80000000;
	v2 =	vshrl.u32 v0, $0xB;
	v1 =	vor.u32 v1, v3  }
.Ltmp4:
0x48: {  	_ = 	snop;
	(pc) =	sbr.rel .LBB2_4-.Ltmp4, $1  }
0x49: {  	_ =	sdelay $0x3  }
.LBB2_6:
0x4a: {  	_ =	sfence.sel $0x180000  }
0x4b: {  	s2 =	simm.s32 $0x2;
	[bflag:$0x0] =	sbarrier.arrive $0xFFFF  }
0x4c: {  	s30 =	simm.s32 $0x3;
	[sflag:s2] =	ssyncpa.u1 $0x1  }
0x4d: {  	s31 =	simm.s32 $0x1;
	[sflag:s30] =	ssyncpa.u1 $0x1  }
0x4e: {  	[sflag:s31] =	ssyncpa.u1 $0x1  }
0x4f: {  	p0 =	sne.s32 s1, $0x0;
	_ =	strace $0x90000053  }
0x50: {  	s0 =	sadd.s32 @!p0 $0x100000, s0;
	[bflag:$0x2] =	sbarrier.arrive $0xFFFF  }
0x51: {  	[sflag:s0] =	ssyncadd.tile.s32 @!p0 $0x1;
	_ =	shalt  }
.Lfunc_end2:
_tile_overlayer_lowered:
.L_overlay_start_2:
0x52: {  	(tag) =	ssettag $0x2  }
0x53: {  	s0 =	rddreg [dreg:$0x0];
	s2 =	stileid.u32  }
0x54: {  	s1 =	rddreg [dreg:$0x1];
	p0 =	sne.s32 s2, $0x0  }
0x55: {  	s3 =	rddreg [dreg:$0x2];
	[bflag:$0x3] =	sbarrier.arrive $0xFFFF;
	s2 =	simm.s32 @!p0 $0x1C01  }
0x56: {  	[timem:s3], [sflag:s2] =	dma.local @!p0 [hbm:s0], s1  }
0x57: {  	s0 =	simm.s32 @!p0 $0x1  }
0x58: {  	_ =	swait.ge @!p0 [sflag:s0], s1  }
0x59: {  	s1 =	ssub.s32 @!p0 $0x0, s1;
	[sflag:s0] =	ssyncset.done @!p0 $0x0  }
0x5a: {  	[sflag:s0] =	ssyncadd.s32 @!p0 s1  }
0x5b: {  	[bflag:$0x3] =	sbarrier.arrive $0xFFFF  }
0x5c: {  	_ =	shalt  }

// kernel: gather_offload_async_start.3
scs
__scs_entry_jumppad:
0x0: {  	(pc) =	sbr.rel $0x88, $3  }
0x1: {  	(tag) =	ssettag $0x0;
	lr =	simm.s32 $0x1  }
0x2: {  	[smem:$0x3F97] =	sst lr;
	_ =	strace $0xD0000000  }
0x3: {  	_ = 	snop  }
0x4: {  	_ = 	snop  }
0x5: {  	_ = 	snop  }
0x6: {  	_ = 	snop  }
0x7: {  	_ = 	snop  }
__scs_overlays_trampoline_lowered:
0x8: {  	[smem:$0x3FA6] =	sst s0  }
0x9: {  	[smem:$0x3FA7] =	sst s1  }
0xa: {  	[smem:$0x3FA8] =	sst s2  }
0xb: {  	[smem:$0x3FA9] =	sst s3  }
0xc: {  	[smem:$0x3FAA] =	sst s4  }
0xd: {  	[smem:$0x3FAB] =	sst s5  }
0xe: {  	[smem:$0x3FAC] =	sst s6  }
0xf: {  	[smem:$0x3FAD] =	sst s7  }
0x10: {  	[smem:$0x3FAE] =	sst s8  }
0x11: {  	[smem:$0x3FAF] =	sst s9;
	s0 =	simm.s32 @!p0 $0x0  }
0x12: {  	s1 =	sld [smem:$0x3F95];
	s0 =	simm.s32 @p0 $0x1  }
0x13: {  	[smem:$0x3FB0] =	sst s0;
	s0 =	simm.s32 @!p1 $0x0  }
0x14: {  	s2 =	sld [smem:$0x3F94];
	s0 =	simm.s32 @p1 $0x1  }
0x15: {  	[smem:$0x3FB1] =	sst s0;
	s0 =	simm.s32 @!p2 $0x0  }
0x16: {  	s3 =	sld [smem:$0x3FDB];
	s0 =	simm.s32 @p2 $0x1  }
0x17: {  	s4 =	simm.s32 $0x1BF5;
	[smem:$0x3FB3] =	sst s0  }
0x18: {  	s0 =	sld [smem:$0x3F96];
	_ =	swait.ge [sflag:s4], $0x0  }
0x19: {  	s7 =	sld [smem:$0x3F97]  }
0x1a: {  	s8 =	sadd.s32 $0xFFFFE003, lr  }
0x1b: {  	s9 =	sadd.s32 $0xFFFFFEF7, lr;
	s5 =	simm.s32 $0xFFFFFFFF;
	p2 =	slt.u32 s8, $0xFFFFF086  }
0x1c: {  	p1 =	slt.u32 s9, $0xF7A;
	s5 =	simm.s32 @!p2 $0x0  }
0x1d: {  	s5 =	simm.s32 @p1 $0x1;
	p0 =	seq.s32 s7, s2  }
0x1e: {  	s7 =	smul.u32 @!p0 $0xF7A, s2;
	p2 =	seq.s32 @!p0 s5, $0x0  }
0x1f: {  	s9 =	smul.u32 $0xF7A, s1;
	s8 =	simm.s32 @!p0 $0x1BF5;
	p2 =	por !p2, p0  }
0x20: {  	[sflag:s8] =	ssyncset.s32 @!p0 $0xFFFFF086;
	s6 =	sadd.s32 @!p0 s3, s7;
	s7 =	simm.s32 @!p0 $0x108  }
0x21: {  	s3 =	sadd.s32 s3, s9;
	s6 =	sadd.s32 @!p0 $0x88, s6;
	s7 =	simm.s32 @p2 $0x1082  }
0x22: {  	[simem:s7], [sflag:s8] =	dma.local @!p0 [hbm:s6], $0xF7A  }
0x23: {  	s9 =	sor.u32 $0xD0000000, s2;
	s6 =	simm.s32 $0x108;
	_ =	swait.ge @!p0 [sflag:s8], $0x0  }
0x24: {  	s3 =	sadd.s32 $0x88, s3;
	s6 =	simm.s32 @!p1 $0x1082;
	[sflag:s4] =	ssyncset.s32 $0xFFFFF086  }
0x25: {  	[simem:s6], [sflag:s4] =	dma.local [hbm:s3], $0xF7A  }
0x26: {  	[smem:$0x3F97] =	sst s1;
	(tag) =	ssettag s2;
	_ =	strace s9  }
0x27: {  	s1 =	sld [smem:$0x3FA7]  }
0x28: {  	s2 =	sld [smem:$0x3FA8]  }
0x29: {  	s4 =	sld [smem:$0x3FAA]  }
0x2a: {  	p0 =	seq.s32 s5, $0x0;
	s5 =	sld [smem:$0x3FAB]  }
0x2b: {  	s6 =	sld [smem:$0x3FAC]  }
0x2c: {  	s7 =	sld [smem:$0x3FAD]  }
0x2d: {  	s3 =	simm.s32 $0x108;
	s8 =	sld [smem:$0x3FAE]  }
0x2e: {  	s3 =	simm.s32 @!p0 $0x1082;
	s9 =	sld [smem:$0x3FAF]  }
0x2f: {  	lr =	sadd.s32 s0, s3;
	s0 =	sld [smem:$0x3FA6]  }
0x30: {  	s3 =	sld [smem:$0x3FA9]  }
0x31: {  	[smem:$0x3FB2] =	sst s10  }
0x32: {  	s10 =	sld [smem:$0x3FB0];
	_ =	sdelay $0x3  }
0x33: {  	p0 =	seq.s32 s10, $0x1;
	s10 =	sld [smem:$0x3FB2];
	_ =	sdelay $0x3  }
0x34: {  	[smem:$0x3FB2] =	sst s10  }
0x35: {  	s10 =	sld [smem:$0x3FB1];
	_ =	sdelay $0x3  }
0x36: {  	p1 =	seq.s32 s10, $0x1;
	s10 =	sld [smem:$0x3FB2];
	_ =	sdelay $0x3  }
0x37: {  	[smem:$0x3FB2] =	sst s10  }
0x38: {  	s10 =	sld [smem:$0x3FB3]  }
0x39: {  	_ = 	snop;
	(pc) =	sbr.ind lr, $3  }
0x3a: {  	_ = 	snop  }
0x3b: {  	_ = 	snop  }
0x3c: {  	p2 =	seq.s32 s10, $0x1;
	s10 =	sld [smem:$0x3FB2]  }
0x3d: {  	_ =	shalt  }
0x3e: {  	_ =	shalt  }
0x3f: {  	_ =	shalt  }
0x40: {  	_ =	shalt  }
0x41: {  	_ =	shalt  }
0x42: {  	_ =	shalt  }
0x43: {  	_ =	shalt  }
0x44: {  	_ =	shalt  }
0x45: {  	_ =	shalt  }
0x46: {  	_ =	shalt  }
0x47: {  	_ =	shalt  }
0x48: {  	_ =	shalt  }
0x49: {  	_ =	shalt  }
0x4a: {  	_ =	shalt  }
0x4b: {  	_ =	shalt  }
0x4c: {  	_ =	shalt  }
0x4d: {  	_ =	shalt  }
0x4e: {  	_ =	shalt  }
0x4f: {  	_ =	shalt  }
0x50: {  	_ =	shalt  }
0x51: {  	_ =	shalt  }
0x52: {  	_ =	shalt  }
0x53: {  	_ =	shalt  }
0x54: {  	_ =	shalt  }
0x55: {  	_ =	shalt  }
0x56: {  	_ =	shalt  }
0x57: {  	_ =	shalt  }
0x58: {  	_ =	shalt  }
0x59: {  	_ =	shalt  }
0x5a: {  	_ =	shalt  }
0x5b: {  	_ =	shalt  }
0x5c: {  	_ =	shalt  }
0x5d: {  	_ =	shalt  }
0x5e: {  	_ =	shalt  }
0x5f: {  	_ =	shalt  }
0x60: {  	_ =	shalt  }
0x61: {  	_ =	shalt  }
0x62: {  	_ =	shalt  }
0x63: {  	_ =	shalt  }
0x64: {  	_ =	shalt  }
0x65: {  	_ =	shalt  }
0x66: {  	_ =	shalt  }
0x67: {  	_ =	shalt  }
0x68: {  	_ =	shalt  }
0x69: {  	_ =	shalt  }
0x6a: {  	_ =	shalt  }
0x6b: {  	_ =	shalt  }
0x6c: {  	_ =	shalt  }
0x6d: {  	_ =	shalt  }
0x6e: {  	_ =	shalt  }
0x6f: {  	_ =	shalt  }
0x70: {  	_ =	shalt  }
0x71: {  	_ =	shalt  }
0x72: {  	_ =	shalt  }
0x73: {  	_ =	shalt  }
0x74: {  	_ =	shalt  }
0x75: {  	_ =	shalt  }
0x76: {  	_ =	shalt  }
0x77: {  	_ =	shalt  }
0x78: {  	_ =	shalt  }
0x79: {  	_ =	shalt  }
0x7a: {  	_ =	shalt  }
0x7b: {  	_ =	shalt  }
0x7c: {  	_ =	shalt  }
0x7d: {  	_ =	shalt  }
0x7e: {  	_ =	shalt  }
0x7f: {  	_ =	shalt  }
0x80: {  	_ =	shalt  }
0x81: {  	_ =	shalt  }
0x82: {  	_ =	shalt  }
0x83: {  	_ =	shalt  }
0x84: {  	_ =	shalt  }
0x85: {  	_ =	shalt  }
0x86: {  	_ =	shalt  }
0x87: {  	_ =	shalt  }
.Lfunc_end0:
.L_simem_size_0:
called_computation.3_lowered:
.L_overlay_start_0:
0x88: {  	s2 =	sld [smem:$0x3FD9]  }
0x89: {  	s3 =	sld [smem:$0x3FFE];
	_ =	sdelay $0x1  }
0x8a: {  	s1 =	srdreg.scid  }
0x8b: {  	s0 =	sand.u32 $0x1, s1  }
0x8c: {  	s16 =	sshll.u32 s0, $0xA;
	s2 =	sadd.s32 s3, s2  }
0x8d: {  	s2 =	sadd.s32 s2, s16  }
0x8e: {  	[smem:$0x3FBE] =	sst s2  }
0x8f: {  	_ = 	snop  }
0x90: {  	(tm) =	ssettm $0x1  }
0x91: {  	s17 =	sld [smem:$0x3FFB];
	_ =	sdelay $0x3  }
0x92: {  	_ =	strace s17  }
0x93: {  	s2 =	sld [smem:$0x3FFC];
	_ =	sdelay $0x3  }
0x94: {  	_ =	strace s2  }
0x95: {  	s2 =	sld [smem:$0x3FFD];
	_ =	sdelay $0x3  }
0x96: {  	_ =	strace s2  }
0x97: {  	_ =	strace $0x8FFFFFFF  }
0x98: {  	s18 =	sld [smem:$0x3FDB];
	_ =	sdelay $0x1  }
0x99: {  	s19 =	simm.s32 $_scs_section_size  }
0x9a: {  	s4 =	simm.s32 $_size__tile_overlayer_lowered;
	s5 =	simm.s32 $_tile_overlayer_lowered  }
0x9b: {  	s22 =	simm.s32 $0x1BFF;
	s21 =	sshll.u32 s5, $0x1;
	s2 =	sadd.s32 s19, s18  }
0x9c: {  	s6 =	simm.s32 $0x0;
	s20 =	sshll.u32 s4, $0x1;
	s4 =	sadd.s32 s21, s2  }
0x9d: {  	[timem:s6], [sflag:s22] =	dma.local [hbm:s4], s20  }
0x9e: {  	_ =	swait.ge [sflag:s22], s20  }
0x9f: {  	s3 =	ssub.s32 $0x0, s20;
	[sflag:s22] =	ssyncset.done $0x0  }
0xa0: {  	[sflag:s22] =	ssyncadd.s32 s3;
	_ =	sdelay $0x1  }
0xa1: {  	s23 =	simm.s32 $0x1B8B  }
0xa2: {  	_ =	swait.ge [sflag:s23], $0x1  }
0xa3: {  	[sflag:s23] =	ssyncset.done $0x0  }
0xa4: {  	s25 =	simm.s32 $0x1B8E;
	s24 =	sld [smem:$0x3FFE];
	[sflag:s23] =	ssyncadd.s32 $0xFFFFFFFF  }
0xa5: {  	s26 =	simm.s32 $execute0_lowered;
	[smem:$0x3FD2] =	sst s25  }
0xa6: {  	s4 =	sshll.u32 s26, $0x1;
	_ =	strace $0x80000046;
	[dreg:$0x1] =	wrdreg $0xFFFFFFFF  }
0xa7: {  	s28 =	simm.s32 $_size_execute0_lowered;
	s2 =	sadd.s32 s2, s4;
	[dreg:$0x0] =	wrdreg $0x0  }
0xa8: {  	s4 =	sshll.u32 s28, $0x1;
	[dreg:$0x2] =	wrdreg s2  }
0xa9: {  	[dreg:$0x3] =	wrdreg s4  }
0xaa: {  	[dreg:$0x4] =	wrdreg $0xC0  }
0xab: {  	_ =	task [dreg:s6], $0x5FFFF  }
0xac: {  	[dreg:$0x1] =	wrdreg $0xFFFFFFFF  }
0xad: {  	[dreg:$0x0] =	wrdreg $0x60  }
0xae: {  	[dreg:$0x2] =	wrdreg s24  }
0xaf: {  	[dreg:$0x3] =	wrdreg $0x9  }
0xb0: {  	_ =	task.clear_ibuf [dreg:s6], $0x4FFFF;
	_ =	strace $0x90000046  }
0xb1: {  	s29 =	simm.s32 $0x9;
	_ =	strace $0x80000048  }
0xb2: {  	_ =	swait.ge [sflag:s29], $0x1  }
0xb3: {  	[sflag:s29] =	ssyncadd.s32 $0xFFFFFFFF  }
0xb4: {  	_ =	strace $0x90000048  }
0xb5: {  	_ =	sfence  }
0xb6: {  	s30 =	sld [smem:$0x0];
	_ =	sdelay $0x2  }
0xb7: {  	s31 =	sshll.u32 s1, $0xD;
	s1 =	sshrl.u32 s1, $0x2  }
0xb8: {  	s3 =	sand.u32 $0x4000, s31;
	s1 =	sadd.s32 s1, s30  }
0xb9: {  	s0 =	sor.u32 s3, s0;
	s1 =	sshll.u32 s1, $0x11  }
0xba: {  	s0 =	sor.u32 s1, s0  }
0xbb: {  	s0 =	sadd.s32 $0x8F2B, s0  }
0xbc: {  	[sflag:s0] =	ssyncadd.remote.s32 $0x1  }
0xbd: {  	_ =	sfence.sel $0xFFFF  }
0xbe: {  	[dreg:$0x0] =	wrdreg $0xFFFFFFFF;
	(pc) =	sbr.abs _section_cstart, $3  }
0xbf: {  	[dreg:$0x1] =	wrdreg $0xFFFFFFFF  }
0xc0: {  	_ =	task.clear_ibuf [dreg:s6], $0x2FFFF;
	_ =	strace $0x9FFFFFFF  }
0xc1: {  	(tm) =	ssettm $0x7FFFFFFF  }
tec
execute0_lowered:
.L_overlay_start_1:
0x0: {  	(tag) =	ssettag $0x1  }
0x1: {  	s8 =	rddreg [dreg:$0x0]  }
0x2: {  	s0 =	rddreg [dreg:$0x1];
	_ =	strace $0x80000047;
	s1 =	stileid.u32  }
0x3: {  	s3 =	srdreg.scid;
	s4 =	simm.s32 $0x1;
	s7 =	simm.s32 $0x1  }
0x4: {  	s9 =	simm.s32 $0x1;
	s10 =	simm.s32 $0x3;
	s13 =	simm.s32 $0x0  }
0x5: {  	s12 =	simm.s32 $0x0;
	s5 =	sand.u32 $0x1, s3;
	s6 =	sshll.u32 s1, $0x1  }
0x6: {  	s2 =	sadd.s32 $0xE4A00, s8;
	s3 =	sadd.s32 $0x8EE00, s8;
	s5 =	sor.u32 s6, s5  }
.Ltmp0:
0x7: {  	[sflag:s4] =	ssyncpa.u1 $0x0;
	p0 =	slt.u32 s5, $0x11;
	(pc) =	sbr.rel .LBB2_1-.Ltmp0, $4  }
0x8: {  	s6 =	simm.s32 $0x2;
	s7 =	simm.s32 @!p0 $0x0;
	p0 =	sne.s32 s5, $0x10  }
0x9: {  	[sflag:s6] =	ssyncpa.u1 $0x0;
	s5 =	smul.u32 $0x3D00, s5;
	s9 =	simm.s32 @!p0 $0x0  }
0xa: {  	s8 =	sadd.s32 $0x46B000, s8;
	[sflag:s10] =	ssyncpa.u1 $0x0;
	s7 =	sadd.s32 s9, s7  }
0xb: {  	vm0 =	vmmov $0xffff;
	s10 =	simm.s32 $0x0;
	s11 =	smov.u32 s5;
	s9 =	sadd.s32 $0x1, s7  }
.LBB2_4:
0xc: {  	v2 =	vand.u32 $0x1, v2;
	v3 =	vshrl.u32 v0, $0xC;
	v63 =	vshll.u32 v0, $0x9  }
0xd: {  	v2 =	vsel vm1, $0xFFFFFFFF, v2;
	v3 =	vand.u32 $0xFF, v3;
	v0 =	vand.u32 $0xFFE00, v63  }
0xe: {  	v3 =	vsel vm1, $0xFFFFFFFF, v3;
	v0 =	vsel vm1, $0xFFFFFE00, v0;
	v4 =	vand.u32 $0xFFFFFE00, v2  }
0xf: {  	v5 =	vand.u32 $0x7F, v3;
	v0 =	vadd.s32 v0, v4;
	v3 =	vshll.u32 v3, $0x1  }
0x10: {  	v2 =	vshll.u32 v2, $0x7;
	v3 =	vand.u32 $0xFFFFFF00, v3;
	v0 =	vor.u32 v5, v0  }
0x11: {  	v2 =	vand.u32 $0x80, v2;
	v0 =	vadd.s32 v3, v0  }
0x12: {  	v0 =	vor.u32 v2, v0;
	_ =	sdelay $0x1  }
0x13: {  	(ifvalue) =	ssetifvalue $0x7FFFFFFF;
	s15 =	sadd.s32 $0x10, s15  }
0x14: {  	[tilespmem:s15], [sflag:$0x1] =	stream.indirect_vreg.gather [hbm4b:s2+s10], $0x1, v1, vm0, $0x4038;
	[tilespmem:$0xF400] =	vst v63  }
0x15: {  	(ifvalue) =	ssetifvalue $0x7FFFFFFF;
	s15 =	sadd.s32 $0x10, s15  }
0x16: {  	[tilespmem:s15], [sflag:$0x1] =	stream.indirect_vreg.gather [hbm4b:s2+s10], $0x1, v0, vm0, $0x4038;
	[tilespmem:$0xF400] =	vst v63  }
0x17: {  	_ =	swait.ge [sflag:s4], $0x3D00  }
0x18: {  	s30 =	sshrl.u32 s13, $0x3;
	[sflag:s4] =	ssyncset.done $0x0  }
0x19: {  	s31 =	sand.u32 $0x7, s13;
	s15 =	sadd.s32 s8, s30;
	[sflag:s4] =	ssyncadd.s32 $0xFFFFC300  }
0x1a: {  	[hbm4b:s15+s31] =	stream.linear.scatter [tilespmem:s14], [sflag:$0x3], $0x3D00, $0x38;
	[tilespmem:$0xF400] =	vst v63  }
.LBB2_5:
0x1b: {  	s15 =	sadd.s32 $0x7A000, s11  }
0x1c: {  	p1 =	sgt.s32 s15, $0xB6FFF  }
0x1d: {  	s15 =	smov.u32 @p1 s5;
	p1 =	sne.s32 s12, s9  }
.Ltmp1:
0x1e: {  	p0 =	slt.u32 s12, $0x2;
	(pc) =	sbr.rel @!p1 .LBB2_6-.Ltmp1, $4  }
0x1f: {  	s14 =	simm.s32 @!p0 $0x3  }
0x20: {  	_ =	swait.ge @!p0 [sflag:s14], $0x3D00  }
0x21: {  	s16 =	sadd.s32 $0x1, s12;
	s13 =	smov.u32 s11;
	[sflag:s14] =	ssyncset.done @!p0 $0x0  }
0x22: {  	s12 =	smov.u32 s16;
	s11 =	smov.u32 s15;
	[sflag:s14] =	ssyncadd.s32 @!p0 $0xFFFFC300  }
.LBB2_1:
0x23: {  	p0 =	sge.u32 s12, s7  }
0x24: {  	s14 =	sxor.u32 @!p0 $0x1, s12  }
0x25: {  	s14 =	smul.u32 @!p0 $0xF400, s14  }
0x26: {  	s31 =	sadd.s32 $0xFFFFFFFF, s12;
	s15 =	sshrl.u32 @!p0 s11, $0x3  }
0x27: {  	s16 =	sand.u32 @!p0 $0x7, s11;
	s15 =	sadd.s32 @!p0 s3, s15;
	s14 =	sshra.s32 @!p0 s14, $0x2  }
0x28: {  	[tilespmem:s14], [sflag:$0x2] =	stream.linear.gather @!p0 [hbm4b:s15+s16], $0x3D00, $0x38;
	[tilespmem:$0xF400] =	vst v63  }
0x29: {  	p0 =	sge.u32 s31, s7  }
.Ltmp2:
0x2a: {  	_ = 	snop;
	(pc) =	sbr.rel @p0 .LBB2_5-.Ltmp2, $1  }
0x2b: {  	_ =	sdelay $0x3  }
0x2c: {  	s14 =	sand.u32 $0x1, s12  }
0x2d: {  	_ =	swait.ge [sflag:s6], $0x3D00;
	p0 =	seq.s32 s14, $0x1;
	s14 =	simm.s32 $0x3D00  }
0x2e: {  	[sflag:s6] =	ssyncset.done $0x0;
	s14 =	simm.s32 @!p0 $0x0  }
0x2f: {  	[sflag:s6] =	ssyncadd.s32 $0xFFFFC300;
	(ifvalue) =	ssetifvalue $0x7FFFFFFF;
	v0 =	vld.msk [tilespmem:s14+$0x0 ss:$0x1], $0xffff;
	_ =	sdelay $0x1  }
0x30: {  	s15 =	sadd.s32 $0x10, s14  }
0x31: {  	v3 =	vld.msk [tilespmem:s15+$0x0 ss:$0x1], $0xffff;
	_ =	sdelay $0x1  }
0x32: {  	vm1 =	veq.s32 v0, $0x80000000  }
0x33: {  	v1 =	vshrl.u32 v0, $0xB;
	v2 =	vshrl.u32 v0, $0xC;
	v0 =	vshll.u32 v0, $0x9  }
0x34: {  	v1 =	vand.u32 $0x1, v1;
	v2 =	vand.u32 $0xFF, v2;
	v0 =	vand.u32 $0xFFE00, v0  }
0x35: {  	v62 =	vshrl.u32 v3, $0xC;
	v1 =	vsel vm1, $0xFFFFFFFF, v1;
	v2 =	vsel vm1, $0xFFFFFFFF, v2  }
0x36: {  	v0 =	vsel vm1, $0xFFFFFE00, v0;
	vm1 =	veq.s32 v3, $0x80000000;
	v4 =	vand.u32 $0xFFFFFE00, v1  }
0x37: {  	v5 =	vand.u32 $0x7F, v2;
	v2 =	vshll.u32 v2, $0x1;
	v0 =	vadd.s32 v0, v4  }
0x38: {  	v1 =	vshll.u32 v1, $0x7;
	v2 =	vand.u32 $0xFFFFFF00, v2;
	v0 =	vor.u32 v5, v0  }
0x39: {  	v1 =	vand.u32 $0x80, v1;
	v0 =	vadd.s32 v2, v0;
	v2 =	vshrl.u32 v3, $0xB  }
0x3a: {  	s15 =	sadd.s32 $0x10, s15;
	v3 =	vshll.u32 v3, $0x9;
	v1 =	vor.u32 v1, v0;
	v2 =	vand.u32 $0x1, v2  }
0x3b: {  	v4 =	vand.u32 $0xFF, v62;
	v0 =	vld.msk [tilespmem:s15+$0x0 ss:$0x1], $0xffff;
	v3 =	vand.u32 $0xFFE00, v3;
	v2 =	vsel vm1, $0xFFFFFFFF, v2  }
0x3c: {  	v4 =	vsel vm1, $0xFFFFFFFF, v4;
	v3 =	vsel vm1, $0xFFFFFE00, v3;
	v63 =	vand.u32 $0xFFFFFE00, v2  }
0x3d: {  	v6 =	vand.u32 $0x7F, v4;
	v4 =	vshll.u32 v4, $0x1;
	v3 =	vadd.s32 v3, v63  }
0x3e: {  	s14 =	sadd.s32 $0x7A00, s14;
	(ifvalue) =	ssetifvalue $0x7FFFFFFF;
	v4 =	vand.u32 $0xFFFFFF00, v4;
	v2 =	vshll.u32 v2, $0x7;
	v3 =	vor.u32 v6, v3  }
0x3f: {  	[tilespmem:s14], [sflag:$0x1] =	stream.indirect_vreg.gather [hbm4b:s2+s10], $0x1, v1, vm0, $0x4038;
	v1 =	vand.u32 $0x80, v2;
	v3 =	vadd.s32 v4, v3;
	[tilespmem:$0xF400] =	vst v63  }
0x40: {  	s16 =	simm.s32 $0x20;
	s17 =	sadd.s32 $0x10, s15;
	s15 =	smov.u32 s14;
	vm1 =	veq.s32 v0, $0x80000000;
	v2 =	vshrl.u32 v0, $0xB;
	v1 =	vor.u32 v1, v3  }
.LBB2_3:
0x41: {  	s16 =	sadd.s32 $0x10, s16;
	v2 =	vand.u32 $0x1, v2;
	v3 =	vshrl.u32 v0, $0xC;
	v4 =	vshll.u32 v0, $0x9;
	v0 =	vld.msk [tilespmem:s17+$0x0 ss:$0x1], $0xffff  }
0x42: {  	p0 =	slt.u32 s16, $0x3CF0;
	v2 =	vsel vm1, $0xFFFFFFFF, v2;
	v3 =	vand.u32 $0xFF, v3;
	v4 =	vand.u32 $0xFFE00, v4  }
.Ltmp3:
0x43: {  	v3 =	vsel vm1, $0xFFFFFFFF, v3;
	v4 =	vsel vm1, $0xFFFFFE00, v4;
	v5 =	vand.u32 $0xFFFFFE00, v2;
	(pc) =	sbr.rel @p0 .LBB2_3-.Ltmp3, $4  }
0x44: {  	s15 =	sadd.s32 $0x10, s15;
	v6 =	vand.u32 $0x7F, v3;
	v4 =	vadd.s32 v4, v5;
	v3 =	vshll.u32 v3, $0x1;
	(ifvalue) =	ssetifvalue $0x7FFFFFFF  }
0x45: {  	v2 =	vshll.u32 v2, $0x7;
	v3 =	vand.u32 $0xFFFFFF00, v3;
	v4 =	vor.u32 v6, v4;
	[tilespmem:s15], [sflag:$0x1] =	stream.indirect_vreg.gather [hbm4b:s2+s10], $0x1, v1, vm0, $0x4038;
	[tilespmem:$0xF400] =	vst v63  }
0x46: {  	v1 =	vand.u32 $0x80, v2;
	v3 =	vadd.s32 v3, v4  }
0x47: {  	s17 =	sadd.s32 $0x10, s17;
	vm1 =	veq.s32 v0, $0x80000000;
	v2 =	vshrl.u32 v0, $0xB;
	v1 =	vor.u32 v1, v3  }
.Ltmp4:
0x48: {  	_ = 	snop;
	(pc) =	sbr.rel .LBB2_4-.Ltmp4, $1  }
0x49: {  	_ =	sdelay $0x3  }
.LBB2_6:
0x4a: {  	_ =	sfence.sel $0x180000  }
0x4b: {  	s2 =	simm.s32 $0x2;
	[bflag:$0x0] =	sbarrier.arrive $0xFFFF  }
0x4c: {  	s30 =	simm.s32 $0x3;
	[sflag:s2] =	ssyncpa.u1 $0x1  }
0x4d: {  	s31 =	simm.s32 $0x1;
	[sflag:s30] =	ssyncpa.u1 $0x1  }
0x4e: {  	[sflag:s31] =	ssyncpa.u1 $0x1  }
0x4f: {  	p0 =	sne.s32 s1, $0x0;
	_ =	strace $0x90000047  }
0x50: {  	s0 =	sadd.s32 @!p0 $0x100000, s0;
	[bflag:$0x2] =	sbarrier.arrive $0xFFFF  }
0x51: {  	[sflag:s0] =	ssyncadd.tile.s32 @!p0 $0x1;
	_ =	shalt  }
.Lfunc_end2:
_tile_overlayer_lowered:
.L_overlay_start_2:
0x52: {  	(tag) =	ssettag $0x2  }
0x53: {  	s0 =	rddreg [dreg:$0x0];
	s2 =	stileid.u32  }
0x54: {  	s1 =	rddreg [dreg:$0x1];
	p0 =	sne.s32 s2, $0x0  }
0x55: {  	s3 =	rddreg [dreg:$0x2];
	[bflag:$0x3] =	sbarrier.arrive $0xFFFF;
	s2 =	simm.s32 @!p0 $0x1C01  }
0x56: {  	[timem:s3], [sflag:s2] =	dma.local @!p0 [hbm:s0], s1  }
0x57: {  	s0 =	simm.s32 @!p0 $0x1  }
0x58: {  	_ =	swait.ge @!p0 [sflag:s0], s1  }
0x59: {  	s1 =	ssub.s32 @!p0 $0x0, s1;
	[sflag:s0] =	ssyncset.done @!p0 $0x0  }
0x5a: {  	[sflag:s0] =	ssyncadd.s32 @!p0 s1  }
0x5b: {  	[bflag:$0x3] =	sbarrier.arrive $0xFFFF  }
0x5c: {  	_ =	shalt  }

// kernel: gather_offload_async_start.4
scs
__scs_entry_jumppad:
0x0: {  	(pc) =	sbr.rel $0x88, $3  }
0x1: {  	(tag) =	ssettag $0x0;
	lr =	simm.s32 $0x1  }
0x2: {  	[smem:$0x3F97] =	sst lr;
	_ =	strace $0xD0000000  }
0x3: {  	_ = 	snop  }
0x4: {  	_ = 	snop  }
0x5: {  	_ = 	snop  }
0x6: {  	_ = 	snop  }
0x7: {  	_ = 	snop  }
__scs_overlays_trampoline_lowered:
0x8: {  	[smem:$0x3FA6] =	sst s0  }
0x9: {  	[smem:$0x3FA7] =	sst s1  }
0xa: {  	[smem:$0x3FA8] =	sst s2  }
0xb: {  	[smem:$0x3FA9] =	sst s3  }
0xc: {  	[smem:$0x3FAA] =	sst s4  }
0xd: {  	[smem:$0x3FAB] =	sst s5  }
0xe: {  	[smem:$0x3FAC] =	sst s6  }
0xf: {  	[smem:$0x3FAD] =	sst s7  }
0x10: {  	[smem:$0x3FAE] =	sst s8  }
0x11: {  	[smem:$0x3FAF] =	sst s9;
	s0 =	simm.s32 @!p0 $0x0  }
0x12: {  	s1 =	sld [smem:$0x3F95];
	s0 =	simm.s32 @p0 $0x1  }
0x13: {  	[smem:$0x3FB0] =	sst s0;
	s0 =	simm.s32 @!p1 $0x0  }
0x14: {  	s2 =	sld [smem:$0x3F94];
	s0 =	simm.s32 @p1 $0x1  }
0x15: {  	[smem:$0x3FB1] =	sst s0;
	s0 =	simm.s32 @!p2 $0x0  }
0x16: {  	s3 =	sld [smem:$0x3FDB];
	s0 =	simm.s32 @p2 $0x1  }
0x17: {  	s4 =	simm.s32 $0x1BF5;
	[smem:$0x3FB3] =	sst s0  }
0x18: {  	s0 =	sld [smem:$0x3F96];
	_ =	swait.ge [sflag:s4], $0x0  }
0x19: {  	s7 =	sld [smem:$0x3F97]  }
0x1a: {  	s8 =	sadd.s32 $0xFFFFE003, lr  }
0x1b: {  	s9 =	sadd.s32 $0xFFFFFEF7, lr;
	s5 =	simm.s32 $0xFFFFFFFF;
	p2 =	slt.u32 s8, $0xFFFFF086  }
0x1c: {  	p1 =	slt.u32 s9, $0xF7A;
	s5 =	simm.s32 @!p2 $0x0  }
0x1d: {  	s5 =	simm.s32 @p1 $0x1;
	p0 =	seq.s32 s7, s2  }
0x1e: {  	s7 =	smul.u32 @!p0 $0xF7A, s2;
	p2 =	seq.s32 @!p0 s5, $0x0  }
0x1f: {  	s9 =	smul.u32 $0xF7A, s1;
	s8 =	simm.s32 @!p0 $0x1BF5;
	p2 =	por !p2, p0  }
0x20: {  	[sflag:s8] =	ssyncset.s32 @!p0 $0xFFFFF086;
	s6 =	sadd.s32 @!p0 s3, s7;
	s7 =	simm.s32 @!p0 $0x108  }
0x21: {  	s3 =	sadd.s32 s3, s9;
	s6 =	sadd.s32 @!p0 $0x88, s6;
	s7 =	simm.s32 @p2 $0x1082  }
0x22: {  	[simem:s7], [sflag:s8] =	dma.local @!p0 [hbm:s6], $0xF7A  }
0x23: {  	s9 =	sor.u32 $0xD0000000, s2;
	s6 =	simm.s32 $0x108;
	_ =	swait.ge @!p0 [sflag:s8], $0x0  }
0x24: {  	s3 =	sadd.s32 $0x88, s3;
	s6 =	simm.s32 @!p1 $0x1082;
	[sflag:s4] =	ssyncset.s32 $0xFFFFF086  }
0x25: {  	[simem:s6], [sflag:s4] =	dma.local [hbm:s3], $0xF7A  }
0x26: {  	[smem:$0x3F97] =	sst s1;
	(tag) =	ssettag s2;
	_ =	strace s9  }
0x27: {  	s1 =	sld [smem:$0x3FA7]  }
0x28: {  	s2 =	sld [smem:$0x3FA8]  }
0x29: {  	s4 =	sld [smem:$0x3FAA]  }
0x2a: {  	p0 =	seq.s32 s5, $0x0;
	s5 =	sld [smem:$0x3FAB]  }
0x2b: {  	s6 =	sld [smem:$0x3FAC]  }
0x2c: {  	s7 =	sld [smem:$0x3FAD]  }
0x2d: {  	s3 =	simm.s32 $0x108;
	s8 =	sld [smem:$0x3FAE]  }
0x2e: {  	s3 =	simm.s32 @!p0 $0x1082;
	s9 =	sld [smem:$0x3FAF]  }
0x2f: {  	lr =	sadd.s32 s0, s3;
	s0 =	sld [smem:$0x3FA6]  }
0x30: {  	s3 =	sld [smem:$0x3FA9]  }
0x31: {  	[smem:$0x3FB2] =	sst s10  }
0x32: {  	s10 =	sld [smem:$0x3FB0];
	_ =	sdelay $0x3  }
0x33: {  	p0 =	seq.s32 s10, $0x1;
	s10 =	sld [smem:$0x3FB2];
	_ =	sdelay $0x3  }
0x34: {  	[smem:$0x3FB2] =	sst s10  }
0x35: {  	s10 =	sld [smem:$0x3FB1];
	_ =	sdelay $0x3  }
0x36: {  	p1 =	seq.s32 s10, $0x1;
	s10 =	sld [smem:$0x3FB2];
	_ =	sdelay $0x3  }
0x37: {  	[smem:$0x3FB2] =	sst s10  }
0x38: {  	s10 =	sld [smem:$0x3FB3]  }
0x39: {  	_ = 	snop;
	(pc) =	sbr.ind lr, $3  }
0x3a: {  	_ = 	snop  }
0x3b: {  	_ = 	snop  }
0x3c: {  	p2 =	seq.s32 s10, $0x1;
	s10 =	sld [smem:$0x3FB2]  }
0x3d: {  	_ =	shalt  }
0x3e: {  	_ =	shalt  }
0x3f: {  	_ =	shalt  }
0x40: {  	_ =	shalt  }
0x41: {  	_ =	shalt  }
0x42: {  	_ =	shalt  }
0x43: {  	_ =	shalt  }
0x44: {  	_ =	shalt  }
0x45: {  	_ =	shalt  }
0x46: {  	_ =	shalt  }
0x47: {  	_ =	shalt  }
0x48: {  	_ =	shalt  }
0x49: {  	_ =	shalt  }
0x4a: {  	_ =	shalt  }
0x4b: {  	_ =	shalt  }
0x4c: {  	_ =	shalt  }
0x4d: {  	_ =	shalt  }
0x4e: {  	_ =	shalt  }
0x4f: {  	_ =	shalt  }
0x50: {  	_ =	shalt  }
0x51: {  	_ =	shalt  }
0x52: {  	_ =	shalt  }
0x53: {  	_ =	shalt  }
0x54: {  	_ =	shalt  }
0x55: {  	_ =	shalt  }
0x56: {  	_ =	shalt  }
0x57: {  	_ =	shalt  }
0x58: {  	_ =	shalt  }
0x59: {  	_ =	shalt  }
0x5a: {  	_ =	shalt  }
0x5b: {  	_ =	shalt  }
0x5c: {  	_ =	shalt  }
0x5d: {  	_ =	shalt  }
0x5e: {  	_ =	shalt  }
0x5f: {  	_ =	shalt  }
0x60: {  	_ =	shalt  }
0x61: {  	_ =	shalt  }
0x62: {  	_ =	shalt  }
0x63: {  	_ =	shalt  }
0x64: {  	_ =	shalt  }
0x65: {  	_ =	shalt  }
0x66: {  	_ =	shalt  }
0x67: {  	_ =	shalt  }
0x68: {  	_ =	shalt  }
0x69: {  	_ =	shalt  }
0x6a: {  	_ =	shalt  }
0x6b: {  	_ =	shalt  }
0x6c: {  	_ =	shalt  }
0x6d: {  	_ =	shalt  }
0x6e: {  	_ =	shalt  }
0x6f: {  	_ =	shalt  }
0x70: {  	_ =	shalt  }
0x71: {  	_ =	shalt  }
0x72: {  	_ =	shalt  }
0x73: {  	_ =	shalt  }
0x74: {  	_ =	shalt  }
0x75: {  	_ =	shalt  }
0x76: {  	_ =	shalt  }
0x77: {  	_ =	shalt  }
0x78: {  	_ =	shalt  }
0x79: {  	_ =	shalt  }
0x7a: {  	_ =	shalt  }
0x7b: {  	_ =	shalt  }
0x7c: {  	_ =	shalt  }
0x7d: {  	_ =	shalt  }
0x7e: {  	_ =	shalt  }
0x7f: {  	_ =	shalt  }
0x80: {  	_ =	shalt  }
0x81: {  	_ =	shalt  }
0x82: {  	_ =	shalt  }
0x83: {  	_ =	shalt  }
0x84: {  	_ =	shalt  }
0x85: {  	_ =	shalt  }
0x86: {  	_ =	shalt  }
0x87: {  	_ =	shalt  }
.Lfunc_end0:
.L_simem_size_0:
called_computation.4_lowered:
.L_overlay_start_0:
0x88: {  	s2 =	sld [smem:$0x3FD9]  }
0x89: {  	s3 =	sld [smem:$0x3FFE];
	_ =	sdelay $0x1  }
0x8a: {  	s1 =	srdreg.scid  }
0x8b: {  	s0 =	sand.u32 $0x1, s1  }
0x8c: {  	s16 =	sshll.u32 s0, $0xA;
	s2 =	sadd.s32 s3, s2  }
0x8d: {  	s2 =	sadd.s32 s2, s16  }
0x8e: {  	[smem:$0x3FBE] =	sst s2  }
0x8f: {  	_ = 	snop  }
0x90: {  	(tm) =	ssettm $0x1  }
0x91: {  	s17 =	sld [smem:$0x3FFB];
	_ =	sdelay $0x3  }
0x92: {  	_ =	strace s17  }
0x93: {  	s2 =	sld [smem:$0x3FFC];
	_ =	sdelay $0x3  }
0x94: {  	_ =	strace s2  }
0x95: {  	s2 =	sld [smem:$0x3FFD];
	_ =	sdelay $0x3  }
0x96: {  	_ =	strace s2  }
0x97: {  	_ =	strace $0x8FFFFFFF  }
0x98: {  	s18 =	sld [smem:$0x3FDB];
	_ =	sdelay $0x1  }
0x99: {  	s19 =	simm.s32 $_scs_section_size  }
0x9a: {  	s4 =	simm.s32 $_size__tile_overlayer_lowered;
	s5 =	simm.s32 $_tile_overlayer_lowered  }
0x9b: {  	s22 =	simm.s32 $0x1BFF;
	s21 =	sshll.u32 s5, $0x1;
	s2 =	sadd.s32 s19, s18  }
0x9c: {  	s6 =	simm.s32 $0x0;
	s20 =	sshll.u32 s4, $0x1;
	s4 =	sadd.s32 s21, s2  }
0x9d: {  	[timem:s6], [sflag:s22] =	dma.local [hbm:s4], s20  }
0x9e: {  	_ =	swait.ge [sflag:s22], s20  }
0x9f: {  	s3 =	ssub.s32 $0x0, s20;
	[sflag:s22] =	ssyncset.done $0x0  }
0xa0: {  	[sflag:s22] =	ssyncadd.s32 s3;
	_ =	sdelay $0x1  }
0xa1: {  	s23 =	simm.s32 $0x1B8B  }
0xa2: {  	_ =	swait.ge [sflag:s23], $0x1  }
0xa3: {  	[sflag:s23] =	ssyncset.done $0x0  }
0xa4: {  	s25 =	simm.s32 $0x1B8E;
	s24 =	sld [smem:$0x3FFE];
	[sflag:s23] =	ssyncadd.s32 $0xFFFFFFFF  }
0xa5: {  	s26 =	simm.s32 $execute0_lowered;
	[smem:$0x3FD2] =	sst s25  }
0xa6: {  	s4 =	sshll.u32 s26, $0x1;
	_ =	strace $0x8000004C;
	[dreg:$0x1] =	wrdreg $0xFFFFFFFF  }
0xa7: {  	s28 =	simm.s32 $_size_execute0_lowered;
	s2 =	sadd.s32 s2, s4;
	[dreg:$0x0] =	wrdreg $0x0  }
0xa8: {  	s4 =	sshll.u32 s28, $0x1;
	[dreg:$0x2] =	wrdreg s2  }
0xa9: {  	[dreg:$0x3] =	wrdreg s4  }
0xaa: {  	[dreg:$0x4] =	wrdreg $0xC0  }
0xab: {  	_ =	task [dreg:s6], $0x5FFFF  }
0xac: {  	[dreg:$0x1] =	wrdreg $0xFFFFFFFF  }
0xad: {  	[dreg:$0x0] =	wrdreg $0x60  }
0xae: {  	[dreg:$0x2] =	wrdreg s24  }
0xaf: {  	[dreg:$0x3] =	wrdreg $0x9  }
0xb0: {  	_ =	task.clear_ibuf [dreg:s6], $0x4FFFF;
	_ =	strace $0x9000004C  }
0xb1: {  	s29 =	simm.s32 $0x9;
	_ =	strace $0x8000004E  }
0xb2: {  	_ =	swait.ge [sflag:s29], $0x1  }
0xb3: {  	[sflag:s29] =	ssyncadd.s32 $0xFFFFFFFF  }
0xb4: {  	_ =	strace $0x9000004E  }
0xb5: {  	_ =	sfence  }
0xb6: {  	s30 =	sld [smem:$0x0];
	_ =	sdelay $0x2  }
0xb7: {  	s31 =	sshll.u32 s1, $0xD;
	s1 =	sshrl.u32 s1, $0x2  }
0xb8: {  	s3 =	sand.u32 $0x4000, s31;
	s1 =	sadd.s32 s1, s30  }
0xb9: {  	s0 =	sor.u32 s3, s0;
	s1 =	sshll.u32 s1, $0x11  }
0xba: {  	s0 =	sor.u32 s1, s0  }
0xbb: {  	s0 =	sadd.s32 $0x8F2B, s0  }
0xbc: {  	[sflag:s0] =	ssyncadd.remote.s32 $0x1  }
0xbd: {  	_ =	sfence.sel $0xFFFF  }
0xbe: {  	[dreg:$0x0] =	wrdreg $0xFFFFFFFF;
	(pc) =	sbr.abs _section_cstart, $3  }
0xbf: {  	[dreg:$0x1] =	wrdreg $0xFFFFFFFF  }
0xc0: {  	_ =	task.clear_ibuf [dreg:s6], $0x2FFFF;
	_ =	strace $0x9FFFFFFF  }
0xc1: {  	(tm) =	ssettm $0x7FFFFFFF  }
tec
execute0_lowered:
.L_overlay_start_1:
0x0: {  	(tag) =	ssettag $0x1  }
0x1: {  	s8 =	rddreg [dreg:$0x0]  }
0x2: {  	s0 =	rddreg [dreg:$0x1];
	_ =	strace $0x8000004D;
	s1 =	stileid.u32  }
0x3: {  	s3 =	srdreg.scid;
	s4 =	simm.s32 $0x1;
	s7 =	simm.s32 $0x1  }
0x4: {  	s9 =	simm.s32 $0x1;
	s10 =	simm.s32 $0x3;
	s13 =	simm.s32 $0x0  }
0x5: {  	s12 =	simm.s32 $0x0;
	s5 =	sand.u32 $0x1, s3;
	s6 =	sshll.u32 s1, $0x1  }
0x6: {  	s2 =	sadd.s32 $0x124A00, s8;
	s3 =	sadd.s32 $0x228A00, s8;
	s5 =	sor.u32 s6, s5  }
.Ltmp0:
0x7: {  	[sflag:s4] =	ssyncpa.u1 $0x0;
	p0 =	slt.u32 s5, $0x11;
	(pc) =	sbr.rel .LBB2_1-.Ltmp0, $4  }
0x8: {  	s6 =	simm.s32 $0x2;
	s7 =	simm.s32 @!p0 $0x0;
	p0 =	sne.s32 s5, $0x10  }
0x9: {  	[sflag:s6] =	ssyncpa.u1 $0x0;
	s5 =	smul.u32 $0x3D00, s5;
	s9 =	simm.s32 @!p0 $0x0  }
0xa: {  	s8 =	sadd.s32 $0x44B000, s8;
	[sflag:s10] =	ssyncpa.u1 $0x0;
	s7 =	sadd.s32 s9, s7  }
0xb: {  	vm0 =	vmmov $0xffff;
	s10 =	simm.s32 $0x0;
	s11 =	smov.u32 s5;
	s9 =	sadd.s32 $0x1, s7  }
.LBB2_4:
0xc: {  	v2 =	vand.u32 $0x1, v2;
	v3 =	vshrl.u32 v0, $0xC;
	v63 =	vshll.u32 v0, $0x9  }
0xd: {  	v2 =	vsel vm1, $0xFFFFFFFF, v2;
	v3 =	vand.u32 $0xFF, v3;
	v0 =	vand.u32 $0xFFE00, v63  }
0xe: {  	v3 =	vsel vm1, $0xFFFFFFFF, v3;
	v0 =	vsel vm1, $0xFFFFFE00, v0;
	v4 =	vand.u32 $0xFFFFFE00, v2  }
0xf: {  	v5 =	vand.u32 $0x7F, v3;
	v0 =	vadd.s32 v0, v4;
	v3 =	vshll.u32 v3, $0x1  }
0x10: {  	v2 =	vshll.u32 v2, $0x7;
	v3 =	vand.u32 $0xFFFFFF00, v3;
	v0 =	vor.u32 v5, v0  }
0x11: {  	v2 =	vand.u32 $0x80, v2;
	v0 =	vadd.s32 v3, v0  }
0x12: {  	v0 =	vor.u32 v2, v0;
	_ =	sdelay $0x1  }
0x13: {  	(ifvalue) =	ssetifvalue $0x7FFFFFFF;
	s15 =	sadd.s32 $0x10, s15  }
0x14: {  	[tilespmem:s15], [sflag:$0x1] =	stream.indirect_vreg.gather [hbm4b:s2+s10], $0x1, v1, vm0, $0x4038;
	[tilespmem:$0xF400] =	vst v63  }
0x15: {  	(ifvalue) =	ssetifvalue $0x7FFFFFFF;
	s15 =	sadd.s32 $0x10, s15  }
0x16: {  	[tilespmem:s15], [sflag:$0x1] =	stream.indirect_vreg.gather [hbm4b:s2+s10], $0x1, v0, vm0, $0x4038;
	[tilespmem:$0xF400] =	vst v63  }
0x17: {  	_ =	swait.ge [sflag:s4], $0x3D00  }
0x18: {  	s30 =	sshrl.u32 s13, $0x3;
	[sflag:s4] =	ssyncset.done $0x0  }
0x19: {  	s31 =	sand.u32 $0x7, s13;
	s15 =	sadd.s32 s8, s30;
	[sflag:s4] =	ssyncadd.s32 $0xFFFFC300  }
0x1a: {  	[hbm4b:s15+s31] =	stream.linear.scatter [tilespmem:s14], [sflag:$0x3], $0x3D00, $0x38;
	[tilespmem:$0xF400] =	vst v63  }
.LBB2_5:
0x1b: {  	s15 =	sadd.s32 $0x7A000, s11  }
0x1c: {  	p1 =	sgt.s32 s15, $0xB6FFF  }
0x1d: {  	s15 =	smov.u32 @p1 s5;
	p1 =	sne.s32 s12, s9  }
.Ltmp1:
0x1e: {  	p0 =	slt.u32 s12, $0x2;
	(pc) =	sbr.rel @!p1 .LBB2_6-.Ltmp1, $4  }
0x1f: {  	s14 =	simm.s32 @!p0 $0x3  }
0x20: {  	_ =	swait.ge @!p0 [sflag:s14], $0x3D00  }
0x21: {  	s16 =	sadd.s32 $0x1, s12;
	s13 =	smov.u32 s11;
	[sflag:s14] =	ssyncset.done @!p0 $0x0  }
0x22: {  	s12 =	smov.u32 s16;
	s11 =	smov.u32 s15;
	[sflag:s14] =	ssyncadd.s32 @!p0 $0xFFFFC300  }
.LBB2_1:
0x23: {  	p0 =	sge.u32 s12, s7  }
0x24: {  	s14 =	sxor.u32 @!p0 $0x1, s12  }
0x25: {  	s14 =	smul.u32 @!p0 $0xF400, s14  }
0x26: {  	s31 =	sadd.s32 $0xFFFFFFFF, s12;
	s15 =	sshrl.u32 @!p0 s11, $0x3  }
0x27: {  	s16 =	sand.u32 @!p0 $0x7, s11;
	s15 =	sadd.s32 @!p0 s3, s15;
	s14 =	sshra.s32 @!p0 s14, $0x2  }
0x28: {  	[tilespmem:s14], [sflag:$0x2] =	stream.linear.gather @!p0 [hbm4b:s15+s16], $0x3D00, $0x38;
	[tilespmem:$0xF400] =	vst v63  }
0x29: {  	p0 =	sge.u32 s31, s7  }
.Ltmp2:
0x2a: {  	_ = 	snop;
	(pc) =	sbr.rel @p0 .LBB2_5-.Ltmp2, $1  }
0x2b: {  	_ =	sdelay $0x3  }
0x2c: {  	s14 =	sand.u32 $0x1, s12  }
0x2d: {  	_ =	swait.ge [sflag:s6], $0x3D00;
	p0 =	seq.s32 s14, $0x1;
	s14 =	simm.s32 $0x3D00  }
0x2e: {  	[sflag:s6] =	ssyncset.done $0x0;
	s14 =	simm.s32 @!p0 $0x0  }
0x2f: {  	[sflag:s6] =	ssyncadd.s32 $0xFFFFC300;
	(ifvalue) =	ssetifvalue $0x7FFFFFFF;
	v0 =	vld.msk [tilespmem:s14+$0x0 ss:$0x1], $0xffff;
	_ =	sdelay $0x1  }
0x30: {  	s15 =	sadd.s32 $0x10, s14  }
0x31: {  	v3 =	vld.msk [tilespmem:s15+$0x0 ss:$0x1], $0xffff;
	_ =	sdelay $0x1  }
0x32: {  	vm1 =	veq.s32 v0, $0x80000000  }
0x33: {  	v1 =	vshrl.u32 v0, $0xB;
	v2 =	vshrl.u32 v0, $0xC;
	v0 =	vshll.u32 v0, $0x9  }
0x34: {  	v1 =	vand.u32 $0x1, v1;
	v2 =	vand.u32 $0xFF, v2;
	v0 =	vand.u32 $0xFFE00, v0  }
0x35: {  	v62 =	vshrl.u32 v3, $0xC;
	v1 =	vsel vm1, $0xFFFFFFFF, v1;
	v2 =	vsel vm1, $0xFFFFFFFF, v2  }
0x36: {  	v0 =	vsel vm1, $0xFFFFFE00, v0;
	vm1 =	veq.s32 v3, $0x80000000;
	v4 =	vand.u32 $0xFFFFFE00, v1  }
0x37: {  	v5 =	vand.u32 $0x7F, v2;
	v2 =	vshll.u32 v2, $0x1;
	v0 =	vadd.s32 v0, v4  }
0x38: {  	v1 =	vshll.u32 v1, $0x7;
	v2 =	vand.u32 $0xFFFFFF00, v2;
	v0 =	vor.u32 v5, v0  }
0x39: {  	v1 =	vand.u32 $0x80, v1;
	v0 =	vadd.s32 v2, v0;
	v2 =	vshrl.u32 v3, $0xB  }
0x3a: {  	s15 =	sadd.s32 $0x10, s15;
	v3 =	vshll.u32 v3, $0x9;
	v1 =	vor.u32 v1, v0;
	v2 =	vand.u32 $0x1, v2  }
0x3b: {  	v4 =	vand.u32 $0xFF, v62;
	v0 =	vld.msk [tilespmem:s15+$0x0 ss:$0x1], $0xffff;
	v3 =	vand.u32 $0xFFE00, v3;
	v2 =	vsel vm1, $0xFFFFFFFF, v2  }
0x3c: {  	v4 =	vsel vm1, $0xFFFFFFFF, v4;
	v3 =	vsel vm1, $0xFFFFFE00, v3;
	v63 =	vand.u32 $0xFFFFFE00, v2  }
0x3d: {  	v6 =	vand.u32 $0x7F, v4;
	v4 =	vshll.u32 v4, $0x1;
	v3 =	vadd.s32 v3, v63  }
0x3e: {  	s14 =	sadd.s32 $0x7A00, s14;
	(ifvalue) =	ssetifvalue $0x7FFFFFFF;
	v4 =	vand.u32 $0xFFFFFF00, v4;
	v2 =	vshll.u32 v2, $0x7;
	v3 =	vor.u32 v6, v3  }
0x3f: {  	[tilespmem:s14], [sflag:$0x1] =	stream.indirect_vreg.gather [hbm4b:s2+s10], $0x1, v1, vm0, $0x4038;
	v1 =	vand.u32 $0x80, v2;
	v3 =	vadd.s32 v4, v3;
	[tilespmem:$0xF400] =	vst v63  }
0x40: {  	s16 =	simm.s32 $0x20;
	s17 =	sadd.s32 $0x10, s15;
	s15 =	smov.u32 s14;
	vm1 =	veq.s32 v0, $0x80000000;
	v2 =	vshrl.u32 v0, $0xB;
	v1 =	vor.u32 v1, v3  }
.LBB2_3:
0x41: {  	s16 =	sadd.s32 $0x10, s16;
	v2 =	vand.u32 $0x1, v2;
	v3 =	vshrl.u32 v0, $0xC;
	v4 =	vshll.u32 v0, $0x9;
	v0 =	vld.msk [tilespmem:s17+$0x0 ss:$0x1], $0xffff  }
0x42: {  	p0 =	slt.u32 s16, $0x3CF0;
	v2 =	vsel vm1, $0xFFFFFFFF, v2;
	v3 =	vand.u32 $0xFF, v3;
	v4 =	vand.u32 $0xFFE00, v4  }
.Ltmp3:
0x43: {  	v3 =	vsel vm1, $0xFFFFFFFF, v3;
	v4 =	vsel vm1, $0xFFFFFE00, v4;
	v5 =	vand.u32 $0xFFFFFE00, v2;
	(pc) =	sbr.rel @p0 .LBB2_3-.Ltmp3, $4  }
0x44: {  	s15 =	sadd.s32 $0x10, s15;
	v6 =	vand.u32 $0x7F, v3;
	v4 =	vadd.s32 v4, v5;
	v3 =	vshll.u32 v3, $0x1;
	(ifvalue) =	ssetifvalue $0x7FFFFFFF  }
0x45: {  	v2 =	vshll.u32 v2, $0x7;
	v3 =	vand.u32 $0xFFFFFF00, v3;
	v4 =	vor.u32 v6, v4;
	[tilespmem:s15], [sflag:$0x1] =	stream.indirect_vreg.gather [hbm4b:s2+s10], $0x1, v1, vm0, $0x4038;
	[tilespmem:$0xF400] =	vst v63  }
0x46: {  	v1 =	vand.u32 $0x80, v2;
	v3 =	vadd.s32 v3, v4  }
0x47: {  	s17 =	sadd.s32 $0x10, s17;
	vm1 =	veq.s32 v0, $0x80000000;
	v2 =	vshrl.u32 v0, $0xB;
	v1 =	vor.u32 v1, v3  }
.Ltmp4:
0x48: {  	_ = 	snop;
	(pc) =	sbr.rel .LBB2_4-.Ltmp4, $1  }
0x49: {  	_ =	sdelay $0x3  }
.LBB2_6:
0x4a: {  	_ =	sfence.sel $0x180000  }
0x4b: {  	s2 =	simm.s32 $0x2;
	[bflag:$0x0] =	sbarrier.arrive $0xFFFF  }
0x4c: {  	s30 =	simm.s32 $0x3;
	[sflag:s2] =	ssyncpa.u1 $0x1  }
0x4d: {  	s31 =	simm.s32 $0x1;
	[sflag:s30] =	ssyncpa.u1 $0x1  }
0x4e: {  	[sflag:s31] =	ssyncpa.u1 $0x1  }
0x4f: {  	p0 =	sne.s32 s1, $0x0;
	_ =	strace $0x9000004D  }
0x50: {  	s0 =	sadd.s32 @!p0 $0x100000, s0;
	[bflag:$0x2] =	sbarrier.arrive $0xFFFF  }
0x51: {  	[sflag:s0] =	ssyncadd.tile.s32 @!p0 $0x1;
	_ =	shalt  }
.Lfunc_end2:
_tile_overlayer_lowered:
.L_overlay_start_2:
0x52: {  	(tag) =	ssettag $0x2  }
0x53: {  	s0 =	rddreg [dreg:$0x0];
	s2 =	stileid.u32  }
0x54: {  	s1 =	rddreg [dreg:$0x1];
	p0 =	sne.s32 s2, $0x0  }
0x55: {  	s3 =	rddreg [dreg:$0x2];
	[bflag:$0x3] =	sbarrier.arrive $0xFFFF;
	s2 =	simm.s32 @!p0 $0x1C01  }
0x56: {  	[timem:s3], [sflag:s2] =	dma.local @!p0 [hbm:s0], s1  }
0x57: {  	s0 =	simm.s32 @!p0 $0x1  }
0x58: {  	_ =	swait.ge @!p0 [sflag:s0], s1  }
0x59: {  	s1 =	ssub.s32 @!p0 $0x0, s1;
	[sflag:s0] =	ssyncset.done @!p0 $0x0  }
0x5a: {  	[sflag:s0] =	ssyncadd.s32 @!p0 s1  }
0x5b: {  	[bflag:$0x3] =	sbarrier.arrive $0xFFFF  }
0x5c: {  	_ =	shalt  }

// kernel: gather_offload_async_start.5
scs
__scs_entry_jumppad:
0x0: {  	(pc) =	sbr.rel $0x88, $3  }
0x1: {  	(tag) =	ssettag $0x0;
	lr =	simm.s32 $0x1  }
0x2: {  	[smem:$0x3F97] =	sst lr;
	_ =	strace $0xD0000000  }
0x3: {  	_ = 	snop  }
0x4: {  	_ = 	snop  }
0x5: {  	_ = 	snop  }
0x6: {  	_ = 	snop  }
0x7: {  	_ = 	snop  }
__scs_overlays_trampoline_lowered:
0x8: {  	[smem:$0x3FA6] =	sst s0  }
0x9: {  	[smem:$0x3FA7] =	sst s1  }
0xa: {  	[smem:$0x3FA8] =	sst s2  }
0xb: {  	[smem:$0x3FA9] =	sst s3  }
0xc: {  	[smem:$0x3FAA] =	sst s4  }
0xd: {  	[smem:$0x3FAB] =	sst s5  }
0xe: {  	[smem:$0x3FAC] =	sst s6  }
0xf: {  	[smem:$0x3FAD] =	sst s7  }
0x10: {  	[smem:$0x3FAE] =	sst s8  }
0x11: {  	[smem:$0x3FAF] =	sst s9;
	s0 =	simm.s32 @!p0 $0x0  }
0x12: {  	s1 =	sld [smem:$0x3F95];
	s0 =	simm.s32 @p0 $0x1  }
0x13: {  	[smem:$0x3FB0] =	sst s0;
	s0 =	simm.s32 @!p1 $0x0  }
0x14: {  	s2 =	sld [smem:$0x3F94];
	s0 =	simm.s32 @p1 $0x1  }
0x15: {  	[smem:$0x3FB1] =	sst s0;
	s0 =	simm.s32 @!p2 $0x0  }
0x16: {  	s3 =	sld [smem:$0x3FDB];
	s0 =	simm.s32 @p2 $0x1  }
0x17: {  	s4 =	simm.s32 $0x1BF5;
	[smem:$0x3FB3] =	sst s0  }
0x18: {  	s0 =	sld [smem:$0x3F96];
	_ =	swait.ge [sflag:s4], $0x0  }
0x19: {  	s7 =	sld [smem:$0x3F97]  }
0x1a: {  	s8 =	sadd.s32 $0xFFFFE003, lr  }
0x1b: {  	s9 =	sadd.s32 $0xFFFFFEF7, lr;
	s5 =	simm.s32 $0xFFFFFFFF;
	p2 =	slt.u32 s8, $0xFFFFF086  }
0x1c: {  	p1 =	slt.u32 s9, $0xF7A;
	s5 =	simm.s32 @!p2 $0x0  }
0x1d: {  	s5 =	simm.s32 @p1 $0x1;
	p0 =	seq.s32 s7, s2  }
0x1e: {  	s7 =	smul.u32 @!p0 $0xF7A, s2;
	p2 =	seq.s32 @!p0 s5, $0x0  }
0x1f: {  	s9 =	smul.u32 $0xF7A, s1;
	s8 =	simm.s32 @!p0 $0x1BF5;
	p2 =	por !p2, p0  }
0x20: {  	[sflag:s8] =	ssyncset.s32 @!p0 $0xFFFFF086;
	s6 =	sadd.s32 @!p0 s3, s7;
	s7 =	simm.s32 @!p0 $0x108  }
0x21: {  	s3 =	sadd.s32 s3, s9;
	s6 =	sadd.s32 @!p0 $0x88, s6;
	s7 =	simm.s32 @p2 $0x1082  }
0x22: {  	[simem:s7], [sflag:s8] =	dma.local @!p0 [hbm:s6], $0xF7A  }
0x23: {  	s9 =	sor.u32 $0xD0000000, s2;
	s6 =	simm.s32 $0x108;
	_ =	swait.ge @!p0 [sflag:s8], $0x0  }
0x24: {  	s3 =	sadd.s32 $0x88, s3;
	s6 =	simm.s32 @!p1 $0x1082;
	[sflag:s4] =	ssyncset.s32 $0xFFFFF086  }
0x25: {  	[simem:s6], [sflag:s4] =	dma.local [hbm:s3], $0xF7A  }
0x26: {  	[smem:$0x3F97] =	sst s1;
	(tag) =	ssettag s2;
	_ =	strace s9  }
0x27: {  	s1 =	sld [smem:$0x3FA7]  }
0x28: {  	s2 =	sld [smem:$0x3FA8]  }
0x29: {  	s4 =	sld [smem:$0x3FAA]  }
0x2a: {  	p0 =	seq.s32 s5, $0x0;
	s5 =	sld [smem:$0x3FAB]  }
0x2b: {  	s6 =	sld [smem:$0x3FAC]  }
0x2c: {  	s7 =	sld [smem:$0x3FAD]  }
0x2d: {  	s3 =	simm.s32 $0x108;
	s8 =	sld [smem:$0x3FAE]  }
0x2e: {  	s3 =	simm.s32 @!p0 $0x1082;
	s9 =	sld [smem:$0x3FAF]  }
0x2f: {  	lr =	sadd.s32 s0, s3;
	s0 =	sld [smem:$0x3FA6]  }
0x30: {  	s3 =	sld [smem:$0x3FA9]  }
0x31: {  	[smem:$0x3FB2] =	sst s10  }
0x32: {  	s10 =	sld [smem:$0x3FB0];
	_ =	sdelay $0x3  }
0x33: {  	p0 =	seq.s32 s10, $0x1;
	s10 =	sld [smem:$0x3FB2];
	_ =	sdelay $0x3  }
0x34: {  	[smem:$0x3FB2] =	sst s10  }
0x35: {  	s10 =	sld [smem:$0x3FB1];
	_ =	sdelay $0x3  }
0x36: {  	p1 =	seq.s32 s10, $0x1;
	s10 =	sld [smem:$0x3FB2];
	_ =	sdelay $0x3  }
0x37: {  	[smem:$0x3FB2] =	sst s10  }
0x38: {  	s10 =	sld [smem:$0x3FB3]  }
0x39: {  	_ = 	snop;
	(pc) =	sbr.ind lr, $3  }
0x3a: {  	_ = 	snop  }
0x3b: {  	_ = 	snop  }
0x3c: {  	p2 =	seq.s32 s10, $0x1;
	s10 =	sld [smem:$0x3FB2]  }
0x3d: {  	_ =	shalt  }
0x3e: {  	_ =	shalt  }
0x3f: {  	_ =	shalt  }
0x40: {  	_ =	shalt  }
0x41: {  	_ =	shalt  }
0x42: {  	_ =	shalt  }
0x43: {  	_ =	shalt  }
0x44: {  	_ =	shalt  }
0x45: {  	_ =	shalt  }
0x46: {  	_ =	shalt  }
0x47: {  	_ =	shalt  }
0x48: {  	_ =	shalt  }
0x49: {  	_ =	shalt  }
0x4a: {  	_ =	shalt  }
0x4b: {  	_ =	shalt  }
0x4c: {  	_ =	shalt  }
0x4d: {  	_ =	shalt  }
0x4e: {  	_ =	shalt  }
0x4f: {  	_ =	shalt  }
0x50: {  	_ =	shalt  }
0x51: {  	_ =	shalt  }
0x52: {  	_ =	shalt  }
0x53: {  	_ =	shalt  }
0x54: {  	_ =	shalt  }
0x55: {  	_ =	shalt  }
0x56: {  	_ =	shalt  }
0x57: {  	_ =	shalt  }
0x58: {  	_ =	shalt  }
0x59: {  	_ =	shalt  }
0x5a: {  	_ =	shalt  }
0x5b: {  	_ =	shalt  }
0x5c: {  	_ =	shalt  }
0x5d: {  	_ =	shalt  }
0x5e: {  	_ =	shalt  }
0x5f: {  	_ =	shalt  }
0x60: {  	_ =	shalt  }
0x61: {  	_ =	shalt  }
0x62: {  	_ =	shalt  }
0x63: {  	_ =	shalt  }
0x64: {  	_ =	shalt  }
0x65: {  	_ =	shalt  }
0x66: {  	_ =	shalt  }
0x67: {  	_ =	shalt  }
0x68: {  	_ =	shalt  }
0x69: {  	_ =	shalt  }
0x6a: {  	_ =	shalt  }
0x6b: {  	_ =	shalt  }
0x6c: {  	_ =	shalt  }
0x6d: {  	_ =	shalt  }
0x6e: {  	_ =	shalt  }
0x6f: {  	_ =	shalt  }
0x70: {  	_ =	shalt  }
0x71: {  	_ =	shalt  }
0x72: {  	_ =	shalt  }
0x73: {  	_ =	shalt  }
0x74: {  	_ =	shalt  }
0x75: {  	_ =	shalt  }
0x76: {  	_ =	shalt  }
0x77: {  	_ =	shalt  }
0x78: {  	_ =	shalt  }
0x79: {  	_ =	shalt  }
0x7a: {  	_ =	shalt  }
0x7b: {  	_ =	shalt  }
0x7c: {  	_ =	shalt  }
0x7d: {  	_ =	shalt  }
0x7e: {  	_ =	shalt  }
0x7f: {  	_ =	shalt  }
0x80: {  	_ =	shalt  }
0x81: {  	_ =	shalt  }
0x82: {  	_ =	shalt  }
0x83: {  	_ =	shalt  }
0x84: {  	_ =	shalt  }
0x85: {  	_ =	shalt  }
0x86: {  	_ =	shalt  }
0x87: {  	_ =	shalt  }
.Lfunc_end0:
.L_simem_size_0:
called_computation.5_lowered:
.L_overlay_start_0:
0x88: {  	s2 =	sld [smem:$0x3FD9]  }
0x89: {  	s3 =	sld [smem:$0x3FFE];
	_ =	sdelay $0x1  }
0x8a: {  	s1 =	srdreg.scid  }
0x8b: {  	s0 =	sand.u32 $0x1, s1  }
0x8c: {  	s16 =	sshll.u32 s0, $0xA;
	s2 =	sadd.s32 s3, s2  }
0x8d: {  	s2 =	sadd.s32 s2, s16  }
0x8e: {  	[smem:$0x3FBE] =	sst s2  }
0x8f: {  	_ = 	snop  }
0x90: {  	(tm) =	ssettm $0x1  }
0x91: {  	s17 =	sld [smem:$0x3FFB];
	_ =	sdelay $0x3  }
0x92: {  	_ =	strace s17  }
0x93: {  	s2 =	sld [smem:$0x3FFC];
	_ =	sdelay $0x3  }
0x94: {  	_ =	strace s2  }
0x95: {  	s2 =	sld [smem:$0x3FFD];
	_ =	sdelay $0x3  }
0x96: {  	_ =	strace s2  }
0x97: {  	_ =	strace $0x8FFFFFFF  }
0x98: {  	s18 =	sld [smem:$0x3FDB];
	_ =	sdelay $0x1  }
0x99: {  	s19 =	simm.s32 $_scs_section_size  }
0x9a: {  	s4 =	simm.s32 $_size__tile_overlayer_lowered;
	s5 =	simm.s32 $_tile_overlayer_lowered  }
0x9b: {  	s22 =	simm.s32 $0x1BFF;
	s21 =	sshll.u32 s5, $0x1;
	s2 =	sadd.s32 s19, s18  }
0x9c: {  	s6 =	simm.s32 $0x0;
	s20 =	sshll.u32 s4, $0x1;
	s4 =	sadd.s32 s21, s2  }
0x9d: {  	[timem:s6], [sflag:s22] =	dma.local [hbm:s4], s20  }
0x9e: {  	_ =	swait.ge [sflag:s22], s20  }
0x9f: {  	s3 =	ssub.s32 $0x0, s20;
	[sflag:s22] =	ssyncset.done $0x0  }
0xa0: {  	[sflag:s22] =	ssyncadd.s32 s3;
	_ =	sdelay $0x1  }
0xa1: {  	s23 =	simm.s32 $0x1B8B  }
0xa2: {  	_ =	swait.ge [sflag:s23], $0x1  }
0xa3: {  	[sflag:s23] =	ssyncset.done $0x0  }
0xa4: {  	s25 =	simm.s32 $0x1B8E;
	s24 =	sld [smem:$0x3FFE];
	[sflag:s23] =	ssyncadd.s32 $0xFFFFFFFF  }
0xa5: {  	s26 =	simm.s32 $execute0_lowered;
	[smem:$0x3FD2] =	sst s25  }
0xa6: {  	s4 =	sshll.u32 s26, $0x1;
	_ =	strace $0x80000055;
	[dreg:$0x1] =	wrdreg $0xFFFFFFFF  }
0xa7: {  	s28 =	simm.s32 $_size_execute0_lowered;
	s2 =	sadd.s32 s2, s4;
	[dreg:$0x0] =	wrdreg $0x0  }
0xa8: {  	s4 =	sshll.u32 s28, $0x1;
	[dreg:$0x2] =	wrdreg s2  }
0xa9: {  	[dreg:$0x3] =	wrdreg s4  }
0xaa: {  	[dreg:$0x4] =	wrdreg $0xC0  }
0xab: {  	_ =	task [dreg:s6], $0x5FFFF  }
0xac: {  	[dreg:$0x1] =	wrdreg $0xFFFFFFFF  }
0xad: {  	[dreg:$0x0] =	wrdreg $0x60  }
0xae: {  	[dreg:$0x2] =	wrdreg s24  }
0xaf: {  	[dreg:$0x3] =	wrdreg $0x9  }
0xb0: {  	_ =	task.clear_ibuf [dreg:s6], $0x4FFFF;
	_ =	strace $0x90000055  }
0xb1: {  	s29 =	simm.s32 $0x9;
	_ =	strace $0x80000057  }
0xb2: {  	_ =	swait.ge [sflag:s29], $0x1  }
0xb3: {  	[sflag:s29] =	ssyncadd.s32 $0xFFFFFFFF  }
0xb4: {  	_ =	strace $0x90000057  }
0xb5: {  	_ =	sfence  }
0xb6: {  	s30 =	sld [smem:$0x0];
	_ =	sdelay $0x2  }
0xb7: {  	s31 =	sshll.u32 s1, $0xD;
	s1 =	sshrl.u32 s1, $0x2  }
0xb8: {  	s3 =	sand.u32 $0x4000, s31;
	s1 =	sadd.s32 s1, s30  }
0xb9: {  	s0 =	sor.u32 s3, s0;
	s1 =	sshll.u32 s1, $0x11  }
0xba: {  	s0 =	sor.u32 s1, s0  }
0xbb: {  	s0 =	sadd.s32 $0x8F2B, s0  }
0xbc: {  	[sflag:s0] =	ssyncadd.remote.s32 $0x1  }
0xbd: {  	_ =	sfence.sel $0xFFFF  }
0xbe: {  	[dreg:$0x0] =	wrdreg $0xFFFFFFFF;
	(pc) =	sbr.abs _section_cstart, $3  }
0xbf: {  	[dreg:$0x1] =	wrdreg $0xFFFFFFFF  }
0xc0: {  	_ =	task.clear_ibuf [dreg:s6], $0x2FFFF;
	_ =	strace $0x9FFFFFFF  }
0xc1: {  	(tm) =	ssettm $0x7FFFFFFF  }
tec
execute0_lowered:
.L_overlay_start_1:
0x0: {  	(tag) =	ssettag $0x1  }
0x1: {  	s8 =	rddreg [dreg:$0x0]  }
0x2: {  	s0 =	rddreg [dreg:$0x1];
	_ =	strace $0x80000056;
	s1 =	stileid.u32  }
0x3: {  	s3 =	srdreg.scid;
	s4 =	simm.s32 $0x1;
	s7 =	simm.s32 $0x1  }
0x4: {  	s9 =	simm.s32 $0x1;
	s10 =	simm.s32 $0x3;
	s13 =	simm.s32 $0x0  }
0x5: {  	s12 =	simm.s32 $0x0;
	s5 =	sand.u32 $0x1, s3;
	s6 =	sshll.u32 s1, $0x1  }
0x6: {  	s2 =	sadd.s32 $0x40B000, s8;
	s3 =	sadd.s32 $0x2F5400, s8;
	s5 =	sor.u32 s6, s5  }
.Ltmp0:
0x7: {  	[sflag:s4] =	ssyncpa.u1 $0x0;
	p0 =	slt.u32 s5, $0x11;
	(pc) =	sbr.rel .LBB2_1-.Ltmp0, $4  }
0x8: {  	s6 =	simm.s32 $0x2;
	s7 =	simm.s32 @!p0 $0x0;
	p0 =	sne.s32 s5, $0x10  }
0x9: {  	[sflag:s6] =	ssyncpa.u1 $0x0;
	s5 =	smul.u32 $0x3D00, s5;
	s9 =	simm.s32 @!p0 $0x0  }
0xa: {  	s8 =	sadd.s32 $0x2BA600, s8;
	[sflag:s10] =	ssyncpa.u1 $0x0;
	s7 =	sadd.s32 s9, s7  }
0xb: {  	vm0 =	vmmov $0xffff;
	s10 =	simm.s32 $0x0;
	s11 =	smov.u32 s5;
	s9 =	sadd.s32 $0x1, s7  }
.LBB2_4:
0xc: {  	v2 =	vand.u32 $0x1, v2;
	v3 =	vshrl.u32 v0, $0xC;
	v63 =	vshll.u32 v0, $0x9  }
0xd: {  	v2 =	vsel vm1, $0xFFFFFFFF, v2;
	v3 =	vand.u32 $0xFF, v3;
	v0 =	vand.u32 $0xFFE00, v63  }
0xe: {  	v3 =	vsel vm1, $0xFFFFFFFF, v3;
	v0 =	vsel vm1, $0xFFFFFE00, v0;
	v4 =	vand.u32 $0xFFFFFE00, v2  }
0xf: {  	v5 =	vand.u32 $0x7F, v3;
	v0 =	vadd.s32 v0, v4;
	v3 =	vshll.u32 v3, $0x1  }
0x10: {  	v2 =	vshll.u32 v2, $0x7;
	v3 =	vand.u32 $0xFFFFFF00, v3;
	v0 =	vor.u32 v5, v0  }
0x11: {  	v2 =	vand.u32 $0x80, v2;
	v0 =	vadd.s32 v3, v0  }
0x12: {  	v0 =	vor.u32 v2, v0;
	_ =	sdelay $0x1  }
0x13: {  	(ifvalue) =	ssetifvalue $0x7FFFFFFF;
	s15 =	sadd.s32 $0x10, s15  }
0x14: {  	[tilespmem:s15], [sflag:$0x1] =	stream.indirect_vreg.gather [hbm4b:s2+s10], $0x1, v1, vm0, $0x4038;
	[tilespmem:$0xF400] =	vst v63  }
0x15: {  	(ifvalue) =	ssetifvalue $0x7FFFFFFF;
	s15 =	sadd.s32 $0x10, s15  }
0x16: {  	[tilespmem:s15], [sflag:$0x1] =	stream.indirect_vreg.gather [hbm4b:s2+s10], $0x1, v0, vm0, $0x4038;
	[tilespmem:$0xF400] =	vst v63  }
0x17: {  	_ =	swait.ge [sflag:s4], $0x3D00  }
0x18: {  	s30 =	sshrl.u32 s13, $0x3;
	[sflag:s4] =	ssyncset.done $0x0  }
0x19: {  	s31 =	sand.u32 $0x7, s13;
	s15 =	sadd.s32 s8, s30;
	[sflag:s4] =	ssyncadd.s32 $0xFFFFC300  }
0x1a: {  	[hbm4b:s15+s31] =	stream.linear.scatter [tilespmem:s14], [sflag:$0x3], $0x3D00, $0x38;
	[tilespmem:$0xF400] =	vst v63  }
.LBB2_5:
0x1b: {  	s15 =	sadd.s32 $0x7A000, s11  }
0x1c: {  	p1 =	sgt.s32 s15, $0xB6FFF  }
0x1d: {  	s15 =	smov.u32 @p1 s5;
	p1 =	sne.s32 s12, s9  }
.Ltmp1:
0x1e: {  	p0 =	slt.u32 s12, $0x2;
	(pc) =	sbr.rel @!p1 .LBB2_6-.Ltmp1, $4  }
0x1f: {  	s14 =	simm.s32 @!p0 $0x3  }
0x20: {  	_ =	swait.ge @!p0 [sflag:s14], $0x3D00  }
0x21: {  	s16 =	sadd.s32 $0x1, s12;
	s13 =	smov.u32 s11;
	[sflag:s14] =	ssyncset.done @!p0 $0x0  }
0x22: {  	s12 =	smov.u32 s16;
	s11 =	smov.u32 s15;
	[sflag:s14] =	ssyncadd.s32 @!p0 $0xFFFFC300  }
.LBB2_1:
0x23: {  	p0 =	sge.u32 s12, s7  }
0x24: {  	s14 =	sxor.u32 @!p0 $0x1, s12  }
0x25: {  	s14 =	smul.u32 @!p0 $0xF400, s14  }
0x26: {  	s31 =	sadd.s32 $0xFFFFFFFF, s12;
	s15 =	sshrl.u32 @!p0 s11, $0x3  }
0x27: {  	s16 =	sand.u32 @!p0 $0x7, s11;
	s15 =	sadd.s32 @!p0 s3, s15;
	s14 =	sshra.s32 @!p0 s14, $0x2  }
0x28: {  	[tilespmem:s14], [sflag:$0x2] =	stream.linear.gather @!p0 [hbm4b:s15+s16], $0x3D00, $0x38;
	[tilespmem:$0xF400] =	vst v63  }
0x29: {  	p0 =	sge.u32 s31, s7  }
.Ltmp2:
0x2a: {  	_ = 	snop;
	(pc) =	sbr.rel @p0 .LBB2_5-.Ltmp2, $1  }
0x2b: {  	_ =	sdelay $0x3  }
0x2c: {  	s14 =	sand.u32 $0x1, s12  }
0x2d: {  	_ =	swait.ge [sflag:s6], $0x3D00;
	p0 =	seq.s32 s14, $0x1;
	s14 =	simm.s32 $0x3D00  }
0x2e: {  	[sflag:s6] =	ssyncset.done $0x0;
	s14 =	simm.s32 @!p0 $0x0  }
0x2f: {  	[sflag:s6] =	ssyncadd.s32 $0xFFFFC300;
	(ifvalue) =	ssetifvalue $0x7FFFFFFF;
	v0 =	vld.msk [tilespmem:s14+$0x0 ss:$0x1], $0xffff;
	_ =	sdelay $0x1  }
0x30: {  	s15 =	sadd.s32 $0x10, s14  }
0x31: {  	v3 =	vld.msk [tilespmem:s15+$0x0 ss:$0x1], $0xffff;
	_ =	sdelay $0x1  }
0x32: {  	vm1 =	veq.s32 v0, $0x80000000  }
0x33: {  	v1 =	vshrl.u32 v0, $0xB;
	v2 =	vshrl.u32 v0, $0xC;
	v0 =	vshll.u32 v0, $0x9  }
0x34: {  	v1 =	vand.u32 $0x1, v1;
	v2 =	vand.u32 $0xFF, v2;
	v0 =	vand.u32 $0xFFE00, v0  }
0x35: {  	v62 =	vshrl.u32 v3, $0xC;
	v1 =	vsel vm1, $0xFFFFFFFF, v1;
	v2 =	vsel vm1, $0xFFFFFFFF, v2  }
0x36: {  	v0 =	vsel vm1, $0xFFFFFE00, v0;
	vm1 =	veq.s32 v3, $0x80000000;
	v4 =	vand.u32 $0xFFFFFE00, v1  }
0x37: {  	v5 =	vand.u32 $0x7F, v2;
	v2 =	vshll.u32 v2, $0x1;
	v0 =	vadd.s32 v0, v4  }
0x38: {  	v1 =	vshll.u32 v1, $0x7;
	v2 =	vand.u32 $0xFFFFFF00, v2;
	v0 =	vor.u32 v5, v0  }
0x39: {  	v1 =	vand.u32 $0x80, v1;
	v0 =	vadd.s32 v2, v0;
	v2 =	vshrl.u32 v3, $0xB  }
0x3a: {  	s15 =	sadd.s32 $0x10, s15;
	v3 =	vshll.u32 v3, $0x9;
	v1 =	vor.u32 v1, v0;
	v2 =	vand.u32 $0x1, v2  }
0x3b: {  	v4 =	vand.u32 $0xFF, v62;
	v0 =	vld.msk [tilespmem:s15+$0x0 ss:$0x1], $0xffff;
	v3 =	vand.u32 $0xFFE00, v3;
	v2 =	vsel vm1, $0xFFFFFFFF, v2  }
0x3c: {  	v4 =	vsel vm1, $0xFFFFFFFF, v4;
	v3 =	vsel vm1, $0xFFFFFE00, v3;
	v63 =	vand.u32 $0xFFFFFE00, v2  }
0x3d: {  	v6 =	vand.u32 $0x7F, v4;
	v4 =	vshll.u32 v4, $0x1;
	v3 =	vadd.s32 v3, v63  }
0x3e: {  	s14 =	sadd.s32 $0x7A00, s14;
	(ifvalue) =	ssetifvalue $0x7FFFFFFF;
	v4 =	vand.u32 $0xFFFFFF00, v4;
	v2 =	vshll.u32 v2, $0x7;
	v3 =	vor.u32 v6, v3  }
0x3f: {  	[tilespmem:s14], [sflag:$0x1] =	stream.indirect_vreg.gather [hbm4b:s2+s10], $0x1, v1, vm0, $0x4038;
	v1 =	vand.u32 $0x80, v2;
	v3 =	vadd.s32 v4, v3;
	[tilespmem:$0xF400] =	vst v63  }
0x40: {  	s16 =	simm.s32 $0x20;
	s17 =	sadd.s32 $0x10, s15;
	s15 =	smov.u32 s14;
	vm1 =	veq.s32 v0, $0x80000000;
	v2 =	vshrl.u32 v0, $0xB;
	v1 =	vor.u32 v1, v3  }
.LBB2_3:
0x41: {  	s16 =	sadd.s32 $0x10, s16;
	v2 =	vand.u32 $0x1, v2;
	v3 =	vshrl.u32 v0, $0xC;
	v4 =	vshll.u32 v0, $0x9;
	v0 =	vld.msk [tilespmem:s17+$0x0 ss:$0x1], $0xffff  }
0x42: {  	p0 =	slt.u32 s16, $0x3CF0;
	v2 =	vsel vm1, $0xFFFFFFFF, v2;
	v3 =	vand.u32 $0xFF, v3;
	v4 =	vand.u32 $0xFFE00, v4  }
.Ltmp3:
0x43: {  	v3 =	vsel vm1, $0xFFFFFFFF, v3;
	v4 =	vsel vm1, $0xFFFFFE00, v4;
	v5 =	vand.u32 $0xFFFFFE00, v2;
	(pc) =	sbr.rel @p0 .LBB2_3-.Ltmp3, $4  }
0x44: {  	s15 =	sadd.s32 $0x10, s15;
	v6 =	vand.u32 $0x7F, v3;
	v4 =	vadd.s32 v4, v5;
	v3 =	vshll.u32 v3, $0x1;
	(ifvalue) =	ssetifvalue $0x7FFFFFFF  }
0x45: {  	v2 =	vshll.u32 v2, $0x7;
	v3 =	vand.u32 $0xFFFFFF00, v3;
	v4 =	vor.u32 v6, v4;
	[tilespmem:s15], [sflag:$0x1] =	stream.indirect_vreg.gather [hbm4b:s2+s10], $0x1, v1, vm0, $0x4038;
	[tilespmem:$0xF400] =	vst v63  }
0x46: {  	v1 =	vand.u32 $0x80, v2;
	v3 =	vadd.s32 v3, v4  }
0x47: {  	s17 =	sadd.s32 $0x10, s17;
	vm1 =	veq.s32 v0, $0x80000000;
	v2 =	vshrl.u32 v0, $0xB;
	v1 =	vor.u32 v1, v3  }
.Ltmp4:
0x48: {  	_ = 	snop;
	(pc) =	sbr.rel .LBB2_4-.Ltmp4, $1  }
0x49: {  	_ =	sdelay $0x3  }
.LBB2_6:
0x4a: {  	_ =	sfence.sel $0x180000  }
0x4b: {  	s2 =	simm.s32 $0x2;
	[bflag:$0x0] =	sbarrier.arrive $0xFFFF  }
0x4c: {  	s30 =	simm.s32 $0x3;
	[sflag:s2] =	ssyncpa.u1 $0x1  }
0x4d: {  	s31 =	simm.s32 $0x1;
	[sflag:s30] =	ssyncpa.u1 $0x1  }
0x4e: {  	[sflag:s31] =	ssyncpa.u1 $0x1  }
0x4f: {  	p0 =	sne.s32 s1, $0x0;
	_ =	strace $0x90000056  }
0x50: {  	s0 =	sadd.s32 @!p0 $0x100000, s0;
	[bflag:$0x2] =	sbarrier.arrive $0xFFFF  }
0x51: {  	[sflag:s0] =	ssyncadd.tile.s32 @!p0 $0x1;
	_ =	shalt  }
.Lfunc_end2:
_tile_overlayer_lowered:
.L_overlay_start_2:
0x52: {  	(tag) =	ssettag $0x2  }
0x53: {  	s0 =	rddreg [dreg:$0x0];
	s2 =	stileid.u32  }
0x54: {  	s1 =	rddreg [dreg:$0x1];
	p0 =	sne.s32 s2, $0x0  }
0x55: {  	s3 =	rddreg [dreg:$0x2];
	[bflag:$0x3] =	sbarrier.arrive $0xFFFF;
	s2 =	simm.s32 @!p0 $0x1C01  }
0x56: {  	[timem:s3], [sflag:s2] =	dma.local @!p0 [hbm:s0], s1  }
0x57: {  	s0 =	simm.s32 @!p0 $0x1  }
0x58: {  	_ =	swait.ge @!p0 [sflag:s0], s1  }
0x59: {  	s1 =	ssub.s32 @!p0 $0x0, s1;
	[sflag:s0] =	ssyncset.done @!p0 $0x0  }
0x5a: {  	[sflag:s0] =	ssyncadd.s32 @!p0 s1  }
0x5b: {  	[bflag:$0x3] =	sbarrier.arrive $0xFFFF  }
0x5c: {  	_ =	shalt  }

// kernel: gather_offload_async_start.6
scs
__scs_entry_jumppad:
0x0: {  	(pc) =	sbr.rel $0x88, $3  }
0x1: {  	(tag) =	ssettag $0x0;
	lr =	simm.s32 $0x1  }
0x2: {  	[smem:$0x3F97] =	sst lr;
	_ =	strace $0xD0000000  }
0x3: {  	_ = 	snop  }
0x4: {  	_ = 	snop  }
0x5: {  	_ = 	snop  }
0x6: {  	_ = 	snop  }
0x7: {  	_ = 	snop  }
__scs_overlays_trampoline_lowered:
0x8: {  	[smem:$0x3FA6] =	sst s0  }
0x9: {  	[smem:$0x3FA7] =	sst s1  }
0xa: {  	[smem:$0x3FA8] =	sst s2  }
0xb: {  	[smem:$0x3FA9] =	sst s3  }
0xc: {  	[smem:$0x3FAA] =	sst s4  }
0xd: {  	[smem:$0x3FAB] =	sst s5  }
0xe: {  	[smem:$0x3FAC] =	sst s6  }
0xf: {  	[smem:$0x3FAD] =	sst s7  }
0x10: {  	[smem:$0x3FAE] =	sst s8  }
0x11: {  	[smem:$0x3FAF] =	sst s9;
	s0 =	simm.s32 @!p0 $0x0  }
0x12: {  	s1 =	sld [smem:$0x3F95];
	s0 =	simm.s32 @p0 $0x1  }
0x13: {  	[smem:$0x3FB0] =	sst s0;
	s0 =	simm.s32 @!p1 $0x0  }
0x14: {  	s2 =	sld [smem:$0x3F94];
	s0 =	simm.s32 @p1 $0x1  }
0x15: {  	[smem:$0x3FB1] =	sst s0;
	s0 =	simm.s32 @!p2 $0x0  }
0x16: {  	s3 =	sld [smem:$0x3FDB];
	s0 =	simm.s32 @p2 $0x1  }
0x17: {  	s4 =	simm.s32 $0x1BF5;
	[smem:$0x3FB3] =	sst s0  }
0x18: {  	s0 =	sld [smem:$0x3F96];
	_ =	swait.ge [sflag:s4], $0x0  }
0x19: {  	s7 =	sld [smem:$0x3F97]  }
0x1a: {  	s8 =	sadd.s32 $0xFFFFE003, lr  }
0x1b: {  	s9 =	sadd.s32 $0xFFFFFEF7, lr;
	s5 =	simm.s32 $0xFFFFFFFF;
	p2 =	slt.u32 s8, $0xFFFFF086  }
0x1c: {  	p1 =	slt.u32 s9, $0xF7A;
	s5 =	simm.s32 @!p2 $0x0  }
0x1d: {  	s5 =	simm.s32 @p1 $0x1;
	p0 =	seq.s32 s7, s2  }
0x1e: {  	s7 =	smul.u32 @!p0 $0xF7A, s2;
	p2 =	seq.s32 @!p0 s5, $0x0  }
0x1f: {  	s9 =	smul.u32 $0xF7A, s1;
	s8 =	simm.s32 @!p0 $0x1BF5;
	p2 =	por !p2, p0  }
0x20: {  	[sflag:s8] =	ssyncset.s32 @!p0 $0xFFFFF086;
	s6 =	sadd.s32 @!p0 s3, s7;
	s7 =	simm.s32 @!p0 $0x108  }
0x21: {  	s3 =	sadd.s32 s3, s9;
	s6 =	sadd.s32 @!p0 $0x88, s6;
	s7 =	simm.s32 @p2 $0x1082  }
0x22: {  	[simem:s7], [sflag:s8] =	dma.local @!p0 [hbm:s6], $0xF7A  }
0x23: {  	s9 =	sor.u32 $0xD0000000, s2;
	s6 =	simm.s32 $0x108;
	_ =	swait.ge @!p0 [sflag:s8], $0x0  }
0x24: {  	s3 =	sadd.s32 $0x88, s3;
	s6 =	simm.s32 @!p1 $0x1082;
	[sflag:s4] =	ssyncset.s32 $0xFFFFF086  }
0x25: {  	[simem:s6], [sflag:s4] =	dma.local [hbm:s3], $0xF7A  }
0x26: {  	[smem:$0x3F97] =	sst s1;
	(tag) =	ssettag s2;
	_ =	strace s9  }
0x27: {  	s1 =	sld [smem:$0x3FA7]  }
0x28: {  	s2 =	sld [smem:$0x3FA8]  }
0x29: {  	s4 =	sld [smem:$0x3FAA]  }
0x2a: {  	p0 =	seq.s32 s5, $0x0;
	s5 =	sld [smem:$0x3FAB]  }
0x2b: {  	s6 =	sld [smem:$0x3FAC]  }
0x2c: {  	s7 =	sld [smem:$0x3FAD]  }
0x2d: {  	s3 =	simm.s32 $0x108;
	s8 =	sld [smem:$0x3FAE]  }
0x2e: {  	s3 =	simm.s32 @!p0 $0x1082;
	s9 =	sld [smem:$0x3FAF]  }
0x2f: {  	lr =	sadd.s32 s0, s3;
	s0 =	sld [smem:$0x3FA6]  }
0x30: {  	s3 =	sld [smem:$0x3FA9]  }
0x31: {  	[smem:$0x3FB2] =	sst s10  }
0x32: {  	s10 =	sld [smem:$0x3FB0];
	_ =	sdelay $0x3  }
0x33: {  	p0 =	seq.s32 s10, $0x1;
	s10 =	sld [smem:$0x3FB2];
	_ =	sdelay $0x3  }
0x34: {  	[smem:$0x3FB2] =	sst s10  }
0x35: {  	s10 =	sld [smem:$0x3FB1];
	_ =	sdelay $0x3  }
0x36: {  	p1 =	seq.s32 s10, $0x1;
	s10 =	sld [smem:$0x3FB2];
	_ =	sdelay $0x3  }
0x37: {  	[smem:$0x3FB2] =	sst s10  }
0x38: {  	s10 =	sld [smem:$0x3FB3]  }
0x39: {  	_ = 	snop;
	(pc) =	sbr.ind lr, $3  }
0x3a: {  	_ = 	snop  }
0x3b: {  	_ = 	snop  }
0x3c: {  	p2 =	seq.s32 s10, $0x1;
	s10 =	sld [smem:$0x3FB2]  }
0x3d: {  	_ =	shalt  }
0x3e: {  	_ =	shalt  }
0x3f: {  	_ =	shalt  }
0x40: {  	_ =	shalt  }
0x41: {  	_ =	shalt  }
0x42: {  	_ =	shalt  }
0x43: {  	_ =	shalt  }
0x44: {  	_ =	shalt  }
0x45: {  	_ =	shalt  }
0x46: {  	_ =	shalt  }
0x47: {  	_ =	shalt  }
0x48: {  	_ =	shalt  }
0x49: {  	_ =	shalt  }
0x4a: {  	_ =	shalt  }
0x4b: {  	_ =	shalt  }
0x4c: {  	_ =	shalt  }
0x4d: {  	_ =	shalt  }
0x4e: {  	_ =	shalt  }
0x4f: {  	_ =	shalt  }
0x50: {  	_ =	shalt  }
0x51: {  	_ =	shalt  }
0x52: {  	_ =	shalt  }
0x53: {  	_ =	shalt  }
0x54: {  	_ =	shalt  }
0x55: {  	_ =	shalt  }
0x56: {  	_ =	shalt  }
0x57: {  	_ =	shalt  }
0x58: {  	_ =	shalt  }
0x59: {  	_ =	shalt  }
0x5a: {  	_ =	shalt  }
0x5b: {  	_ =	shalt  }
0x5c: {  	_ =	shalt  }
0x5d: {  	_ =	shalt  }
0x5e: {  	_ =	shalt  }
0x5f: {  	_ =	shalt  }
0x60: {  	_ =	shalt  }
0x61: {  	_ =	shalt  }
0x62: {  	_ =	shalt  }
0x63: {  	_ =	shalt  }
0x64: {  	_ =	shalt  }
0x65: {  	_ =	shalt  }
0x66: {  	_ =	shalt  }
0x67: {  	_ =	shalt  }
0x68: {  	_ =	shalt  }
0x69: {  	_ =	shalt  }
0x6a: {  	_ =	shalt  }
0x6b: {  	_ =	shalt  }
0x6c: {  	_ =	shalt  }
0x6d: {  	_ =	shalt  }
0x6e: {  	_ =	shalt  }
0x6f: {  	_ =	shalt  }
0x70: {  	_ =	shalt  }
0x71: {  	_ =	shalt  }
0x72: {  	_ =	shalt  }
0x73: {  	_ =	shalt  }
0x74: {  	_ =	shalt  }
0x75: {  	_ =	shalt  }
0x76: {  	_ =	shalt  }
0x77: {  	_ =	shalt  }
0x78: {  	_ =	shalt  }
0x79: {  	_ =	shalt  }
0x7a: {  	_ =	shalt  }
0x7b: {  	_ =	shalt  }
0x7c: {  	_ =	shalt  }
0x7d: {  	_ =	shalt  }
0x7e: {  	_ =	shalt  }
0x7f: {  	_ =	shalt  }
0x80: {  	_ =	shalt  }
0x81: {  	_ =	shalt  }
0x82: {  	_ =	shalt  }
0x83: {  	_ =	shalt  }
0x84: {  	_ =	shalt  }
0x85: {  	_ =	shalt  }
0x86: {  	_ =	shalt  }
0x87: {  	_ =	shalt  }
.Lfunc_end0:
.L_simem_size_0:
called_computation.6_lowered:
.L_overlay_start_0:
0x88: {  	s2 =	sld [smem:$0x3FD9]  }
0x89: {  	s3 =	sld [smem:$0x3FFE];
	_ =	sdelay $0x1  }
0x8a: {  	s1 =	srdreg.scid  }
0x8b: {  	s0 =	sand.u32 $0x1, s1  }
0x8c: {  	s16 =	sshll.u32 s0, $0xA;
	s2 =	sadd.s32 s3, s2  }
0x8d: {  	s2 =	sadd.s32 s2, s16  }
0x8e: {  	[smem:$0x3FBE] =	sst s2  }
0x8f: {  	_ = 	snop  }
0x90: {  	(tm) =	ssettm $0x1  }
0x91: {  	s17 =	sld [smem:$0x3FFB];
	_ =	sdelay $0x3  }
0x92: {  	_ =	strace s17  }
0x93: {  	s2 =	sld [smem:$0x3FFC];
	_ =	sdelay $0x3  }
0x94: {  	_ =	strace s2  }
0x95: {  	s2 =	sld [smem:$0x3FFD];
	_ =	sdelay $0x3  }
0x96: {  	_ =	strace s2  }
0x97: {  	_ =	strace $0x8FFFFFFF  }
0x98: {  	s18 =	sld [smem:$0x3FDB];
	_ =	sdelay $0x1  }
0x99: {  	s19 =	simm.s32 $_scs_section_size  }
0x9a: {  	s4 =	simm.s32 $_size__tile_overlayer_lowered;
	s5 =	simm.s32 $_tile_overlayer_lowered  }
0x9b: {  	s22 =	simm.s32 $0x1BFF;
	s21 =	sshll.u32 s5, $0x1;
	s2 =	sadd.s32 s19, s18  }
0x9c: {  	s6 =	simm.s32 $0x0;
	s20 =	sshll.u32 s4, $0x1;
	s4 =	sadd.s32 s21, s2  }
0x9d: {  	[timem:s6], [sflag:s22] =	dma.local [hbm:s4], s20  }
0x9e: {  	_ =	swait.ge [sflag:s22], s20  }
0x9f: {  	s3 =	ssub.s32 $0x0, s20;
	[sflag:s22] =	ssyncset.done $0x0  }
0xa0: {  	[sflag:s22] =	ssyncadd.s32 s3;
	_ =	sdelay $0x1  }
0xa1: {  	s23 =	simm.s32 $0x1B8B  }
0xa2: {  	_ =	swait.ge [sflag:s23], $0x1  }
0xa3: {  	[sflag:s23] =	ssyncset.done $0x0  }
0xa4: {  	s25 =	simm.s32 $0x1B8E;
	s24 =	sld [smem:$0x3FFE];
	[sflag:s23] =	ssyncadd.s32 $0xFFFFFFFF  }
0xa5: {  	s26 =	simm.s32 $execute0_lowered;
	[smem:$0x3FD2] =	sst s25  }
0xa6: {  	s4 =	sshll.u32 s26, $0x1;
	_ =	strace $0x80000058;
	[dreg:$0x1] =	wrdreg $0xFFFFFFFF  }
0xa7: {  	s28 =	simm.s32 $_size_execute0_lowered;
	s2 =	sadd.s32 s2, s4;
	[dreg:$0x0] =	wrdreg $0x0  }
0xa8: {  	s4 =	sshll.u32 s28, $0x1;
	[dreg:$0x2] =	wrdreg s2  }
0xa9: {  	[dreg:$0x3] =	wrdreg s4  }
0xaa: {  	[dreg:$0x4] =	wrdreg $0xC0  }
0xab: {  	_ =	task [dreg:s6], $0x5FFFF  }
0xac: {  	[dreg:$0x1] =	wrdreg $0xFFFFFFFF  }
0xad: {  	[dreg:$0x0] =	wrdreg $0x60  }
0xae: {  	[dreg:$0x2] =	wrdreg s24  }
0xaf: {  	[dreg:$0x3] =	wrdreg $0x9  }
0xb0: {  	_ =	task.clear_ibuf [dreg:s6], $0x4FFFF;
	_ =	strace $0x90000058  }
0xb1: {  	s29 =	simm.s32 $0x9;
	_ =	strace $0x8000005A  }
0xb2: {  	_ =	swait.ge [sflag:s29], $0x1  }
0xb3: {  	[sflag:s29] =	ssyncadd.s32 $0xFFFFFFFF  }
0xb4: {  	_ =	strace $0x9000005A  }
0xb5: {  	_ =	sfence  }
0xb6: {  	s30 =	sld [smem:$0x0];
	_ =	sdelay $0x2  }
0xb7: {  	s31 =	sshll.u32 s1, $0xD;
	s1 =	sshrl.u32 s1, $0x2  }
0xb8: {  	s3 =	sand.u32 $0x4000, s31;
	s1 =	sadd.s32 s1, s30  }
0xb9: {  	s0 =	sor.u32 s3, s0;
	s1 =	sshll.u32 s1, $0x11  }
0xba: {  	s0 =	sor.u32 s1, s0  }
0xbb: {  	s0 =	sadd.s32 $0x8F2B, s0  }
0xbc: {  	[sflag:s0] =	ssyncadd.remote.s32 $0x1  }
0xbd: {  	_ =	sfence.sel $0xFFFF  }
0xbe: {  	[dreg:$0x0] =	wrdreg $0xFFFFFFFF;
	(pc) =	sbr.abs _section_cstart, $3  }
0xbf: {  	[dreg:$0x1] =	wrdreg $0xFFFFFFFF  }
0xc0: {  	_ =	task.clear_ibuf [dreg:s6], $0x2FFFF;
	_ =	strace $0x9FFFFFFF  }
0xc1: {  	(tm) =	ssettm $0x7FFFFFFF  }
tec
execute0_lowered:
.L_overlay_start_1:
0x0: {  	(tag) =	ssettag $0x1  }
0x1: {  	s0 =	srdreg.scid;
	s5 =	rddreg [dreg:$0x0]  }
0x2: {  	s1 =	stileid.u32;
	s6 =	simm.s32 $0x1;
	s9 =	simm.s32 $0x1  }
0x3: {  	s10 =	simm.s32 $0x3;
	s13 =	simm.s32 $0x0;
	s2 =	sshll.u32 s0, $0x9  }
0x4: {  	s12 =	simm.s32 $0x0;
	s3 =	sshll.u32 s1, $0xA;
	s2 =	sand.u32 $0x200, s2  }
0x5: {  	s0 =	rddreg [dreg:$0x1];
	_ =	strace $0x80000059;
	s2 =	sor.u32 s3, s2  }
0x6: {  	s4 =	sadd.s32 $0x2BA00, s5;
	[sflag:s6] =	ssyncpa.u1 $0x0;
	s8 =	ssub.s32 $0x6000, s2  }
.Ltmp0:
0x7: {  	s3 =	sadd.s32 $0xE6800, s5;
	s7 =	sand.u32 $0x3E00, s8;
	(pc) =	sbr.rel .LBB2_1-.Ltmp0, $4  }
0x8: {  	s5 =	sadd.s32 $0x1F800, s5;
	s11 =	smov.u32 s2;
	p0 =	sne.s32 s7, $0x0  }
0x9: {  	s8 =	sshrl.u32 s8, $0xE;
	s7 =	simm.s32 $0x2;
	s9 =	simm.s32 @!p0 $0x0  }
0xa: {  	[sflag:s7] =	ssyncpa.u1 $0x0;
	p0 =	por $0x0, $0x0;
	s8 =	sadd.s32 s9, s8  }
0xb: {  	vm0 =	vmmov $0xffff;
	[sflag:s10] =	ssyncpa.u1 $0x0;
	s10 =	simm.s32 $0x0;
	s9 =	sadd.s32 $0x1, s8  }
.LBB2_4:
0xc: {  	vm1 =	veq.s32 v0, $0x80000000;
	v3 =	vand.u32 $0x1, v0;
	v62 =	vshll.u32 v0, $0x8  }
0xd: {  	v2 =	vand.u32 $0xFF, v2;
	v3 =	vsel vm1, $0xFFFFFFFF, v3;
	v0 =	vand.u32 $0xFFE00, v62  }
0xe: {  	v0 =	vsel vm1, $0xFFFFFE00, v0;
	v4 =	vand.u32 $0xFFFFFE00, v3;
	v3 =	vshll.u32 v3, $0x7  }
0xf: {  	v2 =	vsel vm1, $0xFFFFFFFF, v2;
	v0 =	vadd.s32 v4, v0;
	v3 =	vand.u32 $0x80, v3  }
0x10: {  	v63 =	vand.u32 $0x7F, v2;
	v2 =	vshll.u32 v2, $0x1;
	v0 =	vor.u32 v3, v0  }
0x11: {  	v2 =	vand.u32 $0xFFFFFF00, v2;
	v0 =	vor.u32 v63, v0  }
0x12: {  	v0 =	vadd.s32 v2, v0;
	_ =	sdelay $0x1  }
0x13: {  	(ifvalue) =	ssetifvalue $0x7FFFFFFF;
	s14 =	sadd.s32 $0x10, s14  }
0x14: {  	[tilespmem:s14], [sflag:$0x1] =	stream.indirect_vreg.gather [hbm4b:s3+s10], $0x1, v1, vm0, $0x4038;
	[tilespmem:$0x800] =	vst v63  }
0x15: {  	(ifvalue) =	ssetifvalue $0x7FFFFFFF;
	s14 =	sadd.s32 $0x10, s14  }
0x16: {  	[tilespmem:s14], [sflag:$0x1] =	stream.indirect_vreg.gather [hbm4b:s3+s10], $0x1, v0, vm0, $0x4038;
	[tilespmem:$0x800] =	vst v63  }
0x17: {  	_ =	swait.ge [sflag:s6], $0x200  }
0x18: {  	s30 =	sshrl.u32 s13, $0x3;
	[sflag:s6] =	ssyncset.done $0x0  }
0x19: {  	s31 =	sand.u32 $0x7, s13;
	s14 =	sadd.s32 s5, s30;
	[sflag:s6] =	ssyncadd.s32 $0xFFFFFE00  }
0x1a: {  	[hbm4b:s14+s31] =	stream.linear.scatter [tilespmem:s15], [sflag:$0x3], $0x200, $0x38;
	[tilespmem:$0x800] =	vst v63  }
.LBB2_5:
0x1b: {  	s15 =	sadd.s32 $0x4000, s11  }
0x1c: {  	p2 =	sgt.s32 s15, $0x5FFF  }
0x1d: {  	s15 =	smov.u32 @p2 s2;
	p2 =	sne.s32 s12, s9  }
.Ltmp1:
0x1e: {  	p1 =	slt.u32 s12, $0x2;
	(pc) =	sbr.rel @!p2 .LBB2_6-.Ltmp1, $4  }
0x1f: {  	s14 =	simm.s32 @!p1 $0x3  }
0x20: {  	s16 =	sadd.s32 $0x1, s12;
	_ =	swait.ge @!p1 [sflag:s14], $0x200  }
0x21: {  	s13 =	smov.u32 s11;
	p0 =	por !p0, !p0;
	[sflag:s14] =	ssyncset.done @!p1 $0x0  }
0x22: {  	s12 =	smov.u32 s16;
	s11 =	smov.u32 s15;
	[sflag:s14] =	ssyncadd.s32 @!p1 $0xFFFFFE00  }
.LBB2_1:
0x23: {  	p1 =	sge.u32 s12, s8  }
0x24: {  	s14 =	sxor.u32 @!p1 $0xFFFFFFFF, s12  }
0x25: {  	s31 =	sadd.s32 $0xFFFFFFFF, s12;
	s15 =	sshrl.u32 @!p1 s11, $0x3;
	s14 =	sshll.u32 @!p1 s14, $0x9  }
0x26: {  	s16 =	sand.u32 @!p1 $0x7, s11;
	s15 =	sadd.s32 @!p1 s4, s15;
	s14 =	sand.u32 @!p1 $0x200, s14  }
0x27: {  	[tilespmem:s14], [sflag:$0x2] =	stream.linear.gather @!p1 [hbm4b:s15+s16], $0x200, $0x38;
	[tilespmem:$0x800] =	vst v63  }
0x28: {  	p1 =	sge.u32 s31, s8  }
.Ltmp2:
0x29: {  	_ = 	snop;
	(pc) =	sbr.rel @p1 .LBB2_5-.Ltmp2, $1  }
0x2a: {  	_ =	sdelay $0x3  }
0x2b: {  	s14 =	simm.s32 $0x1  }
0x2c: {  	_ =	swait.ge [sflag:s7], $0x200;
	s14 =	simm.s32 @!p0 $0x0  }
0x2d: {  	[sflag:s7] =	ssyncset.done $0x0;
	s14 =	sshll.u32 s14, $0x9  }
0x2e: {  	[sflag:s7] =	ssyncadd.s32 $0xFFFFFE00;
	(ifvalue) =	ssetifvalue $0x7FFFFFFF;
	v0 =	vld.msk [tilespmem:s14+$0x0 ss:$0x1], $0xffff;
	_ =	sdelay $0x1  }
0x2f: {  	s15 =	sadd.s32 $0x10, s14  }
0x30: {  	v3 =	vld.msk [tilespmem:s15+$0x0 ss:$0x1], $0xffff;
	_ =	sdelay $0x1  }
0x31: {  	v1 =	vshrl.u32 v0, $0xC  }
0x32: {  	vm1 =	veq.s32 v0, $0x80000000;
	v2 =	vand.u32 $0x1, v0;
	v0 =	vshll.u32 v0, $0x8  }
0x33: {  	v2 =	vsel vm1, $0xFFFFFFFF, v2;
	v0 =	vand.u32 $0xFFE00, v0  }
0x34: {  	v1 =	vand.u32 $0xFF, v1;
	v62 =	vand.u32 $0x1, v3;
	v0 =	vsel vm1, $0xFFFFFE00, v0  }
0x35: {  	v4 =	vand.u32 $0xFFFFFE00, v2;
	v2 =	vshll.u32 v2, $0x7;
	v1 =	vsel vm1, $0xFFFFFFFF, v1  }
0x36: {  	vm1 =	veq.s32 v3, $0x80000000;
	v0 =	vadd.s32 v4, v0;
	v2 =	vand.u32 $0x80, v2  }
0x37: {  	v61 =	vand.u32 $0x7F, v1;
	v1 =	vshll.u32 v1, $0x1;
	v0 =	vor.u32 v2, v0  }
0x38: {  	v4 =	vsel vm1, $0xFFFFFFFF, v62;
	v1 =	vand.u32 $0xFFFFFF00, v1;
	v0 =	vor.u32 v61, v0  }
0x39: {  	s17 =	sadd.s32 $0x10, s15;
	v2 =	vshrl.u32 v3, $0xC;
	v3 =	vshll.u32 v3, $0x8;
	v1 =	vadd.s32 v1, v0  }
0x3a: {  	v5 =	vand.u32 $0xFFFFFE00, v4;
	v3 =	vand.u32 $0xFFE00, v3;
	v0 =	vld.msk [tilespmem:s17+$0x0 ss:$0x1], $0xffff  }
0x3b: {  	v4 =	vshll.u32 v4, $0x7;
	v2 =	vand.u32 $0xFF, v2;
	v3 =	vsel vm1, $0xFFFFFE00, v3  }
0x3c: {  	s31 =	sshll.u32 s12, $0x9;
	v4 =	vand.u32 $0x80, v4;
	v2 =	vsel vm1, $0xFFFFFFFF, v2;
	v3 =	vadd.s32 v5, v3  }
0x3d: {  	s14 =	sor.u32 $0x400, s14;
	s15 =	sand.u32 $0x200, s31;
	(ifvalue) =	ssetifvalue $0x7FFFFFFF;
	v63 =	vand.u32 $0x7F, v2;
	v2 =	vshll.u32 v2, $0x1;
	v3 =	vor.u32 v4, v3  }
0x3e: {  	v3 =	vor.u32 v63, v3;
	[tilespmem:s14], [sflag:$0x1] =	stream.indirect_vreg.gather [hbm4b:s3+s10], $0x1, v1, vm0, $0x4038;
	v1 =	vand.u32 $0xFFFFFF00, v2;
	[tilespmem:$0x800] =	vst v63  }
0x3f: {  	s16 =	simm.s32 $0x20;
	s15 =	sor.u32 $0x400, s15;
	s17 =	sadd.s32 $0x10, s17;
	v2 =	vshrl.u32 v0, $0xC;
	v1 =	vadd.s32 v1, v3  }
.LBB2_3:
0x40: {  	vm1 =	veq.s32 v0, $0x80000000;
	v3 =	vand.u32 $0x1, v0;
	v4 =	vshll.u32 v0, $0x8;
	v0 =	vld.msk [tilespmem:s17+$0x0 ss:$0x1], $0xffff;
	s16 =	sadd.s32 $0x10, s16  }
0x41: {  	v2 =	vand.u32 $0xFF, v2;
	v3 =	vsel vm1, $0xFFFFFFFF, v3;
	v4 =	vand.u32 $0xFFE00, v4;
	p1 =	slt.u32 s16, $0x1F0  }
.Ltmp3:
0x42: {  	v4 =	vsel vm1, $0xFFFFFE00, v4;
	v5 =	vand.u32 $0xFFFFFE00, v3;
	v3 =	vshll.u32 v3, $0x7;
	(pc) =	sbr.rel @p1 .LBB2_3-.Ltmp3, $4  }
0x43: {  	s14 =	sadd.s32 $0x10, s14;
	v2 =	vsel vm1, $0xFFFFFFFF, v2;
	v4 =	vadd.s32 v5, v4;
	v3 =	vand.u32 $0x80, v3;
	(ifvalue) =	ssetifvalue $0x7FFFFFFF  }
0x44: {  	v5 =	vand.u32 $0x7F, v2;
	v2 =	vshll.u32 v2, $0x1;
	v3 =	vor.u32 v3, v4;
	[tilespmem:s14], [sflag:$0x1] =	stream.indirect_vreg.gather [hbm4b:s3+s10], $0x1, v1, vm0, $0x4038;
	[tilespmem:$0x800] =	vst v63  }
0x45: {  	v1 =	vand.u32 $0xFFFFFF00, v2;
	v3 =	vor.u32 v5, v3  }
0x46: {  	s17 =	sadd.s32 $0x10, s17;
	v2 =	vshrl.u32 v0, $0xC;
	v1 =	vadd.s32 v1, v3  }
.Ltmp4:
0x47: {  	_ = 	snop;
	(pc) =	sbr.rel .LBB2_4-.Ltmp4, $1  }
0x48: {  	_ =	sdelay $0x3  }
.LBB2_6:
0x49: {  	_ =	sfence.sel $0x180000  }
0x4a: {  	s2 =	simm.s32 $0x2;
	[bflag:$0x0] =	sbarrier.arrive $0xFFFF  }
0x4b: {  	s30 =	simm.s32 $0x3;
	[sflag:s2] =	ssyncpa.u1 $0x1  }
0x4c: {  	s31 =	simm.s32 $0x1;
	[sflag:s30] =	ssyncpa.u1 $0x1  }
0x4d: {  	[sflag:s31] =	ssyncpa.u1 $0x1  }
0x4e: {  	p0 =	sne.s32 s1, $0x0;
	_ =	strace $0x90000059  }
0x4f: {  	s0 =	sadd.s32 @!p0 $0x100000, s0;
	[bflag:$0x2] =	sbarrier.arrive $0xFFFF  }
0x50: {  	[sflag:s0] =	ssyncadd.tile.s32 @!p0 $0x1;
	_ =	shalt  }
.Lfunc_end2:
_tile_overlayer_lowered:
.L_overlay_start_2:
0x51: {  	(tag) =	ssettag $0x2  }
0x52: {  	s0 =	rddreg [dreg:$0x0];
	s2 =	stileid.u32  }
0x53: {  	s1 =	rddreg [dreg:$0x1];
	p0 =	sne.s32 s2, $0x0  }
0x54: {  	s3 =	rddreg [dreg:$0x2];
	[bflag:$0x3] =	sbarrier.arrive $0xFFFF;
	s2 =	simm.s32 @!p0 $0x1C01  }
0x55: {  	[timem:s3], [sflag:s2] =	dma.local @!p0 [hbm:s0], s1  }
0x56: {  	s0 =	simm.s32 @!p0 $0x1  }
0x57: {  	_ =	swait.ge @!p0 [sflag:s0], s1  }
0x58: {  	s1 =	ssub.s32 @!p0 $0x0, s1;
	[sflag:s0] =	ssyncset.done @!p0 $0x0  }
0x59: {  	[sflag:s0] =	ssyncadd.s32 @!p0 s1  }
0x5a: {  	[bflag:$0x3] =	sbarrier.arrive $0xFFFF  }
0x5b: {  	_ =	shalt  }

// kernel: gather_offload_async_start.7
scs
__scs_entry_jumppad:
0x0: {  	(pc) =	sbr.rel $0x88, $3  }
0x1: {  	(tag) =	ssettag $0x0;
	lr =	simm.s32 $0x1  }
0x2: {  	[smem:$0x3F97] =	sst lr;
	_ =	strace $0xD0000000  }
0x3: {  	_ = 	snop  }
0x4: {  	_ = 	snop  }
0x5: {  	_ = 	snop  }
0x6: {  	_ = 	snop  }
0x7: {  	_ = 	snop  }
__scs_overlays_trampoline_lowered:
0x8: {  	[smem:$0x3FA6] =	sst s0  }
0x9: {  	[smem:$0x3FA7] =	sst s1  }
0xa: {  	[smem:$0x3FA8] =	sst s2  }
0xb: {  	[smem:$0x3FA9] =	sst s3  }
0xc: {  	[smem:$0x3FAA] =	sst s4  }
0xd: {  	[smem:$0x3FAB] =	sst s5  }
0xe: {  	[smem:$0x3FAC] =	sst s6  }
0xf: {  	[smem:$0x3FAD] =	sst s7  }
0x10: {  	[smem:$0x3FAE] =	sst s8  }
0x11: {  	[smem:$0x3FAF] =	sst s9;
	s0 =	simm.s32 @!p0 $0x0  }
0x12: {  	s1 =	sld [smem:$0x3F95];
	s0 =	simm.s32 @p0 $0x1  }
0x13: {  	[smem:$0x3FB0] =	sst s0;
	s0 =	simm.s32 @!p1 $0x0  }
0x14: {  	s2 =	sld [smem:$0x3F94];
	s0 =	simm.s32 @p1 $0x1  }
0x15: {  	[smem:$0x3FB1] =	sst s0;
	s0 =	simm.s32 @!p2 $0x0  }
0x16: {  	s3 =	sld [smem:$0x3FDB];
	s0 =	simm.s32 @p2 $0x1  }
0x17: {  	s4 =	simm.s32 $0x1BF5;
	[smem:$0x3FB3] =	sst s0  }
0x18: {  	s0 =	sld [smem:$0x3F96];
	_ =	swait.ge [sflag:s4], $0x0  }
0x19: {  	s7 =	sld [smem:$0x3F97]  }
0x1a: {  	s8 =	sadd.s32 $0xFFFFE003, lr  }
0x1b: {  	s9 =	sadd.s32 $0xFFFFFEF7, lr;
	s5 =	simm.s32 $0xFFFFFFFF;
	p2 =	slt.u32 s8, $0xFFFFF086  }
0x1c: {  	p1 =	slt.u32 s9, $0xF7A;
	s5 =	simm.s32 @!p2 $0x0  }
0x1d: {  	s5 =	simm.s32 @p1 $0x1;
	p0 =	seq.s32 s7, s2  }
0x1e: {  	s7 =	smul.u32 @!p0 $0xF7A, s2;
	p2 =	seq.s32 @!p0 s5, $0x0  }
0x1f: {  	s9 =	smul.u32 $0xF7A, s1;
	s8 =	simm.s32 @!p0 $0x1BF5;
	p2 =	por !p2, p0  }
0x20: {  	[sflag:s8] =	ssyncset.s32 @!p0 $0xFFFFF086;
	s6 =	sadd.s32 @!p0 s3, s7;
	s7 =	simm.s32 @!p0 $0x108  }
0x21: {  	s3 =	sadd.s32 s3, s9;
	s6 =	sadd.s32 @!p0 $0x88, s6;
	s7 =	simm.s32 @p2 $0x1082  }
0x22: {  	[simem:s7], [sflag:s8] =	dma.local @!p0 [hbm:s6], $0xF7A  }
0x23: {  	s9 =	sor.u32 $0xD0000000, s2;
	s6 =	simm.s32 $0x108;
	_ =	swait.ge @!p0 [sflag:s8], $0x0  }
0x24: {  	s3 =	sadd.s32 $0x88, s3;
	s6 =	simm.s32 @!p1 $0x1082;
	[sflag:s4] =	ssyncset.s32 $0xFFFFF086  }
0x25: {  	[simem:s6], [sflag:s4] =	dma.local [hbm:s3], $0xF7A  }
0x26: {  	[smem:$0x3F97] =	sst s1;
	(tag) =	ssettag s2;
	_ =	strace s9  }
0x27: {  	s1 =	sld [smem:$0x3FA7]  }
0x28: {  	s2 =	sld [smem:$0x3FA8]  }
0x29: {  	s4 =	sld [smem:$0x3FAA]  }
0x2a: {  	p0 =	seq.s32 s5, $0x0;
	s5 =	sld [smem:$0x3FAB]  }
0x2b: {  	s6 =	sld [smem:$0x3FAC]  }
0x2c: {  	s7 =	sld [smem:$0x3FAD]  }
0x2d: {  	s3 =	simm.s32 $0x108;
	s8 =	sld [smem:$0x3FAE]  }
0x2e: {  	s3 =	simm.s32 @!p0 $0x1082;
	s9 =	sld [smem:$0x3FAF]  }
0x2f: {  	lr =	sadd.s32 s0, s3;
	s0 =	sld [smem:$0x3FA6]  }
0x30: {  	s3 =	sld [smem:$0x3FA9]  }
0x31: {  	[smem:$0x3FB2] =	sst s10  }
0x32: {  	s10 =	sld [smem:$0x3FB0];
	_ =	sdelay $0x3  }
0x33: {  	p0 =	seq.s32 s10, $0x1;
	s10 =	sld [smem:$0x3FB2];
	_ =	sdelay $0x3  }
0x34: {  	[smem:$0x3FB2] =	sst s10  }
0x35: {  	s10 =	sld [smem:$0x3FB1];
	_ =	sdelay $0x3  }
0x36: {  	p1 =	seq.s32 s10, $0x1;
	s10 =	sld [smem:$0x3FB2];
	_ =	sdelay $0x3  }
0x37: {  	[smem:$0x3FB2] =	sst s10  }
0x38: {  	s10 =	sld [smem:$0x3FB3]  }
0x39: {  	_ = 	snop;
	(pc) =	sbr.ind lr, $3  }
0x3a: {  	_ = 	snop  }
0x3b: {  	_ = 	snop  }
0x3c: {  	p2 =	seq.s32 s10, $0x1;
	s10 =	sld [smem:$0x3FB2]  }
0x3d: {  	_ =	shalt  }
0x3e: {  	_ =	shalt  }
0x3f: {  	_ =	shalt  }
0x40: {  	_ =	shalt  }
0x41: {  	_ =	shalt  }
0x42: {  	_ =	shalt  }
0x43: {  	_ =	shalt  }
0x44: {  	_ =	shalt  }
0x45: {  	_ =	shalt  }
0x46: {  	_ =	shalt  }
0x47: {  	_ =	shalt  }
0x48: {  	_ =	shalt  }
0x49: {  	_ =	shalt  }
0x4a: {  	_ =	shalt  }
0x4b: {  	_ =	shalt  }
0x4c: {  	_ =	shalt  }
0x4d: {  	_ =	shalt  }
0x4e: {  	_ =	shalt  }
0x4f: {  	_ =	shalt  }
0x50: {  	_ =	shalt  }
0x51: {  	_ =	shalt  }
0x52: {  	_ =	shalt  }
0x53: {  	_ =	shalt  }
0x54: {  	_ =	shalt  }
0x55: {  	_ =	shalt  }
0x56: {  	_ =	shalt  }
0x57: {  	_ =	shalt  }
0x58: {  	_ =	shalt  }
0x59: {  	_ =	shalt  }
0x5a: {  	_ =	shalt  }
0x5b: {  	_ =	shalt  }
0x5c: {  	_ =	shalt  }
0x5d: {  	_ =	shalt  }
0x5e: {  	_ =	shalt  }
0x5f: {  	_ =	shalt  }
0x60: {  	_ =	shalt  }
0x61: {  	_ =	shalt  }
0x62: {  	_ =	shalt  }
0x63: {  	_ =	shalt  }
0x64: {  	_ =	shalt  }
0x65: {  	_ =	shalt  }
0x66: {  	_ =	shalt  }
0x67: {  	_ =	shalt  }
0x68: {  	_ =	shalt  }
0x69: {  	_ =	shalt  }
0x6a: {  	_ =	shalt  }
0x6b: {  	_ =	shalt  }
0x6c: {  	_ =	shalt  }
0x6d: {  	_ =	shalt  }
0x6e: {  	_ =	shalt  }
0x6f: {  	_ =	shalt  }
0x70: {  	_ =	shalt  }
0x71: {  	_ =	shalt  }
0x72: {  	_ =	shalt  }
0x73: {  	_ =	shalt  }
0x74: {  	_ =	shalt  }
0x75: {  	_ =	shalt  }
0x76: {  	_ =	shalt  }
0x77: {  	_ =	shalt  }
0x78: {  	_ =	shalt  }
0x79: {  	_ =	shalt  }
0x7a: {  	_ =	shalt  }
0x7b: {  	_ =	shalt  }
0x7c: {  	_ =	shalt  }
0x7d: {  	_ =	shalt  }
0x7e: {  	_ =	shalt  }
0x7f: {  	_ =	shalt  }
0x80: {  	_ =	shalt  }
0x81: {  	_ =	shalt  }
0x82: {  	_ =	shalt  }
0x83: {  	_ =	shalt  }
0x84: {  	_ =	shalt  }
0x85: {  	_ =	shalt  }
0x86: {  	_ =	shalt  }
0x87: {  	_ =	shalt  }
.Lfunc_end0:
.L_simem_size_0:
called_computation.7_lowered:
.L_overlay_start_0:
0x88: {  	s2 =	sld [smem:$0x3FD9]  }
0x89: {  	s3 =	sld [smem:$0x3FFE];
	_ =	sdelay $0x1  }
0x8a: {  	s1 =	srdreg.scid  }
0x8b: {  	s0 =	sand.u32 $0x1, s1  }
0x8c: {  	s16 =	sshll.u32 s0, $0xA;
	s2 =	sadd.s32 s3, s2  }
0x8d: {  	s2 =	sadd.s32 s2, s16  }
0x8e: {  	[smem:$0x3FBE] =	sst s2  }
0x8f: {  	_ = 	snop  }
0x90: {  	(tm) =	ssettm $0x1  }
0x91: {  	s17 =	sld [smem:$0x3FFB];
	_ =	sdelay $0x3  }
0x92: {  	_ =	strace s17  }
0x93: {  	s2 =	sld [smem:$0x3FFC];
	_ =	sdelay $0x3  }
0x94: {  	_ =	strace s2  }
0x95: {  	s2 =	sld [smem:$0x3FFD];
	_ =	sdelay $0x3  }
0x96: {  	_ =	strace s2  }
0x97: {  	_ =	strace $0x8FFFFFFF  }
0x98: {  	s18 =	sld [smem:$0x3FDB];
	_ =	sdelay $0x1  }
0x99: {  	s19 =	simm.s32 $_scs_section_size  }
0x9a: {  	s4 =	simm.s32 $_size__tile_overlayer_lowered;
	s5 =	simm.s32 $_tile_overlayer_lowered  }
0x9b: {  	s22 =	simm.s32 $0x1BFF;
	s21 =	sshll.u32 s5, $0x1;
	s2 =	sadd.s32 s19, s18  }
0x9c: {  	s6 =	simm.s32 $0x0;
	s20 =	sshll.u32 s4, $0x1;
	s4 =	sadd.s32 s21, s2  }
0x9d: {  	[timem:s6], [sflag:s22] =	dma.local [hbm:s4], s20  }
0x9e: {  	_ =	swait.ge [sflag:s22], s20  }
0x9f: {  	s3 =	ssub.s32 $0x0, s20;
	[sflag:s22] =	ssyncset.done $0x0  }
0xa0: {  	[sflag:s22] =	ssyncadd.s32 s3;
	_ =	sdelay $0x1  }
0xa1: {  	s23 =	simm.s32 $0x1B8B  }
0xa2: {  	_ =	swait.ge [sflag:s23], $0x1  }
0xa3: {  	[sflag:s23] =	ssyncset.done $0x0  }
0xa4: {  	s25 =	simm.s32 $0x1B8E;
	s24 =	sld [smem:$0x3FFE];
	[sflag:s23] =	ssyncadd.s32 $0xFFFFFFFF  }
0xa5: {  	s26 =	simm.s32 $execute0_lowered;
	[smem:$0x3FD2] =	sst s25  }
0xa6: {  	s4 =	sshll.u32 s26, $0x1;
	_ =	strace $0x8000005B;
	[dreg:$0x1] =	wrdreg $0xFFFFFFFF  }
0xa7: {  	s28 =	simm.s32 $_size_execute0_lowered;
	s2 =	sadd.s32 s2, s4;
	[dreg:$0x0] =	wrdreg $0x0  }
0xa8: {  	s4 =	sshll.u32 s28, $0x1;
	[dreg:$0x2] =	wrdreg s2  }
0xa9: {  	[dreg:$0x3] =	wrdreg s4  }
0xaa: {  	[dreg:$0x4] =	wrdreg $0xC0  }
0xab: {  	_ =	task [dreg:s6], $0x5FFFF  }
0xac: {  	[dreg:$0x1] =	wrdreg $0xFFFFFFFF  }
0xad: {  	[dreg:$0x0] =	wrdreg $0x60  }
0xae: {  	[dreg:$0x2] =	wrdreg s24  }
0xaf: {  	[dreg:$0x3] =	wrdreg $0x9  }
0xb0: {  	_ =	task.clear_ibuf [dreg:s6], $0x4FFFF;
	_ =	strace $0x9000005B  }
0xb1: {  	s29 =	simm.s32 $0x9;
	_ =	strace $0x8000005D  }
0xb2: {  	_ =	swait.ge [sflag:s29], $0x1  }
0xb3: {  	[sflag:s29] =	ssyncadd.s32 $0xFFFFFFFF  }
0xb4: {  	_ =	strace $0x9000005D  }
0xb5: {  	_ =	sfence  }
0xb6: {  	s30 =	sld [smem:$0x0];
	_ =	sdelay $0x2  }
0xb7: {  	s31 =	sshll.u32 s1, $0xD;
	s1 =	sshrl.u32 s1, $0x2  }
0xb8: {  	s3 =	sand.u32 $0x4000, s31;
	s1 =	sadd.s32 s1, s30  }
0xb9: {  	s0 =	sor.u32 s3, s0;
	s1 =	sshll.u32 s1, $0x11  }
0xba: {  	s0 =	sor.u32 s1, s0  }
0xbb: {  	s0 =	sadd.s32 $0x8F2B, s0  }
0xbc: {  	[sflag:s0] =	ssyncadd.remote.s32 $0x1  }
0xbd: {  	_ =	sfence.sel $0xFFFF  }
0xbe: {  	[dreg:$0x0] =	wrdreg $0xFFFFFFFF;
	(pc) =	sbr.abs _section_cstart, $3  }
0xbf: {  	[dreg:$0x1] =	wrdreg $0xFFFFFFFF  }
0xc0: {  	_ =	task.clear_ibuf [dreg:s6], $0x2FFFF;
	_ =	strace $0x9FFFFFFF  }
0xc1: {  	(tm) =	ssettm $0x7FFFFFFF  }
tec
execute0_lowered:
.L_overlay_start_1:
0x0: {  	(tag) =	ssettag $0x1  }
0x1: {  	s8 =	rddreg [dreg:$0x0];
	s1 =	stileid.u32  }
0x2: {  	s2 =	srdreg.scid;
	s0 =	rddreg [dreg:$0x1]  }
0x3: {  	_ =	strace $0x8000005C;
	s5 =	simm.s32 $0x1;
	s9 =	simm.s32 $0x1  }
0x4: {  	s10 =	simm.s32 $0x3;
	s2 =	sand.u32 $0x1, s2;
	s3 =	sshll.u32 s1, $0x1  }
0x5: {  	s13 =	simm.s32 $0x0;
	s12 =	simm.s32 $0x0;
	s6 =	sor.u32 s3, s2  }
0x6: {  	[sflag:s5] =	ssyncpa.u1 $0x0;
	s2 =	sadd.s32 $0x86800, s8;
	s4 =	smul.u32 $0x4F00, s6  }
0x7: {  	s3 =	sadd.s32 $0x350200, s8;
	p0 =	slt.u32 s6, $0x11;
	s6 =	simm.s32 $0x9E000  }
.Ltmp0:
0x8: {  	s6 =	simm.s32 @!p0 $0x0;
	s7 =	ssub.s32 $0xED000, s4;
	(pc) =	sbr.rel .LBB2_1-.Ltmp0, $4  }
0x9: {  	s9 =	simm.s32 @!p0 $0x0;
	p0 =	sne.s32 s7, s6;
	s7 =	simm.s32 $0x1  }
0xa: {  	s8 =	sadd.s32 $0x66800, s8;
	s6 =	simm.s32 $0x2;
	s7 =	simm.s32 @!p0 $0x0  }
0xb: {  	s11 =	smov.u32 s4;
	[sflag:s6] =	ssyncpa.u1 $0x0;
	s7 =	sadd.s32 s9, s7  }
0xc: {  	vm0 =	vmmov $0xffff;
	[sflag:s10] =	ssyncpa.u1 $0x0;
	s10 =	simm.s32 $0x0;
	s9 =	sadd.s32 $0x1, s7  }
.LBB2_4:
0xd: {  	v3 =	vshrl.u32 v0, $0x1;
	v4 =	vshrl.u32 v0, $0xC;
	v1 =	vor.u32 v1, v2  }
0xe: {  	v62 =	vshll.u32 v0, $0x13;
	v60 =	vand.u32 $0x7FF, v3;
	v61 =	vand.u32 $0xFF, v4  }
0xf: {  	v0 =	vand.u32 $0x80000, v62;
	v2 =	vsel vm1, $0xFFFFFFFF, v60;
	v3 =	vsel vm1, $0xFFFFFFFF, v61  }
0x10: {  	v0 =	vsel vm1, $0xFFF80000, v0;
	v63 =	vand.u32 $0x7F, v3;
	v5 =	vshll.u32 v2, $0x8  }
0x11: {  	v3 =	vshll.u32 v3, $0x3;
	v5 =	vand.u32 $0xFFFFF800, v5;
	v0 =	vor.u32 v0, v63  }
0x12: {  	v2 =	vshll.u32 v2, $0x7;
	v3 =	vand.u32 $0xFFFFFC00, v3;
	v0 =	vadd.s32 v5, v0  }
0x13: {  	v2 =	vand.u32 $0x380, v2;
	v0 =	vadd.s32 v3, v0  }
0x14: {  	v0 =	vor.u32 v2, v0;
	_ =	sdelay $0x1  }
0x15: {  	(ifvalue) =	ssetifvalue $0x7FFFFFFF;
	s15 =	sadd.s32 $0x10, s15  }
0x16: {  	[tilespmem:s15], [sflag:$0x1] =	stream.indirect_vreg.gather [hbm4b:s2+s10], $0x1, v1, vm0, $0x4038;
	[tilespmem:$0x13C00] =	vst v63  }
0x17: {  	(ifvalue) =	ssetifvalue $0x7FFFFFFF;
	s15 =	sadd.s32 $0x10, s15  }
0x18: {  	[tilespmem:s15], [sflag:$0x1] =	stream.indirect_vreg.gather [hbm4b:s2+s10], $0x1, v0, vm0, $0x4038;
	[tilespmem:$0x13C00] =	vst v63  }
0x19: {  	_ =	swait.ge [sflag:s5], $0x4F00  }
0x1a: {  	s30 =	sshrl.u32 s13, $0x3;
	[sflag:s5] =	ssyncset.done $0x0  }
0x1b: {  	s31 =	sand.u32 $0x7, s13;
	s15 =	sadd.s32 s8, s30;
	[sflag:s5] =	ssyncadd.s32 $0xFFFFB100  }
0x1c: {  	[hbm4b:s15+s31] =	stream.linear.scatter [tilespmem:s14], [sflag:$0x3], $0x4F00, $0x38;
	[tilespmem:$0x13C00] =	vst v63  }
.LBB2_5:
0x1d: {  	s15 =	sadd.s32 $0x9E000, s11  }
0x1e: {  	p1 =	sgt.s32 s15, $0xECFFF  }
0x1f: {  	s15 =	smov.u32 @p1 s4;
	p1 =	sne.s32 s12, s9  }
.Ltmp1:
0x20: {  	p0 =	slt.u32 s12, $0x2;
	(pc) =	sbr.rel @!p1 .LBB2_6-.Ltmp1, $4  }
0x21: {  	s14 =	simm.s32 @!p0 $0x3  }
0x22: {  	_ =	swait.ge @!p0 [sflag:s14], $0x4F00  }
0x23: {  	s16 =	sadd.s32 $0x1, s12;
	s13 =	smov.u32 s11;
	[sflag:s14] =	ssyncset.done @!p0 $0x0  }
0x24: {  	s12 =	smov.u32 s16;
	s11 =	smov.u32 s15;
	[sflag:s14] =	ssyncadd.s32 @!p0 $0xFFFFB100  }
.LBB2_1:
0x25: {  	p0 =	sge.u32 s12, s7  }
0x26: {  	s14 =	sxor.u32 @!p0 $0x1, s12  }
0x27: {  	s14 =	smul.u32 @!p0 $0x13C00, s14  }
0x28: {  	s31 =	sadd.s32 $0xFFFFFFFF, s12;
	s15 =	sshrl.u32 @!p0 s11, $0x3  }
0x29: {  	s16 =	sand.u32 @!p0 $0x7, s11;
	s15 =	sadd.s32 @!p0 s3, s15;
	s14 =	sshra.s32 @!p0 s14, $0x2  }
0x2a: {  	[tilespmem:s14], [sflag:$0x2] =	stream.linear.gather @!p0 [hbm4b:s15+s16], $0x4F00, $0x38;
	[tilespmem:$0x13C00] =	vst v63  }
0x2b: {  	p0 =	sge.u32 s31, s7  }
.Ltmp2:
0x2c: {  	_ = 	snop;
	(pc) =	sbr.rel @p0 .LBB2_5-.Ltmp2, $1  }
0x2d: {  	_ =	sdelay $0x3  }
0x2e: {  	s14 =	sand.u32 $0x1, s12  }
0x2f: {  	_ =	swait.ge [sflag:s6], $0x4F00;
	p0 =	seq.s32 s14, $0x1;
	s14 =	simm.s32 $0x4F00  }
0x30: {  	[sflag:s6] =	ssyncset.done $0x0;
	s14 =	simm.s32 @!p0 $0x0  }
0x31: {  	[sflag:s6] =	ssyncadd.s32 $0xFFFFB100;
	(ifvalue) =	ssetifvalue $0x7FFFFFFF;
	v0 =	vld.msk [tilespmem:s14+$0x0 ss:$0x1], $0xffff;
	_ =	sdelay $0x4  }
0x32: {  	s15 =	sadd.s32 $0x10, s14;
	vm1 =	veq.s32 v0, $0x80000000;
	v1 =	vshrl.u32 v0, $0x1;
	v2 =	vshrl.u32 v0, $0xC  }
0x33: {  	v3 =	vld.msk [tilespmem:s15+$0x0 ss:$0x1], $0xffff;
	v0 =	vshll.u32 v0, $0x13;
	v1 =	vand.u32 $0x7FF, v1;
	v2 =	vand.u32 $0xFF, v2  }
0x34: {  	v0 =	vand.u32 $0x80000, v0;
	v1 =	vsel vm1, $0xFFFFFFFF, v1;
	v2 =	vsel vm1, $0xFFFFFFFF, v2  }
0x35: {  	v0 =	vsel vm1, $0xFFF80000, v0;
	v4 =	vand.u32 $0x7F, v2;
	v5 =	vshll.u32 v1, $0x8  }
0x36: {  	v2 =	vshll.u32 v2, $0x3;
	v5 =	vand.u32 $0xFFFFF800, v5;
	v0 =	vor.u32 v0, v4  }
0x37: {  	v1 =	vshll.u32 v1, $0x7;
	v2 =	vand.u32 $0xFFFFFC00, v2;
	v0 =	vadd.s32 v5, v0  }
0x38: {  	v62 =	vshrl.u32 v3, $0xC;
	v1 =	vand.u32 $0x380, v1;
	v0 =	vadd.s32 v2, v0  }
0x39: {  	s15 =	sadd.s32 $0x10, s15;
	vm1 =	veq.s32 v3, $0x80000000;
	v2 =	vshrl.u32 v3, $0x1;
	v1 =	vor.u32 v1, v0  }
0x3a: {  	v4 =	vand.u32 $0xFF, v62;
	v3 =	vshll.u32 v3, $0x13;
	v0 =	vld.msk [tilespmem:s15+$0x0 ss:$0x1], $0xffff;
	v2 =	vand.u32 $0x7FF, v2  }
0x3b: {  	v4 =	vsel vm1, $0xFFFFFFFF, v4;
	v3 =	vand.u32 $0x80000, v3;
	v2 =	vsel vm1, $0xFFFFFFFF, v2  }
0x3c: {  	v63 =	vand.u32 $0x7F, v4;
	v3 =	vsel vm1, $0xFFF80000, v3;
	v6 =	vshll.u32 v2, $0x8  }
0x3d: {  	s14 =	sadd.s32 $0x9E00, s14;
	v4 =	vshll.u32 v4, $0x3;
	(ifvalue) =	ssetifvalue $0x7FFFFFFF;
	v3 =	vor.u32 v3, v63;
	v6 =	vand.u32 $0xFFFFF800, v6  }
0x3e: {  	v4 =	vand.u32 $0xFFFFFC00, v4;
	[tilespmem:s14], [sflag:$0x1] =	stream.indirect_vreg.gather [hbm4b:s2+s10], $0x1, v1, vm0, $0x4038;
	v1 =	vshll.u32 v2, $0x7;
	v2 =	vadd.s32 v6, v3;
	[tilespmem:$0x13C00] =	vst v63  }
0x3f: {  	s16 =	simm.s32 $0x20;
	s17 =	sadd.s32 $0x10, s15;
	s15 =	smov.u32 s14;
	vm1 =	veq.s32 v0, $0x80000000;
	v1 =	vand.u32 $0x380, v1;
	v2 =	vadd.s32 v4, v2  }
.LBB2_3:
0x40: {  	v3 =	vld.msk [tilespmem:s17+$0x0 ss:$0x1], $0xffff;
	v4 =	vshrl.u32 v0, $0x1;
	v5 =	vshrl.u32 v0, $0xC;
	v1 =	vor.u32 v1, v2;
	s16 =	sadd.s32 $0x10, s16  }
0x41: {  	v0 =	vshll.u32 v0, $0x13;
	v2 =	vand.u32 $0x7FF, v4;
	v4 =	vand.u32 $0xFF, v5;
	p0 =	slt.u32 s16, $0x4EF0  }
.Ltmp3:
0x42: {  	v0 =	vand.u32 $0x80000, v0;
	v2 =	vsel vm1, $0xFFFFFFFF, v2;
	v4 =	vsel vm1, $0xFFFFFFFF, v4;
	(pc) =	sbr.rel @p0 .LBB2_3-.Ltmp3, $4  }
0x43: {  	v0 =	vsel vm1, $0xFFF80000, v0;
	v5 =	vand.u32 $0x7F, v4;
	v6 =	vshll.u32 v2, $0x8  }
0x44: {  	s15 =	sadd.s32 $0x10, s15;
	v4 =	vshll.u32 v4, $0x3;
	v6 =	vand.u32 $0xFFFFF800, v6;
	v7 =	vor.u32 v0, v5;
	(ifvalue) =	ssetifvalue $0x7FFFFFFF  }
0x45: {  	v2 =	vshll.u32 v2, $0x7;
	v4 =	vand.u32 $0xFFFFFC00, v4;
	v5 =	vadd.s32 v6, v7;
	[tilespmem:s15], [sflag:$0x1] =	stream.indirect_vreg.gather [hbm4b:s2+s10], $0x1, v1, vm0, $0x4038;
	[tilespmem:$0x13C00] =	vst v63  }
0x46: {  	s17 =	sadd.s32 $0x10, s17;
	vm1 =	veq.s32 v3, $0x80000000;
	v1 =	vand.u32 $0x380, v2;
	v0 =	vmovc v3;
	v2 =	vadd.s32 v4, v5  }
.Ltmp4:
0x47: {  	_ = 	snop;
	(pc) =	sbr.rel .LBB2_4-.Ltmp4, $1  }
0x48: {  	_ =	sdelay $0x3  }
.LBB2_6:
0x49: {  	_ =	sfence.sel $0x180000  }
0x4a: {  	s2 =	simm.s32 $0x2;
	[bflag:$0x0] =	sbarrier.arrive $0xFFFF  }
0x4b: {  	s30 =	simm.s32 $0x3;
	[sflag:s2] =	ssyncpa.u1 $0x1  }
0x4c: {  	s31 =	simm.s32 $0x1;
	[sflag:s30] =	ssyncpa.u1 $0x1  }
0x4d: {  	[sflag:s31] =	ssyncpa.u1 $0x1  }
0x4e: {  	p0 =	sne.s32 s1, $0x0;
	_ =	strace $0x9000005C  }
0x4f: {  	s0 =	sadd.s32 @!p0 $0x100000, s0;
	[bflag:$0x2] =	sbarrier.arrive $0xFFFF  }
0x50: {  	[sflag:s0] =	ssyncadd.tile.s32 @!p0 $0x1;
	_ =	shalt  }
.Lfunc_end2:
_tile_overlayer_lowered:
.L_overlay_start_2:
0x51: {  	(tag) =	ssettag $0x2  }
0x52: {  	s0 =	rddreg [dreg:$0x0];
	s2 =	stileid.u32  }
0x53: {  	s1 =	rddreg [dreg:$0x1];
	p0 =	sne.s32 s2, $0x0  }
0x54: {  	s3 =	rddreg [dreg:$0x2];
	[bflag:$0x3] =	sbarrier.arrive $0xFFFF;
	s2 =	simm.s32 @!p0 $0x1C01  }
0x55: {  	[timem:s3], [sflag:s2] =	dma.local @!p0 [hbm:s0], s1  }
0x56: {  	s0 =	simm.s32 @!p0 $0x1  }
0x57: {  	_ =	swait.ge @!p0 [sflag:s0], s1  }
0x58: {  	s1 =	ssub.s32 @!p0 $0x0, s1;
	[sflag:s0] =	ssyncset.done @!p0 $0x0  }
0x59: {  	[sflag:s0] =	ssyncadd.s32 @!p0 s1  }
0x5a: {  	[bflag:$0x3] =	sbarrier.arrive $0xFFFF  }
0x5b: {  	_ =	shalt  }

// kernel: gather_offload_async_start.8
scs
__scs_entry_jumppad:
0x0: {  	(pc) =	sbr.rel $0x88, $3  }
0x1: {  	(tag) =	ssettag $0x0;
	lr =	simm.s32 $0x1  }
0x2: {  	[smem:$0x3F97] =	sst lr;
	_ =	strace $0xD0000000  }
0x3: {  	_ = 	snop  }
0x4: {  	_ = 	snop  }
0x5: {  	_ = 	snop  }
0x6: {  	_ = 	snop  }
0x7: {  	_ = 	snop  }
__scs_overlays_trampoline_lowered:
0x8: {  	[smem:$0x3FA6] =	sst s0  }
0x9: {  	[smem:$0x3FA7] =	sst s1  }
0xa: {  	[smem:$0x3FA8] =	sst s2  }
0xb: {  	[smem:$0x3FA9] =	sst s3  }
0xc: {  	[smem:$0x3FAA] =	sst s4  }
0xd: {  	[smem:$0x3FAB] =	sst s5  }
0xe: {  	[smem:$0x3FAC] =	sst s6  }
0xf: {  	[smem:$0x3FAD] =	sst s7  }
0x10: {  	[smem:$0x3FAE] =	sst s8  }
0x11: {  	[smem:$0x3FAF] =	sst s9;
	s0 =	simm.s32 @!p0 $0x0  }
0x12: {  	s1 =	sld [smem:$0x3F95];
	s0 =	simm.s32 @p0 $0x1  }
0x13: {  	[smem:$0x3FB0] =	sst s0;
	s0 =	simm.s32 @!p1 $0x0  }
0x14: {  	s2 =	sld [smem:$0x3F94];
	s0 =	simm.s32 @p1 $0x1  }
0x15: {  	[smem:$0x3FB1] =	sst s0;
	s0 =	simm.s32 @!p2 $0x0  }
0x16: {  	s3 =	sld [smem:$0x3FDB];
	s0 =	simm.s32 @p2 $0x1  }
0x17: {  	s4 =	simm.s32 $0x1BF5;
	[smem:$0x3FB3] =	sst s0  }
0x18: {  	s0 =	sld [smem:$0x3F96];
	_ =	swait.ge [sflag:s4], $0x0  }
0x19: {  	s7 =	sld [smem:$0x3F97]  }
0x1a: {  	s8 =	sadd.s32 $0xFFFFE003, lr  }
0x1b: {  	s9 =	sadd.s32 $0xFFFFFEF7, lr;
	s5 =	simm.s32 $0xFFFFFFFF;
	p2 =	slt.u32 s8, $0xFFFFF086  }
0x1c: {  	p1 =	slt.u32 s9, $0xF7A;
	s5 =	simm.s32 @!p2 $0x0  }
0x1d: {  	s5 =	simm.s32 @p1 $0x1;
	p0 =	seq.s32 s7, s2  }
0x1e: {  	s7 =	smul.u32 @!p0 $0xF7A, s2;
	p2 =	seq.s32 @!p0 s5, $0x0  }
0x1f: {  	s9 =	smul.u32 $0xF7A, s1;
	s8 =	simm.s32 @!p0 $0x1BF5;
	p2 =	por !p2, p0  }
0x20: {  	[sflag:s8] =	ssyncset.s32 @!p0 $0xFFFFF086;
	s6 =	sadd.s32 @!p0 s3, s7;
	s7 =	simm.s32 @!p0 $0x108  }
0x21: {  	s3 =	sadd.s32 s3, s9;
	s6 =	sadd.s32 @!p0 $0x88, s6;
	s7 =	simm.s32 @p2 $0x1082  }
0x22: {  	[simem:s7], [sflag:s8] =	dma.local @!p0 [hbm:s6], $0xF7A  }
0x23: {  	s9 =	sor.u32 $0xD0000000, s2;
	s6 =	simm.s32 $0x108;
	_ =	swait.ge @!p0 [sflag:s8], $0x0  }
0x24: {  	s3 =	sadd.s32 $0x88, s3;
	s6 =	simm.s32 @!p1 $0x1082;
	[sflag:s4] =	ssyncset.s32 $0xFFFFF086  }
0x25: {  	[simem:s6], [sflag:s4] =	dma.local [hbm:s3], $0xF7A  }
0x26: {  	[smem:$0x3F97] =	sst s1;
	(tag) =	ssettag s2;
	_ =	strace s9  }
0x27: {  	s1 =	sld [smem:$0x3FA7]  }
0x28: {  	s2 =	sld [smem:$0x3FA8]  }
0x29: {  	s4 =	sld [smem:$0x3FAA]  }
0x2a: {  	p0 =	seq.s32 s5, $0x0;
	s5 =	sld [smem:$0x3FAB]  }
0x2b: {  	s6 =	sld [smem:$0x3FAC]  }
0x2c: {  	s7 =	sld [smem:$0x3FAD]  }
0x2d: {  	s3 =	simm.s32 $0x108;
	s8 =	sld [smem:$0x3FAE]  }
0x2e: {  	s3 =	simm.s32 @!p0 $0x1082;
	s9 =	sld [smem:$0x3FAF]  }
0x2f: {  	lr =	sadd.s32 s0, s3;
	s0 =	sld [smem:$0x3FA6]  }
0x30: {  	s3 =	sld [smem:$0x3FA9]  }
0x31: {  	[smem:$0x3FB2] =	sst s10  }
0x32: {  	s10 =	sld [smem:$0x3FB0];
	_ =	sdelay $0x3  }
0x33: {  	p0 =	seq.s32 s10, $0x1;
	s10 =	sld [smem:$0x3FB2];
	_ =	sdelay $0x3  }
0x34: {  	[smem:$0x3FB2] =	sst s10  }
0x35: {  	s10 =	sld [smem:$0x3FB1];
	_ =	sdelay $0x3  }
0x36: {  	p1 =	seq.s32 s10, $0x1;
	s10 =	sld [smem:$0x3FB2];
	_ =	sdelay $0x3  }
0x37: {  	[smem:$0x3FB2] =	sst s10  }
0x38: {  	s10 =	sld [smem:$0x3FB3]  }
0x39: {  	_ = 	snop;
	(pc) =	sbr.ind lr, $3  }
0x3a: {  	_ = 	snop  }
0x3b: {  	_ = 	snop  }
0x3c: {  	p2 =	seq.s32 s10, $0x1;
	s10 =	sld [smem:$0x3FB2]  }
0x3d: {  	_ =	shalt  }
0x3e: {  	_ =	shalt  }
0x3f: {  	_ =	shalt  }
0x40: {  	_ =	shalt  }
0x41: {  	_ =	shalt  }
0x42: {  	_ =	shalt  }
0x43: {  	_ =	shalt  }
0x44: {  	_ =	shalt  }
0x45: {  	_ =	shalt  }
0x46: {  	_ =	shalt  }
0x47: {  	_ =	shalt  }
0x48: {  	_ =	shalt  }
0x49: {  	_ =	shalt  }
0x4a: {  	_ =	shalt  }
0x4b: {  	_ =	shalt  }
0x4c: {  	_ =	shalt  }
0x4d: {  	_ =	shalt  }
0x4e: {  	_ =	shalt  }
0x4f: {  	_ =	shalt  }
0x50: {  	_ =	shalt  }
0x51: {  	_ =	shalt  }
0x52: {  	_ =	shalt  }
0x53: {  	_ =	shalt  }
0x54: {  	_ =	shalt  }
0x55: {  	_ =	shalt  }
0x56: {  	_ =	shalt  }
0x57: {  	_ =	shalt  }
0x58: {  	_ =	shalt  }
0x59: {  	_ =	shalt  }
0x5a: {  	_ =	shalt  }
0x5b: {  	_ =	shalt  }
0x5c: {  	_ =	shalt  }
0x5d: {  	_ =	shalt  }
0x5e: {  	_ =	shalt  }
0x5f: {  	_ =	shalt  }
0x60: {  	_ =	shalt  }
0x61: {  	_ =	shalt  }
0x62: {  	_ =	shalt  }
0x63: {  	_ =	shalt  }
0x64: {  	_ =	shalt  }
0x65: {  	_ =	shalt  }
0x66: {  	_ =	shalt  }
0x67: {  	_ =	shalt  }
0x68: {  	_ =	shalt  }
0x69: {  	_ =	shalt  }
0x6a: {  	_ =	shalt  }
0x6b: {  	_ =	shalt  }
0x6c: {  	_ =	shalt  }
0x6d: {  	_ =	shalt  }
0x6e: {  	_ =	shalt  }
0x6f: {  	_ =	shalt  }
0x70: {  	_ =	shalt  }
0x71: {  	_ =	shalt  }
0x72: {  	_ =	shalt  }
0x73: {  	_ =	shalt  }
0x74: {  	_ =	shalt  }
0x75: {  	_ =	shalt  }
0x76: {  	_ =	shalt  }
0x77: {  	_ =	shalt  }
0x78: {  	_ =	shalt  }
0x79: {  	_ =	shalt  }
0x7a: {  	_ =	shalt  }
0x7b: {  	_ =	shalt  }
0x7c: {  	_ =	shalt  }
0x7d: {  	_ =	shalt  }
0x7e: {  	_ =	shalt  }
0x7f: {  	_ =	shalt  }
0x80: {  	_ =	shalt  }
0x81: {  	_ =	shalt  }
0x82: {  	_ =	shalt  }
0x83: {  	_ =	shalt  }
0x84: {  	_ =	shalt  }
0x85: {  	_ =	shalt  }
0x86: {  	_ =	shalt  }
0x87: {  	_ =	shalt  }
.Lfunc_end0:
.L_simem_size_0:
called_computation.8_lowered:
.L_overlay_start_0:
0x88: {  	s2 =	sld [smem:$0x3FD9]  }
0x89: {  	s3 =	sld [smem:$0x3FFE];
	_ =	sdelay $0x1  }
0x8a: {  	s1 =	srdreg.scid  }
0x8b: {  	s0 =	sand.u32 $0x1, s1  }
0x8c: {  	s16 =	sshll.u32 s0, $0xA;
	s2 =	sadd.s32 s3, s2  }
0x8d: {  	s2 =	sadd.s32 s2, s16  }
0x8e: {  	[smem:$0x3FBE] =	sst s2  }
0x8f: {  	_ = 	snop  }
0x90: {  	(tm) =	ssettm $0x1  }
0x91: {  	s17 =	sld [smem:$0x3FFB];
	_ =	sdelay $0x3  }
0x92: {  	_ =	strace s17  }
0x93: {  	s2 =	sld [smem:$0x3FFC];
	_ =	sdelay $0x3  }
0x94: {  	_ =	strace s2  }
0x95: {  	s2 =	sld [smem:$0x3FFD];
	_ =	sdelay $0x3  }
0x96: {  	_ =	strace s2  }
0x97: {  	_ =	strace $0x8FFFFFFF  }
0x98: {  	s18 =	sld [smem:$0x3FDB];
	_ =	sdelay $0x1  }
0x99: {  	s19 =	simm.s32 $_scs_section_size  }
0x9a: {  	s4 =	simm.s32 $_size__tile_overlayer_lowered;
	s5 =	simm.s32 $_tile_overlayer_lowered  }
0x9b: {  	s22 =	simm.s32 $0x1BFF;
	s21 =	sshll.u32 s5, $0x1;
	s2 =	sadd.s32 s19, s18  }
0x9c: {  	s6 =	simm.s32 $0x0;
	s20 =	sshll.u32 s4, $0x1;
	s4 =	sadd.s32 s21, s2  }
0x9d: {  	[timem:s6], [sflag:s22] =	dma.local [hbm:s4], s20  }
0x9e: {  	_ =	swait.ge [sflag:s22], s20  }
0x9f: {  	s3 =	ssub.s32 $0x0, s20;
	[sflag:s22] =	ssyncset.done $0x0  }
0xa0: {  	[sflag:s22] =	ssyncadd.s32 s3;
	_ =	sdelay $0x1  }
0xa1: {  	s23 =	simm.s32 $0x1B8B  }
0xa2: {  	_ =	swait.ge [sflag:s23], $0x1  }
0xa3: {  	[sflag:s23] =	ssyncset.done $0x0  }
0xa4: {  	s25 =	simm.s32 $0x1B8E;
	s24 =	sld [smem:$0x3FFE];
	[sflag:s23] =	ssyncadd.s32 $0xFFFFFFFF  }
0xa5: {  	s26 =	simm.s32 $execute0_lowered;
	[smem:$0x3FD2] =	sst s25  }
0xa6: {  	s4 =	sshll.u32 s26, $0x1;
	_ =	strace $0x8000005E;
	[dreg:$0x1] =	wrdreg $0xFFFFFFFF  }
0xa7: {  	s28 =	simm.s32 $_size_execute0_lowered;
	s2 =	sadd.s32 s2, s4;
	[dreg:$0x0] =	wrdreg $0x0  }
0xa8: {  	s4 =	sshll.u32 s28, $0x1;
	[dreg:$0x2] =	wrdreg s2  }
0xa9: {  	[dreg:$0x3] =	wrdreg s4  }
0xaa: {  	[dreg:$0x4] =	wrdreg $0xC0  }
0xab: {  	_ =	task [dreg:s6], $0x5FFFF  }
0xac: {  	[dreg:$0x1] =	wrdreg $0xFFFFFFFF  }
0xad: {  	[dreg:$0x0] =	wrdreg $0x60  }
0xae: {  	[dreg:$0x2] =	wrdreg s24  }
0xaf: {  	[dreg:$0x3] =	wrdreg $0x9  }
0xb0: {  	_ =	task.clear_ibuf [dreg:s6], $0x4FFFF;
	_ =	strace $0x9000005E  }
0xb1: {  	s29 =	simm.s32 $0x9;
	_ =	strace $0x80000060  }
0xb2: {  	_ =	swait.ge [sflag:s29], $0x1  }
0xb3: {  	[sflag:s29] =	ssyncadd.s32 $0xFFFFFFFF  }
0xb4: {  	_ =	strace $0x90000060  }
0xb5: {  	_ =	sfence  }
0xb6: {  	s30 =	sld [smem:$0x0];
	_ =	sdelay $0x2  }
0xb7: {  	s31 =	sshll.u32 s1, $0xD;
	s1 =	sshrl.u32 s1, $0x2  }
0xb8: {  	s3 =	sand.u32 $0x4000, s31;
	s1 =	sadd.s32 s1, s30  }
0xb9: {  	s0 =	sor.u32 s3, s0;
	s1 =	sshll.u32 s1, $0x11  }
0xba: {  	s0 =	sor.u32 s1, s0  }
0xbb: {  	s0 =	sadd.s32 $0x8F2B, s0  }
0xbc: {  	[sflag:s0] =	ssyncadd.remote.s32 $0x1  }
0xbd: {  	_ =	sfence.sel $0xFFFF  }
0xbe: {  	[dreg:$0x0] =	wrdreg $0xFFFFFFFF;
	(pc) =	sbr.abs _section_cstart, $3  }
0xbf: {  	[dreg:$0x1] =	wrdreg $0xFFFFFFFF  }
0xc0: {  	_ =	task.clear_ibuf [dreg:s6], $0x2FFFF;
	_ =	strace $0x9FFFFFFF  }
0xc1: {  	(tm) =	ssettm $0x7FFFFFFF  }
tec
execute0_lowered:
.L_overlay_start_1:
0x0: {  	(tag) =	ssettag $0x1  }
0x1: {  	s0 =	srdreg.scid;
	s5 =	rddreg [dreg:$0x0]  }
0x2: {  	s1 =	stileid.u32;
	s6 =	simm.s32 $0x1;
	s9 =	simm.s32 $0x1  }
0x3: {  	s10 =	simm.s32 $0x3;
	s13 =	simm.s32 $0x0;
	s2 =	sshll.u32 s0, $0x9  }
0x4: {  	s12 =	simm.s32 $0x0;
	s3 =	sshll.u32 s1, $0xA;
	s2 =	sand.u32 $0x200, s2  }
0x5: {  	s0 =	rddreg [dreg:$0x1];
	_ =	strace $0x8000005F;
	s2 =	sor.u32 s3, s2  }
0x6: {  	s4 =	sadd.s32 $0x23E00, s5;
	[sflag:s6] =	ssyncpa.u1 $0x0;
	s8 =	ssub.s32 $0x6000, s2  }
.Ltmp0:
0x7: {  	s3 =	sadd.s32 $0x126800, s5;
	s7 =	sand.u32 $0x3E00, s8;
	(pc) =	sbr.rel .LBB2_1-.Ltmp0, $4  }
0x8: {  	s5 =	sadd.s32 $0x104200, s5;
	s11 =	smov.u32 s2;
	p0 =	sne.s32 s7, $0x0  }
0x9: {  	s8 =	sshrl.u32 s8, $0xE;
	s7 =	simm.s32 $0x2;
	s9 =	simm.s32 @!p0 $0x0  }
0xa: {  	[sflag:s7] =	ssyncpa.u1 $0x0;
	p0 =	por $0x0, $0x0;
	s8 =	sadd.s32 s9, s8  }
0xb: {  	vm0 =	vmmov $0xffff;
	[sflag:s10] =	ssyncpa.u1 $0x0;
	s10 =	simm.s32 $0x0;
	s9 =	sadd.s32 $0x1, s8  }
.LBB2_4:
0xc: {  	vm1 =	veq.s32 v0, $0x80000000;
	v3 =	vand.u32 $0x1, v0;
	v62 =	vshll.u32 v0, $0x8  }
0xd: {  	v2 =	vand.u32 $0xFF, v2;
	v3 =	vsel vm1, $0xFFFFFFFF, v3;
	v0 =	vand.u32 $0xFFE00, v62  }
0xe: {  	v0 =	vsel vm1, $0xFFFFFE00, v0;
	v4 =	vand.u32 $0xFFFFFE00, v3;
	v3 =	vshll.u32 v3, $0x7  }
0xf: {  	v2 =	vsel vm1, $0xFFFFFFFF, v2;
	v0 =	vadd.s32 v4, v0;
	v3 =	vand.u32 $0x80, v3  }
0x10: {  	v63 =	vand.u32 $0x7F, v2;
	v2 =	vshll.u32 v2, $0x1;
	v0 =	vor.u32 v3, v0  }
0x11: {  	v2 =	vand.u32 $0xFFFFFF00, v2;
	v0 =	vor.u32 v63, v0  }
0x12: {  	v0 =	vadd.s32 v2, v0;
	_ =	sdelay $0x1  }
0x13: {  	(ifvalue) =	ssetifvalue $0x7FFFFFFF;
	s14 =	sadd.s32 $0x10, s14  }
0x14: {  	[tilespmem:s14], [sflag:$0x1] =	stream.indirect_vreg.gather [hbm4b:s3+s10], $0x1, v1, vm0, $0x4038;
	[tilespmem:$0x800] =	vst v63  }
0x15: {  	(ifvalue) =	ssetifvalue $0x7FFFFFFF;
	s14 =	sadd.s32 $0x10, s14  }
0x16: {  	[tilespmem:s14], [sflag:$0x1] =	stream.indirect_vreg.gather [hbm4b:s3+s10], $0x1, v0, vm0, $0x4038;
	[tilespmem:$0x800] =	vst v63  }
0x17: {  	_ =	swait.ge [sflag:s6], $0x200  }
0x18: {  	s30 =	sshrl.u32 s13, $0x3;
	[sflag:s6] =	ssyncset.done $0x0  }
0x19: {  	s31 =	sand.u32 $0x7, s13;
	s14 =	sadd.s32 s5, s30;
	[sflag:s6] =	ssyncadd.s32 $0xFFFFFE00  }
0x1a: {  	[hbm4b:s14+s31] =	stream.linear.scatter [tilespmem:s15], [sflag:$0x3], $0x200, $0x38;
	[tilespmem:$0x800] =	vst v63  }
.LBB2_5:
0x1b: {  	s15 =	sadd.s32 $0x4000, s11  }
0x1c: {  	p2 =	sgt.s32 s15, $0x5FFF  }
0x1d: {  	s15 =	smov.u32 @p2 s2;
	p2 =	sne.s32 s12, s9  }
.Ltmp1:
0x1e: {  	p1 =	slt.u32 s12, $0x2;
	(pc) =	sbr.rel @!p2 .LBB2_6-.Ltmp1, $4  }
0x1f: {  	s14 =	simm.s32 @!p1 $0x3  }
0x20: {  	s16 =	sadd.s32 $0x1, s12;
	_ =	swait.ge @!p1 [sflag:s14], $0x200  }
0x21: {  	s13 =	smov.u32 s11;
	p0 =	por !p0, !p0;
	[sflag:s14] =	ssyncset.done @!p1 $0x0  }
0x22: {  	s12 =	smov.u32 s16;
	s11 =	smov.u32 s15;
	[sflag:s14] =	ssyncadd.s32 @!p1 $0xFFFFFE00  }
.LBB2_1:
0x23: {  	p1 =	sge.u32 s12, s8  }
0x24: {  	s14 =	sxor.u32 @!p1 $0xFFFFFFFF, s12  }
0x25: {  	s31 =	sadd.s32 $0xFFFFFFFF, s12;
	s15 =	sshrl.u32 @!p1 s11, $0x3;
	s14 =	sshll.u32 @!p1 s14, $0x9  }
0x26: {  	s16 =	sand.u32 @!p1 $0x7, s11;
	s15 =	sadd.s32 @!p1 s4, s15;
	s14 =	sand.u32 @!p1 $0x200, s14  }
0x27: {  	[tilespmem:s14], [sflag:$0x2] =	stream.linear.gather @!p1 [hbm4b:s15+s16], $0x200, $0x38;
	[tilespmem:$0x800] =	vst v63  }
0x28: {  	p1 =	sge.u32 s31, s8  }
.Ltmp2:
0x29: {  	_ = 	snop;
	(pc) =	sbr.rel @p1 .LBB2_5-.Ltmp2, $1  }
0x2a: {  	_ =	sdelay $0x3  }
0x2b: {  	s14 =	simm.s32 $0x1  }
0x2c: {  	_ =	swait.ge [sflag:s7], $0x200;
	s14 =	simm.s32 @!p0 $0x0  }
0x2d: {  	[sflag:s7] =	ssyncset.done $0x0;
	s14 =	sshll.u32 s14, $0x9  }
0x2e: {  	[sflag:s7] =	ssyncadd.s32 $0xFFFFFE00;
	(ifvalue) =	ssetifvalue $0x7FFFFFFF;
	v0 =	vld.msk [tilespmem:s14+$0x0 ss:$0x1], $0xffff;
	_ =	sdelay $0x1  }
0x2f: {  	s15 =	sadd.s32 $0x10, s14  }
0x30: {  	v3 =	vld.msk [tilespmem:s15+$0x0 ss:$0x1], $0xffff;
	_ =	sdelay $0x1  }
0x31: {  	v1 =	vshrl.u32 v0, $0xC  }
0x32: {  	vm1 =	veq.s32 v0, $0x80000000;
	v2 =	vand.u32 $0x1, v0;
	v0 =	vshll.u32 v0, $0x8  }
0x33: {  	v2 =	vsel vm1, $0xFFFFFFFF, v2;
	v0 =	vand.u32 $0xFFE00, v0  }
0x34: {  	v1 =	vand.u32 $0xFF, v1;
	v62 =	vand.u32 $0x1, v3;
	v0 =	vsel vm1, $0xFFFFFE00, v0  }
0x35: {  	v4 =	vand.u32 $0xFFFFFE00, v2;
	v2 =	vshll.u32 v2, $0x7;
	v1 =	vsel vm1, $0xFFFFFFFF, v1  }
0x36: {  	vm1 =	veq.s32 v3, $0x80000000;
	v0 =	vadd.s32 v4, v0;
	v2 =	vand.u32 $0x80, v2  }
0x37: {  	v61 =	vand.u32 $0x7F, v1;
	v1 =	vshll.u32 v1, $0x1;
	v0 =	vor.u32 v2, v0  }
0x38: {  	v4 =	vsel vm1, $0xFFFFFFFF, v62;
	v1 =	vand.u32 $0xFFFFFF00, v1;
	v0 =	vor.u32 v61, v0  }
0x39: {  	s17 =	sadd.s32 $0x10, s15;
	v2 =	vshrl.u32 v3, $0xC;
	v3 =	vshll.u32 v3, $0x8;
	v1 =	vadd.s32 v1, v0  }
0x3a: {  	v5 =	vand.u32 $0xFFFFFE00, v4;
	v3 =	vand.u32 $0xFFE00, v3;
	v0 =	vld.msk [tilespmem:s17+$0x0 ss:$0x1], $0xffff  }
0x3b: {  	v4 =	vshll.u32 v4, $0x7;
	v2 =	vand.u32 $0xFF, v2;
	v3 =	vsel vm1, $0xFFFFFE00, v3  }
0x3c: {  	s31 =	sshll.u32 s12, $0x9;
	v4 =	vand.u32 $0x80, v4;
	v2 =	vsel vm1, $0xFFFFFFFF, v2;
	v3 =	vadd.s32 v5, v3  }
0x3d: {  	s14 =	sor.u32 $0x400, s14;
	s15 =	sand.u32 $0x200, s31;
	(ifvalue) =	ssetifvalue $0x7FFFFFFF;
	v63 =	vand.u32 $0x7F, v2;
	v2 =	vshll.u32 v2, $0x1;
	v3 =	vor.u32 v4, v3  }
0x3e: {  	v3 =	vor.u32 v63, v3;
	[tilespmem:s14], [sflag:$0x1] =	stream.indirect_vreg.gather [hbm4b:s3+s10], $0x1, v1, vm0, $0x4038;
	v1 =	vand.u32 $0xFFFFFF00, v2;
	[tilespmem:$0x800] =	vst v63  }
0x3f: {  	s16 =	simm.s32 $0x20;
	s15 =	sor.u32 $0x400, s15;
	s17 =	sadd.s32 $0x10, s17;
	v2 =	vshrl.u32 v0, $0xC;
	v1 =	vadd.s32 v1, v3  }
.LBB2_3:
0x40: {  	vm1 =	veq.s32 v0, $0x80000000;
	v3 =	vand.u32 $0x1, v0;
	v4 =	vshll.u32 v0, $0x8;
	v0 =	vld.msk [tilespmem:s17+$0x0 ss:$0x1], $0xffff;
	s16 =	sadd.s32 $0x10, s16  }
0x41: {  	v2 =	vand.u32 $0xFF, v2;
	v3 =	vsel vm1, $0xFFFFFFFF, v3;
	v4 =	vand.u32 $0xFFE00, v4;
	p1 =	slt.u32 s16, $0x1F0  }
.Ltmp3:
0x42: {  	v4 =	vsel vm1, $0xFFFFFE00, v4;
	v5 =	vand.u32 $0xFFFFFE00, v3;
	v3 =	vshll.u32 v3, $0x7;
	(pc) =	sbr.rel @p1 .LBB2_3-.Ltmp3, $4  }
0x43: {  	s14 =	sadd.s32 $0x10, s14;
	v2 =	vsel vm1, $0xFFFFFFFF, v2;
	v4 =	vadd.s32 v5, v4;
	v3 =	vand.u32 $0x80, v3;
	(ifvalue) =	ssetifvalue $0x7FFFFFFF  }
0x44: {  	v5 =	vand.u32 $0x7F, v2;
	v2 =	vshll.u32 v2, $0x1;
	v3 =	vor.u32 v3, v4;
	[tilespmem:s14], [sflag:$0x1] =	stream.indirect_vreg.gather [hbm4b:s3+s10], $0x1, v1, vm0, $0x4038;
	[tilespmem:$0x800] =	vst v63  }
0x45: {  	v1 =	vand.u32 $0xFFFFFF00, v2;
	v3 =	vor.u32 v5, v3  }
0x46: {  	s17 =	sadd.s32 $0x10, s17;
	v2 =	vshrl.u32 v0, $0xC;
	v1 =	vadd.s32 v1, v3  }
.Ltmp4:
0x47: {  	_ = 	snop;
	(pc) =	sbr.rel .LBB2_4-.Ltmp4, $1  }
0x48: {  	_ =	sdelay $0x3  }
.LBB2_6:
0x49: {  	_ =	sfence.sel $0x180000  }
0x4a: {  	s2 =	simm.s32 $0x2;
	[bflag:$0x0] =	sbarrier.arrive $0xFFFF  }
0x4b: {  	s30 =	simm.s32 $0x3;
	[sflag:s2] =	ssyncpa.u1 $0x1  }
0x4c: {  	s31 =	simm.s32 $0x1;
	[sflag:s30] =	ssyncpa.u1 $0x1  }
0x4d: {  	[sflag:s31] =	ssyncpa.u1 $0x1  }
0x4e: {  	p0 =	sne.s32 s1, $0x0;
	_ =	strace $0x9000005F  }
0x4f: {  	s0 =	sadd.s32 @!p0 $0x100000, s0;
	[bflag:$0x2] =	sbarrier.arrive $0xFFFF  }
0x50: {  	[sflag:s0] =	ssyncadd.tile.s32 @!p0 $0x1;
	_ =	shalt  }
.Lfunc_end2:
_tile_overlayer_lowered:
.L_overlay_start_2:
0x51: {  	(tag) =	ssettag $0x2  }
0x52: {  	s0 =	rddreg [dreg:$0x0];
	s2 =	stileid.u32  }
0x53: {  	s1 =	rddreg [dreg:$0x1];
	p0 =	sne.s32 s2, $0x0  }
0x54: {  	s3 =	rddreg [dreg:$0x2];
	[bflag:$0x3] =	sbarrier.arrive $0xFFFF;
	s2 =	simm.s32 @!p0 $0x1C01  }
0x55: {  	[timem:s3], [sflag:s2] =	dma.local @!p0 [hbm:s0], s1  }
0x56: {  	s0 =	simm.s32 @!p0 $0x1  }
0x57: {  	_ =	swait.ge @!p0 [sflag:s0], s1  }
0x58: {  	s1 =	ssub.s32 @!p0 $0x0, s1;
	[sflag:s0] =	ssyncset.done @!p0 $0x0  }
0x59: {  	[sflag:s0] =	ssyncadd.s32 @!p0 s1  }
0x5a: {  	[bflag:$0x3] =	sbarrier.arrive $0xFFFF  }
0x5b: {  	_ =	shalt  }

// kernel: gather_offload_async_start.9
scs
__scs_entry_jumppad:
0x0: {  	(pc) =	sbr.rel $0x88, $3  }
0x1: {  	(tag) =	ssettag $0x0;
	lr =	simm.s32 $0x1  }
0x2: {  	[smem:$0x3F97] =	sst lr;
	_ =	strace $0xD0000000  }
0x3: {  	_ = 	snop  }
0x4: {  	_ = 	snop  }
0x5: {  	_ = 	snop  }
0x6: {  	_ = 	snop  }
0x7: {  	_ = 	snop  }
__scs_overlays_trampoline_lowered:
0x8: {  	[smem:$0x3FA6] =	sst s0  }
0x9: {  	[smem:$0x3FA7] =	sst s1  }
0xa: {  	[smem:$0x3FA8] =	sst s2  }
0xb: {  	[smem:$0x3FA9] =	sst s3  }
0xc: {  	[smem:$0x3FAA] =	sst s4  }
0xd: {  	[smem:$0x3FAB] =	sst s5  }
0xe: {  	[smem:$0x3FAC] =	sst s6  }
0xf: {  	[smem:$0x3FAD] =	sst s7  }
0x10: {  	[smem:$0x3FAE] =	sst s8  }
0x11: {  	[smem:$0x3FAF] =	sst s9;
	s0 =	simm.s32 @!p0 $0x0  }
0x12: {  	s1 =	sld [smem:$0x3F95];
	s0 =	simm.s32 @p0 $0x1  }
0x13: {  	[smem:$0x3FB0] =	sst s0;
	s0 =	simm.s32 @!p1 $0x0  }
0x14: {  	s2 =	sld [smem:$0x3F94];
	s0 =	simm.s32 @p1 $0x1  }
0x15: {  	[smem:$0x3FB1] =	sst s0;
	s0 =	simm.s32 @!p2 $0x0  }
0x16: {  	s3 =	sld [smem:$0x3FDB];
	s0 =	simm.s32 @p2 $0x1  }
0x17: {  	s4 =	simm.s32 $0x1BF5;
	[smem:$0x3FB3] =	sst s0  }
0x18: {  	s0 =	sld [smem:$0x3F96];
	_ =	swait.ge [sflag:s4], $0x0  }
0x19: {  	s7 =	sld [smem:$0x3F97]  }
0x1a: {  	s8 =	sadd.s32 $0xFFFFE003, lr  }
0x1b: {  	s9 =	sadd.s32 $0xFFFFFEF7, lr;
	s5 =	simm.s32 $0xFFFFFFFF;
	p2 =	slt.u32 s8, $0xFFFFF086  }
0x1c: {  	p1 =	slt.u32 s9, $0xF7A;
	s5 =	simm.s32 @!p2 $0x0  }
0x1d: {  	s5 =	simm.s32 @p1 $0x1;
	p0 =	seq.s32 s7, s2  }
0x1e: {  	s7 =	smul.u32 @!p0 $0xF7A, s2;
	p2 =	seq.s32 @!p0 s5, $0x0  }
0x1f: {  	s9 =	smul.u32 $0xF7A, s1;
	s8 =	simm.s32 @!p0 $0x1BF5;
	p2 =	por !p2, p0  }
0x20: {  	[sflag:s8] =	ssyncset.s32 @!p0 $0xFFFFF086;
	s6 =	sadd.s32 @!p0 s3, s7;
	s7 =	simm.s32 @!p0 $0x108  }
0x21: {  	s3 =	sadd.s32 s3, s9;
	s6 =	sadd.s32 @!p0 $0x88, s6;
	s7 =	simm.s32 @p2 $0x1082  }
0x22: {  	[simem:s7], [sflag:s8] =	dma.local @!p0 [hbm:s6], $0xF7A  }
0x23: {  	s9 =	sor.u32 $0xD0000000, s2;
	s6 =	simm.s32 $0x108;
	_ =	swait.ge @!p0 [sflag:s8], $0x0  }
0x24: {  	s3 =	sadd.s32 $0x88, s3;
	s6 =	simm.s32 @!p1 $0x1082;
	[sflag:s4] =	ssyncset.s32 $0xFFFFF086  }
0x25: {  	[simem:s6], [sflag:s4] =	dma.local [hbm:s3], $0xF7A  }
0x26: {  	[smem:$0x3F97] =	sst s1;
	(tag) =	ssettag s2;
	_ =	strace s9  }
0x27: {  	s1 =	sld [smem:$0x3FA7]  }
0x28: {  	s2 =	sld [smem:$0x3FA8]  }
0x29: {  	s4 =	sld [smem:$0x3FAA]  }
0x2a: {  	p0 =	seq.s32 s5, $0x0;
	s5 =	sld [smem:$0x3FAB]  }
0x2b: {  	s6 =	sld [smem:$0x3FAC]  }
0x2c: {  	s7 =	sld [smem:$0x3FAD]  }
0x2d: {  	s3 =	simm.s32 $0x108;
	s8 =	sld [smem:$0x3FAE]  }
0x2e: {  	s3 =	simm.s32 @!p0 $0x1082;
	s9 =	sld [smem:$0x3FAF]  }
0x2f: {  	lr =	sadd.s32 s0, s3;
	s0 =	sld [smem:$0x3FA6]  }
0x30: {  	s3 =	sld [smem:$0x3FA9]  }
0x31: {  	[smem:$0x3FB2] =	sst s10  }
0x32: {  	s10 =	sld [smem:$0x3FB0];
	_ =	sdelay $0x3  }
0x33: {  	p0 =	seq.s32 s10, $0x1;
	s10 =	sld [smem:$0x3FB2];
	_ =	sdelay $0x3  }
0x34: {  	[smem:$0x3FB2] =	sst s10  }
0x35: {  	s10 =	sld [smem:$0x3FB1];
	_ =	sdelay $0x3  }
0x36: {  	p1 =	seq.s32 s10, $0x1;
	s10 =	sld [smem:$0x3FB2];
	_ =	sdelay $0x3  }
0x37: {  	[smem:$0x3FB2] =	sst s10  }
0x38: {  	s10 =	sld [smem:$0x3FB3]  }
0x39: {  	_ = 	snop;
	(pc) =	sbr.ind lr, $3  }
0x3a: {  	_ = 	snop  }
0x3b: {  	_ = 	snop  }
0x3c: {  	p2 =	seq.s32 s10, $0x1;
	s10 =	sld [smem:$0x3FB2]  }
0x3d: {  	_ =	shalt  }
0x3e: {  	_ =	shalt  }
0x3f: {  	_ =	shalt  }
0x40: {  	_ =	shalt  }
0x41: {  	_ =	shalt  }
0x42: {  	_ =	shalt  }
0x43: {  	_ =	shalt  }
0x44: {  	_ =	shalt  }
0x45: {  	_ =	shalt  }
0x46: {  	_ =	shalt  }
0x47: {  	_ =	shalt  }
0x48: {  	_ =	shalt  }
0x49: {  	_ =	shalt  }
0x4a: {  	_ =	shalt  }
0x4b: {  	_ =	shalt  }
0x4c: {  	_ =	shalt  }
0x4d: {  	_ =	shalt  }
0x4e: {  	_ =	shalt  }
0x4f: {  	_ =	shalt  }
0x50: {  	_ =	shalt  }
0x51: {  	_ =	shalt  }
0x52: {  	_ =	shalt  }
0x53: {  	_ =	shalt  }
0x54: {  	_ =	shalt  }
0x55: {  	_ =	shalt  }
0x56: {  	_ =	shalt  }
0x57: {  	_ =	shalt  }
0x58: {  	_ =	shalt  }
0x59: {  	_ =	shalt  }
0x5a: {  	_ =	shalt  }
0x5b: {  	_ =	shalt  }
0x5c: {  	_ =	shalt  }
0x5d: {  	_ =	shalt  }
0x5e: {  	_ =	shalt  }
0x5f: {  	_ =	shalt  }
0x60: {  	_ =	shalt  }
0x61: {  	_ =	shalt  }
0x62: {  	_ =	shalt  }
0x63: {  	_ =	shalt  }
0x64: {  	_ =	shalt  }
0x65: {  	_ =	shalt  }
0x66: {  	_ =	shalt  }
0x67: {  	_ =	shalt  }
0x68: {  	_ =	shalt  }
0x69: {  	_ =	shalt  }
0x6a: {  	_ =	shalt  }
0x6b: {  	_ =	shalt  }
0x6c: {  	_ =	shalt  }
0x6d: {  	_ =	shalt  }
0x6e: {  	_ =	shalt  }
0x6f: {  	_ =	shalt  }
0x70: {  	_ =	shalt  }
0x71: {  	_ =	shalt  }
0x72: {  	_ =	shalt  }
0x73: {  	_ =	shalt  }
0x74: {  	_ =	shalt  }
0x75: {  	_ =	shalt  }
0x76: {  	_ =	shalt  }
0x77: {  	_ =	shalt  }
0x78: {  	_ =	shalt  }
0x79: {  	_ =	shalt  }
0x7a: {  	_ =	shalt  }
0x7b: {  	_ =	shalt  }
0x7c: {  	_ =	shalt  }
0x7d: {  	_ =	shalt  }
0x7e: {  	_ =	shalt  }
0x7f: {  	_ =	shalt  }
0x80: {  	_ =	shalt  }
0x81: {  	_ =	shalt  }
0x82: {  	_ =	shalt  }
0x83: {  	_ =	shalt  }
0x84: {  	_ =	shalt  }
0x85: {  	_ =	shalt  }
0x86: {  	_ =	shalt  }
0x87: {  	_ =	shalt  }
.Lfunc_end0:
.L_simem_size_0:
called_computation.9_lowered:
.L_overlay_start_0:
0x88: {  	s2 =	sld [smem:$0x3FD9]  }
0x89: {  	s3 =	sld [smem:$0x3FFE];
	_ =	sdelay $0x1  }
0x8a: {  	s1 =	srdreg.scid  }
0x8b: {  	s0 =	sand.u32 $0x1, s1  }
0x8c: {  	s16 =	sshll.u32 s0, $0xA;
	s2 =	sadd.s32 s3, s2  }
0x8d: {  	s2 =	sadd.s32 s2, s16  }
0x8e: {  	[smem:$0x3FBE] =	sst s2  }
0x8f: {  	_ = 	snop  }
0x90: {  	(tm) =	ssettm $0x1  }
0x91: {  	s17 =	sld [smem:$0x3FFB];
	_ =	sdelay $0x3  }
0x92: {  	_ =	strace s17  }
0x93: {  	s2 =	sld [smem:$0x3FFC];
	_ =	sdelay $0x3  }
0x94: {  	_ =	strace s2  }
0x95: {  	s2 =	sld [smem:$0x3FFD];
	_ =	sdelay $0x3  }
0x96: {  	_ =	strace s2  }
0x97: {  	_ =	strace $0x8FFFFFFF  }
0x98: {  	s18 =	sld [smem:$0x3FDB];
	_ =	sdelay $0x1  }
0x99: {  	s19 =	simm.s32 $_scs_section_size  }
0x9a: {  	s4 =	simm.s32 $_size__tile_overlayer_lowered;
	s5 =	simm.s32 $_tile_overlayer_lowered  }
0x9b: {  	s22 =	simm.s32 $0x1BFF;
	s21 =	sshll.u32 s5, $0x1;
	s2 =	sadd.s32 s19, s18  }
0x9c: {  	s6 =	simm.s32 $0x0;
	s20 =	sshll.u32 s4, $0x1;
	s4 =	sadd.s32 s21, s2  }
0x9d: {  	[timem:s6], [sflag:s22] =	dma.local [hbm:s4], s20  }
0x9e: {  	_ =	swait.ge [sflag:s22], s20  }
0x9f: {  	s3 =	ssub.s32 $0x0, s20;
	[sflag:s22] =	ssyncset.done $0x0  }
0xa0: {  	[sflag:s22] =	ssyncadd.s32 s3;
	_ =	sdelay $0x1  }
0xa1: {  	s23 =	simm.s32 $0x1B8B  }
0xa2: {  	_ =	swait.ge [sflag:s23], $0x1  }
0xa3: {  	[sflag:s23] =	ssyncset.done $0x0  }
0xa4: {  	s25 =	simm.s32 $0x1B8E;
	s24 =	sld [smem:$0x3FFE];
	[sflag:s23] =	ssyncadd.s32 $0xFFFFFFFF  }
0xa5: {  	s26 =	simm.s32 $execute0_lowered;
	[smem:$0x3FD2] =	sst s25  }
0xa6: {  	s4 =	sshll.u32 s26, $0x1;
	_ =	strace $0x80000061;
	[dreg:$0x1] =	wrdreg $0xFFFFFFFF  }
0xa7: {  	s28 =	simm.s32 $_size_execute0_lowered;
	s2 =	sadd.s32 s2, s4;
	[dreg:$0x0] =	wrdreg $0x0  }
0xa8: {  	s4 =	sshll.u32 s28, $0x1;
	[dreg:$0x2] =	wrdreg s2  }
0xa9: {  	[dreg:$0x3] =	wrdreg s4  }
0xaa: {  	[dreg:$0x4] =	wrdreg $0xC0  }
0xab: {  	_ =	task [dreg:s6], $0x5FFFF  }
0xac: {  	[dreg:$0x1] =	wrdreg $0xFFFFFFFF  }
0xad: {  	[dreg:$0x0] =	wrdreg $0x60  }
0xae: {  	[dreg:$0x2] =	wrdreg s24  }
0xaf: {  	[dreg:$0x3] =	wrdreg $0x9  }
0xb0: {  	_ =	task.clear_ibuf [dreg:s6], $0x4FFFF;
	_ =	strace $0x90000061  }
0xb1: {  	s29 =	simm.s32 $0x9;
	_ =	strace $0x80000063  }
0xb2: {  	_ =	swait.ge [sflag:s29], $0x1  }
0xb3: {  	[sflag:s29] =	ssyncadd.s32 $0xFFFFFFFF  }
0xb4: {  	_ =	strace $0x90000063  }
0xb5: {  	_ =	sfence  }
0xb6: {  	s30 =	sld [smem:$0x0];
	_ =	sdelay $0x2  }
0xb7: {  	s31 =	sshll.u32 s1, $0xD;
	s1 =	sshrl.u32 s1, $0x2  }
0xb8: {  	s3 =	sand.u32 $0x4000, s31;
	s1 =	sadd.s32 s1, s30  }
0xb9: {  	s0 =	sor.u32 s3, s0;
	s1 =	sshll.u32 s1, $0x11  }
0xba: {  	s0 =	sor.u32 s1, s0  }
0xbb: {  	s0 =	sadd.s32 $0x8F2B, s0  }
0xbc: {  	[sflag:s0] =	ssyncadd.remote.s32 $0x1  }
0xbd: {  	_ =	sfence.sel $0xFFFF  }
0xbe: {  	[dreg:$0x0] =	wrdreg $0xFFFFFFFF;
	(pc) =	sbr.abs _section_cstart, $3  }
0xbf: {  	[dreg:$0x1] =	wrdreg $0xFFFFFFFF  }
0xc0: {  	_ =	task.clear_ibuf [dreg:s6], $0x2FFFF;
	_ =	strace $0x9FFFFFFF  }
0xc1: {  	(tm) =	ssettm $0x7FFFFFFF  }
tec
execute0_lowered:
.L_overlay_start_1:
0x0: {  	(tag) =	ssettag $0x1  }
0x1: {  	s8 =	rddreg [dreg:$0x0];
	s1 =	stileid.u32  }
0x2: {  	s2 =	srdreg.scid;
	s0 =	rddreg [dreg:$0x1]  }
0x3: {  	_ =	strace $0x80000062;
	s5 =	simm.s32 $0x1;
	s9 =	simm.s32 $0x1  }
0x4: {  	s10 =	simm.s32 $0x3;
	s2 =	sand.u32 $0x1, s2;
	s3 =	sshll.u32 s1, $0x1  }
0x5: {  	s13 =	simm.s32 $0x0;
	s12 =	simm.s32 $0x0;
	s6 =	sor.u32 s3, s2  }
0x6: {  	[sflag:s5] =	ssyncpa.u1 $0x0;
	s2 =	sadd.s32 $0xA6800, s8;
	s4 =	smul.u32 $0x4F00, s6  }
0x7: {  	s3 =	sadd.s32 $0x38FC00, s8;
	p0 =	slt.u32 s6, $0x11;
	s6 =	simm.s32 $0x9E000  }
.Ltmp0:
0x8: {  	s6 =	simm.s32 @!p0 $0x0;
	s7 =	ssub.s32 $0xED000, s4;
	(pc) =	sbr.rel .LBB2_1-.Ltmp0, $4  }
0x9: {  	s9 =	simm.s32 @!p0 $0x0;
	p0 =	sne.s32 s7, s6;
	s7 =	simm.s32 $0x1  }
0xa: {  	s8 =	sadd.s32 $0x86800, s8;
	s6 =	simm.s32 $0x2;
	s7 =	simm.s32 @!p0 $0x0  }
0xb: {  	s11 =	smov.u32 s4;
	[sflag:s6] =	ssyncpa.u1 $0x0;
	s7 =	sadd.s32 s9, s7  }
0xc: {  	vm0 =	vmmov $0xffff;
	[sflag:s10] =	ssyncpa.u1 $0x0;
	s10 =	simm.s32 $0x0;
	s9 =	sadd.s32 $0x1, s7  }
.LBB2_4:
0xd: {  	v3 =	vshrl.u32 v0, $0x1;
	v4 =	vshrl.u32 v0, $0xC;
	v1 =	vor.u32 v1, v2  }
0xe: {  	v62 =	vshll.u32 v0, $0x13;
	v60 =	vand.u32 $0x7FF, v3;
	v61 =	vand.u32 $0xFF, v4  }
0xf: {  	v0 =	vand.u32 $0x80000, v62;
	v2 =	vsel vm1, $0xFFFFFFFF, v60;
	v3 =	vsel vm1, $0xFFFFFFFF, v61  }
0x10: {  	v0 =	vsel vm1, $0xFFF80000, v0;
	v63 =	vand.u32 $0x7F, v3;
	v5 =	vshll.u32 v2, $0x8  }
0x11: {  	v3 =	vshll.u32 v3, $0x3;
	v5 =	vand.u32 $0xFFFFF800, v5;
	v0 =	vor.u32 v0, v63  }
0x12: {  	v2 =	vshll.u32 v2, $0x7;
	v3 =	vand.u32 $0xFFFFFC00, v3;
	v0 =	vadd.s32 v5, v0  }
0x13: {  	v2 =	vand.u32 $0x380, v2;
	v0 =	vadd.s32 v3, v0  }
0x14: {  	v0 =	vor.u32 v2, v0;
	_ =	sdelay $0x1  }
0x15: {  	(ifvalue) =	ssetifvalue $0x7FFFFFFF;
	s15 =	sadd.s32 $0x10, s15  }
0x16: {  	[tilespmem:s15], [sflag:$0x1] =	stream.indirect_vreg.gather [hbm4b:s2+s10], $0x1, v1, vm0, $0x4038;
	[tilespmem:$0x13C00] =	vst v63  }
0x17: {  	(ifvalue) =	ssetifvalue $0x7FFFFFFF;
	s15 =	sadd.s32 $0x10, s15  }
0x18: {  	[tilespmem:s15], [sflag:$0x1] =	stream.indirect_vreg.gather [hbm4b:s2+s10], $0x1, v0, vm0, $0x4038;
	[tilespmem:$0x13C00] =	vst v63  }
0x19: {  	_ =	swait.ge [sflag:s5], $0x4F00  }
0x1a: {  	s30 =	sshrl.u32 s13, $0x3;
	[sflag:s5] =	ssyncset.done $0x0  }
0x1b: {  	s31 =	sand.u32 $0x7, s13;
	s15 =	sadd.s32 s8, s30;
	[sflag:s5] =	ssyncadd.s32 $0xFFFFB100  }
0x1c: {  	[hbm4b:s15+s31] =	stream.linear.scatter [tilespmem:s14], [sflag:$0x3], $0x4F00, $0x38;
	[tilespmem:$0x13C00] =	vst v63  }
.LBB2_5:
0x1d: {  	s15 =	sadd.s32 $0x9E000, s11  }
0x1e: {  	p1 =	sgt.s32 s15, $0xECFFF  }
0x1f: {  	s15 =	smov.u32 @p1 s4;
	p1 =	sne.s32 s12, s9  }
.Ltmp1:
0x20: {  	p0 =	slt.u32 s12, $0x2;
	(pc) =	sbr.rel @!p1 .LBB2_6-.Ltmp1, $4  }
0x21: {  	s14 =	simm.s32 @!p0 $0x3  }
0x22: {  	_ =	swait.ge @!p0 [sflag:s14], $0x4F00  }
0x23: {  	s16 =	sadd.s32 $0x1, s12;
	s13 =	smov.u32 s11;
	[sflag:s14] =	ssyncset.done @!p0 $0x0  }
0x24: {  	s12 =	smov.u32 s16;
	s11 =	smov.u32 s15;
	[sflag:s14] =	ssyncadd.s32 @!p0 $0xFFFFB100  }
.LBB2_1:
0x25: {  	p0 =	sge.u32 s12, s7  }
0x26: {  	s14 =	sxor.u32 @!p0 $0x1, s12  }
0x27: {  	s14 =	smul.u32 @!p0 $0x13C00, s14  }
0x28: {  	s31 =	sadd.s32 $0xFFFFFFFF, s12;
	s15 =	sshrl.u32 @!p0 s11, $0x3  }
0x29: {  	s16 =	sand.u32 @!p0 $0x7, s11;
	s15 =	sadd.s32 @!p0 s3, s15;
	s14 =	sshra.s32 @!p0 s14, $0x2  }
0x2a: {  	[tilespmem:s14], [sflag:$0x2] =	stream.linear.gather @!p0 [hbm4b:s15+s16], $0x4F00, $0x38;
	[tilespmem:$0x13C00] =	vst v63  }
0x2b: {  	p0 =	sge.u32 s31, s7  }
.Ltmp2:
0x2c: {  	_ = 	snop;
	(pc) =	sbr.rel @p0 .LBB2_5-.Ltmp2, $1  }
0x2d: {  	_ =	sdelay $0x3  }
0x2e: {  	s14 =	sand.u32 $0x1, s12  }
0x2f: {  	_ =	swait.ge [sflag:s6], $0x4F00;
	p0 =	seq.s32 s14, $0x1;
	s14 =	simm.s32 $0x4F00  }
0x30: {  	[sflag:s6] =	ssyncset.done $0x0;
	s14 =	simm.s32 @!p0 $0x0  }
0x31: {  	[sflag:s6] =	ssyncadd.s32 $0xFFFFB100;
	(ifvalue) =	ssetifvalue $0x7FFFFFFF;
	v0 =	vld.msk [tilespmem:s14+$0x0 ss:$0x1], $0xffff;
	_ =	sdelay $0x4  }
0x32: {  	s15 =	sadd.s32 $0x10, s14;
	vm1 =	veq.s32 v0, $0x80000000;
	v1 =	vshrl.u32 v0, $0x1;
	v2 =	vshrl.u32 v0, $0xC  }
0x33: {  	v3 =	vld.msk [tilespmem:s15+$0x0 ss:$0x1], $0xffff;
	v0 =	vshll.u32 v0, $0x13;
	v1 =	vand.u32 $0x7FF, v1;
	v2 =	vand.u32 $0xFF, v2  }
0x34: {  	v0 =	vand.u32 $0x80000, v0;
	v1 =	vsel vm1, $0xFFFFFFFF, v1;
	v2 =	vsel vm1, $0xFFFFFFFF, v2  }
0x35: {  	v0 =	vsel vm1, $0xFFF80000, v0;
	v4 =	vand.u32 $0x7F, v2;
	v5 =	vshll.u32 v1, $0x8  }
0x36: {  	v2 =	vshll.u32 v2, $0x3;
	v5 =	vand.u32 $0xFFFFF800, v5;
	v0 =	vor.u32 v0, v4  }
0x37: {  	v1 =	vshll.u32 v1, $0x7;
	v2 =	vand.u32 $0xFFFFFC00, v2;
	v0 =	vadd.s32 v5, v0  }
0x38: {  	v62 =	vshrl.u32 v3, $0xC;
	v1 =	vand.u32 $0x380, v1;
	v0 =	vadd.s32 v2, v0  }
0x39: {  	s15 =	sadd.s32 $0x10, s15;
	vm1 =	veq.s32 v3, $0x80000000;
	v2 =	vshrl.u32 v3, $0x1;
	v1 =	vor.u32 v1, v0  }
0x3a: {  	v4 =	vand.u32 $0xFF, v62;
	v3 =	vshll.u32 v3, $0x13;
	v0 =	vld.msk [tilespmem:s15+$0x0 ss:$0x1], $0xffff;
	v2 =	vand.u32 $0x7FF, v2  }
0x3b: {  	v4 =	vsel vm1, $0xFFFFFFFF, v4;
	v3 =	vand.u32 $0x80000, v3;
	v2 =	vsel vm1, $0xFFFFFFFF, v2  }
0x3c: {  	v63 =	vand.u32 $0x7F, v4;
	v3 =	vsel vm1, $0xFFF80000, v3;
	v6 =	vshll.u32 v2, $0x8  }
0x3d: {  	s14 =	sadd.s32 $0x9E00, s14;
	v4 =	vshll.u32 v4, $0x3;
	(ifvalue) =	ssetifvalue $0x7FFFFFFF;
	v3 =	vor.u32 v3, v63;
	v6 =	vand.u32 $0xFFFFF800, v6  }
0x3e: {  	v4 =	vand.u32 $0xFFFFFC00, v4;
	[tilespmem:s14], [sflag:$0x1] =	stream.indirect_vreg.gather [hbm4b:s2+s10], $0x1, v1, vm0, $0x4038;
	v1 =	vshll.u32 v2, $0x7;
	v2 =	vadd.s32 v6, v3;
	[tilespmem:$0x13C00] =	vst v63  }
0x3f: {  	s16 =	simm.s32 $0x20;
	s17 =	sadd.s32 $0x10, s15;
	s15 =	smov.u32 s14;
	vm1 =	veq.s32 v0, $0x80000000;
	v1 =	vand.u32 $0x380, v1;
	v2 =	vadd.s32 v4, v2  }
.LBB2_3:
0x40: {  	v3 =	vld.msk [tilespmem:s17+$0x0 ss:$0x1], $0xffff;
	v4 =	vshrl.u32 v0, $0x1;
	v5 =	vshrl.u32 v0, $0xC;
	v1 =	vor.u32 v1, v2;
	s16 =	sadd.s32 $0x10, s16  }
0x41: {  	v0 =	vshll.u32 v0, $0x13;
	v2 =	vand.u32 $0x7FF, v4;
	v4 =	vand.u32 $0xFF, v5;
	p0 =	slt.u32 s16, $0x4EF0  }
.Ltmp3:
0x42: {  	v0 =	vand.u32 $0x80000, v0;
	v2 =	vsel vm1, $0xFFFFFFFF, v2;
	v4 =	vsel vm1, $0xFFFFFFFF, v4;
	(pc) =	sbr.rel @p0 .LBB2_3-.Ltmp3, $4  }
0x43: {  	v0 =	vsel vm1, $0xFFF80000, v0;
	v5 =	vand.u32 $0x7F, v4;
	v6 =	vshll.u32 v2, $0x8  }
0x44: {  	s15 =	sadd.s32 $0x10, s15;
	v4 =	vshll.u32 v4, $0x3;
	v6 =	vand.u32 $0xFFFFF800, v6;
	v7 =	vor.u32 v0, v5;
	(ifvalue) =	ssetifvalue $0x7FFFFFFF  }
0x45: {  	v2 =	vshll.u32 v2, $0x7;
	v4 =	vand.u32 $0xFFFFFC00, v4;
	v5 =	vadd.s32 v6, v7;
	[tilespmem:s15], [sflag:$0x1] =	stream.indirect_vreg.gather [hbm4b:s2+s10], $0x1, v1, vm0, $0x4038;
	[tilespmem:$0x13C00] =	vst v63  }
0x46: {  	s17 =	sadd.s32 $0x10, s17;
	vm1 =	veq.s32 v3, $0x80000000;
	v1 =	vand.u32 $0x380, v2;
	v0 =	vmovc v3;
	v2 =	vadd.s32 v4, v5  }
.Ltmp4:
0x47: {  	_ = 	snop;
	(pc) =	sbr.rel .LBB2_4-.Ltmp4, $1  }
0x48: {  	_ =	sdelay $0x3  }
.LBB2_6:
0x49: {  	_ =	sfence.sel $0x180000  }
0x4a: {  	s2 =	simm.s32 $0x2;
	[bflag:$0x0] =	sbarrier.arrive $0xFFFF  }
0x4b: {  	s30 =	simm.s32 $0x3;
	[sflag:s2] =	ssyncpa.u1 $0x1  }
0x4c: {  	s31 =	simm.s32 $0x1;
	[sflag:s30] =	ssyncpa.u1 $0x1  }
0x4d: {  	[sflag:s31] =	ssyncpa.u1 $0x1  }
0x4e: {  	p0 =	sne.s32 s1, $0x0;
	_ =	strace $0x90000062  }
0x4f: {  	s0 =	sadd.s32 @!p0 $0x100000, s0;
	[bflag:$0x2] =	sbarrier.arrive $0xFFFF  }
0x50: {  	[sflag:s0] =	ssyncadd.tile.s32 @!p0 $0x1;
	_ =	shalt  }
.Lfunc_end2:
_tile_overlayer_lowered:
.L_overlay_start_2:
0x51: {  	(tag) =	ssettag $0x2  }
0x52: {  	s0 =	rddreg [dreg:$0x0];
	s2 =	stileid.u32  }
0x53: {  	s1 =	rddreg [dreg:$0x1];
	p0 =	sne.s32 s2, $0x0  }
0x54: {  	s3 =	rddreg [dreg:$0x2];
	[bflag:$0x3] =	sbarrier.arrive $0xFFFF;
	s2 =	simm.s32 @!p0 $0x1C01  }
0x55: {  	[timem:s3], [sflag:s2] =	dma.local @!p0 [hbm:s0], s1  }
0x56: {  	s0 =	simm.s32 @!p0 $0x1  }
0x57: {  	_ =	swait.ge @!p0 [sflag:s0], s1  }
0x58: {  	s1 =	ssub.s32 @!p0 $0x0, s1;
	[sflag:s0] =	ssyncset.done @!p0 $0x0  }
0x59: {  	[sflag:s0] =	ssyncadd.s32 @!p0 s1  }
0x5a: {  	[bflag:$0x3] =	sbarrier.arrive $0xFFFF  }
0x5b: {  	_ =	shalt  }

// kernel: gather_offload_async_start
scs
__scs_entry_jumppad:
0x0: {  	(pc) =	sbr.rel $0x88, $3  }
0x1: {  	(tag) =	ssettag $0x0;
	lr =	simm.s32 $0x1  }
0x2: {  	[smem:$0x3F97] =	sst lr;
	_ =	strace $0xD0000000  }
0x3: {  	_ = 	snop  }
0x4: {  	_ = 	snop  }
0x5: {  	_ = 	snop  }
0x6: {  	_ = 	snop  }
0x7: {  	_ = 	snop  }
__scs_overlays_trampoline_lowered:
0x8: {  	[smem:$0x3FA6] =	sst s0  }
0x9: {  	[smem:$0x3FA7] =	sst s1  }
0xa: {  	[smem:$0x3FA8] =	sst s2  }
0xb: {  	[smem:$0x3FA9] =	sst s3  }
0xc: {  	[smem:$0x3FAA] =	sst s4  }
0xd: {  	[smem:$0x3FAB] =	sst s5  }
0xe: {  	[smem:$0x3FAC] =	sst s6  }
0xf: {  	[smem:$0x3FAD] =	sst s7  }
0x10: {  	[smem:$0x3FAE] =	sst s8  }
0x11: {  	[smem:$0x3FAF] =	sst s9;
	s0 =	simm.s32 @!p0 $0x0  }
0x12: {  	s1 =	sld [smem:$0x3F95];
	s0 =	simm.s32 @p0 $0x1  }
0x13: {  	[smem:$0x3FB0] =	sst s0;
	s0 =	simm.s32 @!p1 $0x0  }
0x14: {  	s2 =	sld [smem:$0x3F94];
	s0 =	simm.s32 @p1 $0x1  }
0x15: {  	[smem:$0x3FB1] =	sst s0;
	s0 =	simm.s32 @!p2 $0x0  }
0x16: {  	s3 =	sld [smem:$0x3FDB];
	s0 =	simm.s32 @p2 $0x1  }
0x17: {  	s4 =	simm.s32 $0x1BF5;
	[smem:$0x3FB3] =	sst s0  }
0x18: {  	s0 =	sld [smem:$0x3F96];
	_ =	swait.ge [sflag:s4], $0x0  }
0x19: {  	s7 =	sld [smem:$0x3F97]  }
0x1a: {  	s8 =	sadd.s32 $0xFFFFE003, lr  }
0x1b: {  	s9 =	sadd.s32 $0xFFFFFEF7, lr;
	s5 =	simm.s32 $0xFFFFFFFF;
	p2 =	slt.u32 s8, $0xFFFFF086  }
0x1c: {  	p1 =	slt.u32 s9, $0xF7A;
	s5 =	simm.s32 @!p2 $0x0  }
0x1d: {  	s5 =	simm.s32 @p1 $0x1;
	p0 =	seq.s32 s7, s2  }
0x1e: {  	s7 =	smul.u32 @!p0 $0xF7A, s2;
	p2 =	seq.s32 @!p0 s5, $0x0  }
0x1f: {  	s9 =	smul.u32 $0xF7A, s1;
	s8 =	simm.s32 @!p0 $0x1BF5;
	p2 =	por !p2, p0  }
0x20: {  	[sflag:s8] =	ssyncset.s32 @!p0 $0xFFFFF086;
	s6 =	sadd.s32 @!p0 s3, s7;
	s7 =	simm.s32 @!p0 $0x108  }
0x21: {  	s3 =	sadd.s32 s3, s9;
	s6 =	sadd.s32 @!p0 $0x88, s6;
	s7 =	simm.s32 @p2 $0x1082  }
0x22: {  	[simem:s7], [sflag:s8] =	dma.local @!p0 [hbm:s6], $0xF7A  }
0x23: {  	s9 =	sor.u32 $0xD0000000, s2;
	s6 =	simm.s32 $0x108;
	_ =	swait.ge @!p0 [sflag:s8], $0x0  }
0x24: {  	s3 =	sadd.s32 $0x88, s3;
	s6 =	simm.s32 @!p1 $0x1082;
	[sflag:s4] =	ssyncset.s32 $0xFFFFF086  }
0x25: {  	[simem:s6], [sflag:s4] =	dma.local [hbm:s3], $0xF7A  }
0x26: {  	[smem:$0x3F97] =	sst s1;
	(tag) =	ssettag s2;
	_ =	strace s9  }
0x27: {  	s1 =	sld [smem:$0x3FA7]  }
0x28: {  	s2 =	sld [smem:$0x3FA8]  }
0x29: {  	s4 =	sld [smem:$0x3FAA]  }
0x2a: {  	p0 =	seq.s32 s5, $0x0;
	s5 =	sld [smem:$0x3FAB]  }
0x2b: {  	s6 =	sld [smem:$0x3FAC]  }
0x2c: {  	s7 =	sld [smem:$0x3FAD]  }
0x2d: {  	s3 =	simm.s32 $0x108;
	s8 =	sld [smem:$0x3FAE]  }
0x2e: {  	s3 =	simm.s32 @!p0 $0x1082;
	s9 =	sld [smem:$0x3FAF]  }
0x2f: {  	lr =	sadd.s32 s0, s3;
	s0 =	sld [smem:$0x3FA6]  }
0x30: {  	s3 =	sld [smem:$0x3FA9]  }
0x31: {  	[smem:$0x3FB2] =	sst s10  }
0x32: {  	s10 =	sld [smem:$0x3FB0];
	_ =	sdelay $0x3  }
0x33: {  	p0 =	seq.s32 s10, $0x1;
	s10 =	sld [smem:$0x3FB2];
	_ =	sdelay $0x3  }
0x34: {  	[smem:$0x3FB2] =	sst s10  }
0x35: {  	s10 =	sld [smem:$0x3FB1];
	_ =	sdelay $0x3  }
0x36: {  	p1 =	seq.s32 s10, $0x1;
	s10 =	sld [smem:$0x3FB2];
	_ =	sdelay $0x3  }
0x37: {  	[smem:$0x3FB2] =	sst s10  }
0x38: {  	s10 =	sld [smem:$0x3FB3]  }
0x39: {  	_ = 	snop;
	(pc) =	sbr.ind lr, $3  }
0x3a: {  	_ = 	snop  }
0x3b: {  	_ = 	snop  }
0x3c: {  	p2 =	seq.s32 s10, $0x1;
	s10 =	sld [smem:$0x3FB2]  }
0x3d: {  	_ =	shalt  }
0x3e: {  	_ =	shalt  }
0x3f: {  	_ =	shalt  }
0x40: {  	_ =	shalt  }
0x41: {  	_ =	shalt  }
0x42: {  	_ =	shalt  }
0x43: {  	_ =	shalt  }
0x44: {  	_ =	shalt  }
0x45: {  	_ =	shalt  }
0x46: {  	_ =	shalt  }
0x47: {  	_ =	shalt  }
0x48: {  	_ =	shalt  }
0x49: {  	_ =	shalt  }
0x4a: {  	_ =	shalt  }
0x4b: {  	_ =	shalt  }
0x4c: {  	_ =	shalt  }
0x4d: {  	_ =	shalt  }
0x4e: {  	_ =	shalt  }
0x4f: {  	_ =	shalt  }
0x50: {  	_ =	shalt  }
0x51: {  	_ =	shalt  }
0x52: {  	_ =	shalt  }
0x53: {  	_ =	shalt  }
0x54: {  	_ =	shalt  }
0x55: {  	_ =	shalt  }
0x56: {  	_ =	shalt  }
0x57: {  	_ =	shalt  }
0x58: {  	_ =	shalt  }
0x59: {  	_ =	shalt  }
0x5a: {  	_ =	shalt  }
0x5b: {  	_ =	shalt  }
0x5c: {  	_ =	shalt  }
0x5d: {  	_ =	shalt  }
0x5e: {  	_ =	shalt  }
0x5f: {  	_ =	shalt  }
0x60: {  	_ =	shalt  }
0x61: {  	_ =	shalt  }
0x62: {  	_ =	shalt  }
0x63: {  	_ =	shalt  }
0x64: {  	_ =	shalt  }
0x65: {  	_ =	shalt  }
0x66: {  	_ =	shalt  }
0x67: {  	_ =	shalt  }
0x68: {  	_ =	shalt  }
0x69: {  	_ =	shalt  }
0x6a: {  	_ =	shalt  }
0x6b: {  	_ =	shalt  }
0x6c: {  	_ =	shalt  }
0x6d: {  	_ =	shalt  }
0x6e: {  	_ =	shalt  }
0x6f: {  	_ =	shalt  }
0x70: {  	_ =	shalt  }
0x71: {  	_ =	shalt  }
0x72: {  	_ =	shalt  }
0x73: {  	_ =	shalt  }
0x74: {  	_ =	shalt  }
0x75: {  	_ =	shalt  }
0x76: {  	_ =	shalt  }
0x77: {  	_ =	shalt  }
0x78: {  	_ =	shalt  }
0x79: {  	_ =	shalt  }
0x7a: {  	_ =	shalt  }
0x7b: {  	_ =	shalt  }
0x7c: {  	_ =	shalt  }
0x7d: {  	_ =	shalt  }
0x7e: {  	_ =	shalt  }
0x7f: {  	_ =	shalt  }
0x80: {  	_ =	shalt  }
0x81: {  	_ =	shalt  }
0x82: {  	_ =	shalt  }
0x83: {  	_ =	shalt  }
0x84: {  	_ =	shalt  }
0x85: {  	_ =	shalt  }
0x86: {  	_ =	shalt  }
0x87: {  	_ =	shalt  }
.Lfunc_end0:
.L_simem_size_0:
called_computation_lowered:
.L_overlay_start_0:
0x88: {  	s2 =	sld [smem:$0x3FD9]  }
0x89: {  	s3 =	sld [smem:$0x3FFE];
	_ =	sdelay $0x1  }
0x8a: {  	s1 =	srdreg.scid  }
0x8b: {  	s0 =	sand.u32 $0x1, s1  }
0x8c: {  	s16 =	sshll.u32 s0, $0xA;
	s2 =	sadd.s32 s3, s2  }
0x8d: {  	s2 =	sadd.s32 s2, s16  }
0x8e: {  	[smem:$0x3FBE] =	sst s2  }
0x8f: {  	_ = 	snop  }
0x90: {  	(tm) =	ssettm $0x1  }
0x91: {  	s17 =	sld [smem:$0x3FFB];
	_ =	sdelay $0x3  }
0x92: {  	_ =	strace s17  }
0x93: {  	s2 =	sld [smem:$0x3FFC];
	_ =	sdelay $0x3  }
0x94: {  	_ =	strace s2  }
0x95: {  	s2 =	sld [smem:$0x3FFD];
	_ =	sdelay $0x3  }
0x96: {  	_ =	strace s2  }
0x97: {  	_ =	strace $0x8FFFFFFF  }
0x98: {  	s18 =	sld [smem:$0x3FDB];
	_ =	sdelay $0x1  }
0x99: {  	s19 =	simm.s32 $_scs_section_size  }
0x9a: {  	s4 =	simm.s32 $_size__tile_overlayer_lowered;
	s5 =	simm.s32 $_tile_overlayer_lowered  }
0x9b: {  	s22 =	simm.s32 $0x1BFF;
	s21 =	sshll.u32 s5, $0x1;
	s2 =	sadd.s32 s19, s18  }
0x9c: {  	s6 =	simm.s32 $0x0;
	s20 =	sshll.u32 s4, $0x1;
	s4 =	sadd.s32 s21, s2  }
0x9d: {  	[timem:s6], [sflag:s22] =	dma.local [hbm:s4], s20  }
0x9e: {  	_ =	swait.ge [sflag:s22], s20  }
0x9f: {  	s3 =	ssub.s32 $0x0, s20;
	[sflag:s22] =	ssyncset.done $0x0  }
0xa0: {  	[sflag:s22] =	ssyncadd.s32 s3;
	_ =	sdelay $0x1  }
0xa1: {  	s23 =	simm.s32 $0x1B8B  }
0xa2: {  	_ =	swait.ge [sflag:s23], $0x1  }
0xa3: {  	[sflag:s23] =	ssyncset.done $0x0  }
0xa4: {  	s25 =	simm.s32 $0x1B8E;
	s24 =	sld [smem:$0x3FFE];
	[sflag:s23] =	ssyncadd.s32 $0xFFFFFFFF  }
0xa5: {  	s26 =	simm.s32 $execute0_lowered;
	[smem:$0x3FD2] =	sst s25  }
0xa6: {  	s4 =	sshll.u32 s26, $0x1;
	_ =	strace $0x80000049;
	[dreg:$0x1] =	wrdreg $0xFFFFFFFF  }
0xa7: {  	s28 =	simm.s32 $_size_execute0_lowered;
	s2 =	sadd.s32 s2, s4;
	[dreg:$0x0] =	wrdreg $0x0  }
0xa8: {  	s4 =	sshll.u32 s28, $0x1;
	[dreg:$0x2] =	wrdreg s2  }
0xa9: {  	[dreg:$0x3] =	wrdreg s4  }
0xaa: {  	[dreg:$0x4] =	wrdreg $0xC0  }
0xab: {  	_ =	task [dreg:s6], $0x5FFFF  }
0xac: {  	[dreg:$0x1] =	wrdreg $0xFFFFFFFF  }
0xad: {  	[dreg:$0x0] =	wrdreg $0x60  }
0xae: {  	[dreg:$0x2] =	wrdreg s24  }
0xaf: {  	[dreg:$0x3] =	wrdreg $0x9  }
0xb0: {  	_ =	task.clear_ibuf [dreg:s6], $0x4FFFF;
	_ =	strace $0x90000049  }
0xb1: {  	s29 =	simm.s32 $0x9;
	_ =	strace $0x8000004B  }
0xb2: {  	_ =	swait.ge [sflag:s29], $0x1  }
0xb3: {  	[sflag:s29] =	ssyncadd.s32 $0xFFFFFFFF  }
0xb4: {  	_ =	strace $0x9000004B  }
0xb5: {  	_ =	sfence  }
0xb6: {  	s30 =	sld [smem:$0x0];
	_ =	sdelay $0x2  }
0xb7: {  	s31 =	sshll.u32 s1, $0xD;
	s1 =	sshrl.u32 s1, $0x2  }
0xb8: {  	s3 =	sand.u32 $0x4000, s31;
	s1 =	sadd.s32 s1, s30  }
0xb9: {  	s0 =	sor.u32 s3, s0;
	s1 =	sshll.u32 s1, $0x11  }
0xba: {  	s0 =	sor.u32 s1, s0  }
0xbb: {  	s0 =	sadd.s32 $0x8F2B, s0  }
0xbc: {  	[sflag:s0] =	ssyncadd.remote.s32 $0x1  }
0xbd: {  	_ =	sfence.sel $0xFFFF  }
0xbe: {  	[dreg:$0x0] =	wrdreg $0xFFFFFFFF;
	(pc) =	sbr.abs _section_cstart, $3  }
0xbf: {  	[dreg:$0x1] =	wrdreg $0xFFFFFFFF  }
0xc0: {  	_ =	task.clear_ibuf [dreg:s6], $0x2FFFF;
	_ =	strace $0x9FFFFFFF  }
0xc1: {  	(tm) =	ssettm $0x7FFFFFFF  }
tec
execute0_lowered:
.L_overlay_start_1:
0x0: {  	(tag) =	ssettag $0x1  }
0x1: {  	s8 =	rddreg [dreg:$0x0]  }
0x2: {  	s0 =	rddreg [dreg:$0x1];
	_ =	strace $0x8000004A;
	s1 =	stileid.u32  }
0x3: {  	s3 =	srdreg.scid;
	s4 =	simm.s32 $0x1;
	s7 =	simm.s32 $0x1  }
0x4: {  	s9 =	simm.s32 $0x1;
	s10 =	simm.s32 $0x3;
	s13 =	simm.s32 $0x0  }
0x5: {  	s12 =	simm.s32 $0x0;
	s5 =	sand.u32 $0x1, s3;
	s6 =	sshll.u32 s1, $0x1  }
0x6: {  	s2 =	sadd.s32 $0x104A00, s8;
	s3 =	sadd.s32 $0xC9C00, s8;
	s5 =	sor.u32 s6, s5  }
.Ltmp0:
0x7: {  	[sflag:s4] =	ssyncpa.u1 $0x0;
	p0 =	slt.u32 s5, $0x11;
	(pc) =	sbr.rel .LBB2_1-.Ltmp0, $4  }
0x8: {  	s6 =	simm.s32 $0x2;
	s7 =	simm.s32 @!p0 $0x0;
	p0 =	sne.s32 s5, $0x10  }
0x9: {  	[sflag:s6] =	ssyncpa.u1 $0x0;
	s5 =	smul.u32 $0x3D00, s5;
	s9 =	simm.s32 @!p0 $0x0  }
0xa: {  	s8 =	sadd.s32 $0x8EE00, s8;
	[sflag:s10] =	ssyncpa.u1 $0x0;
	s7 =	sadd.s32 s9, s7  }
0xb: {  	vm0 =	vmmov $0xffff;
	s10 =	simm.s32 $0x0;
	s11 =	smov.u32 s5;
	s9 =	sadd.s32 $0x1, s7  }
.LBB2_4:
0xc: {  	v2 =	vand.u32 $0x1, v2;
	v3 =	vshrl.u32 v0, $0xC;
	v63 =	vshll.u32 v0, $0x9  }
0xd: {  	v2 =	vsel vm1, $0xFFFFFFFF, v2;
	v3 =	vand.u32 $0xFF, v3;
	v0 =	vand.u32 $0xFFE00, v63  }
0xe: {  	v3 =	vsel vm1, $0xFFFFFFFF, v3;
	v0 =	vsel vm1, $0xFFFFFE00, v0;
	v4 =	vand.u32 $0xFFFFFE00, v2  }
0xf: {  	v5 =	vand.u32 $0x7F, v3;
	v0 =	vadd.s32 v0, v4;
	v3 =	vshll.u32 v3, $0x1  }
0x10: {  	v2 =	vshll.u32 v2, $0x7;
	v3 =	vand.u32 $0xFFFFFF00, v3;
	v0 =	vor.u32 v5, v0  }
0x11: {  	v2 =	vand.u32 $0x80, v2;
	v0 =	vadd.s32 v3, v0  }
0x12: {  	v0 =	vor.u32 v2, v0;
	_ =	sdelay $0x1  }
0x13: {  	(ifvalue) =	ssetifvalue $0x7FFFFFFF;
	s15 =	sadd.s32 $0x10, s15  }
0x14: {  	[tilespmem:s15], [sflag:$0x1] =	stream.indirect_vreg.gather [hbm4b:s2+s10], $0x1, v1, vm0, $0x4038;
	[tilespmem:$0xF400] =	vst v63  }
0x15: {  	(ifvalue) =	ssetifvalue $0x7FFFFFFF;
	s15 =	sadd.s32 $0x10, s15  }
0x16: {  	[tilespmem:s15], [sflag:$0x1] =	stream.indirect_vreg.gather [hbm4b:s2+s10], $0x1, v0, vm0, $0x4038;
	[tilespmem:$0xF400] =	vst v63  }
0x17: {  	_ =	swait.ge [sflag:s4], $0x3D00  }
0x18: {  	s30 =	sshrl.u32 s13, $0x3;
	[sflag:s4] =	ssyncset.done $0x0  }
0x19: {  	s31 =	sand.u32 $0x7, s13;
	s15 =	sadd.s32 s8, s30;
	[sflag:s4] =	ssyncadd.s32 $0xFFFFC300  }
0x1a: {  	[hbm4b:s15+s31] =	stream.linear.scatter [tilespmem:s14], [sflag:$0x3], $0x3D00, $0x38;
	[tilespmem:$0xF400] =	vst v63  }
.LBB2_5:
0x1b: {  	s15 =	sadd.s32 $0x7A000, s11  }
0x1c: {  	p1 =	sgt.s32 s15, $0xB6FFF  }
0x1d: {  	s15 =	smov.u32 @p1 s5;
	p1 =	sne.s32 s12, s9  }
.Ltmp1:
0x1e: {  	p0 =	slt.u32 s12, $0x2;
	(pc) =	sbr.rel @!p1 .LBB2_6-.Ltmp1, $4  }
0x1f: {  	s14 =	simm.s32 @!p0 $0x3  }
0x20: {  	_ =	swait.ge @!p0 [sflag:s14], $0x3D00  }
0x21: {  	s16 =	sadd.s32 $0x1, s12;
	s13 =	smov.u32 s11;
	[sflag:s14] =	ssyncset.done @!p0 $0x0  }
0x22: {  	s12 =	smov.u32 s16;
	s11 =	smov.u32 s15;
	[sflag:s14] =	ssyncadd.s32 @!p0 $0xFFFFC300  }
.LBB2_1:
0x23: {  	p0 =	sge.u32 s12, s7  }
0x24: {  	s14 =	sxor.u32 @!p0 $0x1, s12  }
0x25: {  	s14 =	smul.u32 @!p0 $0xF400, s14  }
0x26: {  	s31 =	sadd.s32 $0xFFFFFFFF, s12;
	s15 =	sshrl.u32 @!p0 s11, $0x3  }
0x27: {  	s16 =	sand.u32 @!p0 $0x7, s11;
	s15 =	sadd.s32 @!p0 s3, s15;
	s14 =	sshra.s32 @!p0 s14, $0x2  }
0x28: {  	[tilespmem:s14], [sflag:$0x2] =	stream.linear.gather @!p0 [hbm4b:s15+s16], $0x3D00, $0x38;
	[tilespmem:$0xF400] =	vst v63  }
0x29: {  	p0 =	sge.u32 s31, s7  }
.Ltmp2:
0x2a: {  	_ = 	snop;
	(pc) =	sbr.rel @p0 .LBB2_5-.Ltmp2, $1  }
0x2b: {  	_ =	sdelay $0x3  }
0x2c: {  	s14 =	sand.u32 $0x1, s12  }
0x2d: {  	_ =	swait.ge [sflag:s6], $0x3D00;
	p0 =	seq.s32 s14, $0x1;
	s14 =	simm.s32 $0x3D00  }
0x2e: {  	[sflag:s6] =	ssyncset.done $0x0;
	s14 =	simm.s32 @!p0 $0x0  }
0x2f: {  	[sflag:s6] =	ssyncadd.s32 $0xFFFFC300;
	(ifvalue) =	ssetifvalue $0x7FFFFFFF;
	v0 =	vld.msk [tilespmem:s14+$0x0 ss:$0x1], $0xffff;
	_ =	sdelay $0x1  }
0x30: {  	s15 =	sadd.s32 $0x10, s14  }
0x31: {  	v3 =	vld.msk [tilespmem:s15+$0x0 ss:$0x1], $0xffff;
	_ =	sdelay $0x1  }
0x32: {  	vm1 =	veq.s32 v0, $0x80000000  }
0x33: {  	v1 =	vshrl.u32 v0, $0xB;
	v2 =	vshrl.u32 v0, $0xC;
	v0 =	vshll.u32 v0, $0x9  }
0x34: {  	v1 =	vand.u32 $0x1, v1;
	v2 =	vand.u32 $0xFF, v2;
	v0 =	vand.u32 $0xFFE00, v0  }
0x35: {  	v62 =	vshrl.u32 v3, $0xC;
	v1 =	vsel vm1, $0xFFFFFFFF, v1;
	v2 =	vsel vm1, $0xFFFFFFFF, v2  }
0x36: {  	v0 =	vsel vm1, $0xFFFFFE00, v0;
	vm1 =	veq.s32 v3, $0x80000000;
	v4 =	vand.u32 $0xFFFFFE00, v1  }
0x37: {  	v5 =	vand.u32 $0x7F, v2;
	v2 =	vshll.u32 v2, $0x1;
	v0 =	vadd.s32 v0, v4  }
0x38: {  	v1 =	vshll.u32 v1, $0x7;
	v2 =	vand.u32 $0xFFFFFF00, v2;
	v0 =	vor.u32 v5, v0  }
0x39: {  	v1 =	vand.u32 $0x80, v1;
	v0 =	vadd.s32 v2, v0;
	v2 =	vshrl.u32 v3, $0xB  }
0x3a: {  	s15 =	sadd.s32 $0x10, s15;
	v3 =	vshll.u32 v3, $0x9;
	v1 =	vor.u32 v1, v0;
	v2 =	vand.u32 $0x1, v2  }
0x3b: {  	v4 =	vand.u32 $0xFF, v62;
	v0 =	vld.msk [tilespmem:s15+$0x0 ss:$0x1], $0xffff;
	v3 =	vand.u32 $0xFFE00, v3;
	v2 =	vsel vm1, $0xFFFFFFFF, v2  }
0x3c: {  	v4 =	vsel vm1, $0xFFFFFFFF, v4;
	v3 =	vsel vm1, $0xFFFFFE00, v3;
	v63 =	vand.u32 $0xFFFFFE00, v2  }
0x3d: {  	v6 =	vand.u32 $0x7F, v4;
	v4 =	vshll.u32 v4, $0x1;
	v3 =	vadd.s32 v3, v63  }
0x3e: {  	s14 =	sadd.s32 $0x7A00, s14;
	(ifvalue) =	ssetifvalue $0x7FFFFFFF;
	v4 =	vand.u32 $0xFFFFFF00, v4;
	v2 =	vshll.u32 v2, $0x7;
	v3 =	vor.u32 v6, v3  }
0x3f: {  	[tilespmem:s14], [sflag:$0x1] =	stream.indirect_vreg.gather [hbm4b:s2+s10], $0x1, v1, vm0, $0x4038;
	v1 =	vand.u32 $0x80, v2;
	v3 =	vadd.s32 v4, v3;
	[tilespmem:$0xF400] =	vst v63  }
0x40: {  	s16 =	simm.s32 $0x20;
	s17 =	sadd.s32 $0x10, s15;
	s15 =	smov.u32 s14;
	vm1 =	veq.s32 v0, $0x80000000;
	v2 =	vshrl.u32 v0, $0xB;
	v1 =	vor.u32 v1, v3  }
.LBB2_3:
0x41: {  	s16 =	sadd.s32 $0x10, s16;
	v2 =	vand.u32 $0x1, v2;
	v3 =	vshrl.u32 v0, $0xC;
	v4 =	vshll.u32 v0, $0x9;
	v0 =	vld.msk [tilespmem:s17+$0x0 ss:$0x1], $0xffff  }
0x42: {  	p0 =	slt.u32 s16, $0x3CF0;
	v2 =	vsel vm1, $0xFFFFFFFF, v2;
	v3 =	vand.u32 $0xFF, v3;
	v4 =	vand.u32 $0xFFE00, v4  }
.Ltmp3:
0x43: {  	v3 =	vsel vm1, $0xFFFFFFFF, v3;
	v4 =	vsel vm1, $0xFFFFFE00, v4;
	v5 =	vand.u32 $0xFFFFFE00, v2;
	(pc) =	sbr.rel @p0 .LBB2_3-.Ltmp3, $4  }
0x44: {  	s15 =	sadd.s32 $0x10, s15;
	v6 =	vand.u32 $0x7F, v3;
	v4 =	vadd.s32 v4, v5;
	v3 =	vshll.u32 v3, $0x1;
	(ifvalue) =	ssetifvalue $0x7FFFFFFF  }
0x45: {  	v2 =	vshll.u32 v2, $0x7;
	v3 =	vand.u32 $0xFFFFFF00, v3;
	v4 =	vor.u32 v6, v4;
	[tilespmem:s15], [sflag:$0x1] =	stream.indirect_vreg.gather [hbm4b:s2+s10], $0x1, v1, vm0, $0x4038;
	[tilespmem:$0xF400] =	vst v63  }
0x46: {  	v1 =	vand.u32 $0x80, v2;
	v3 =	vadd.s32 v3, v4  }
0x47: {  	s17 =	sadd.s32 $0x10, s17;
	vm1 =	veq.s32 v0, $0x80000000;
	v2 =	vshrl.u32 v0, $0xB;
	v1 =	vor.u32 v1, v3  }
.Ltmp4:
0x48: {  	_ = 	snop;
	(pc) =	sbr.rel .LBB2_4-.Ltmp4, $1  }
0x49: {  	_ =	sdelay $0x3  }
.LBB2_6:
0x4a: {  	_ =	sfence.sel $0x180000  }
0x4b: {  	s2 =	simm.s32 $0x2;
	[bflag:$0x0] =	sbarrier.arrive $0xFFFF  }
0x4c: {  	s30 =	simm.s32 $0x3;
	[sflag:s2] =	ssyncpa.u1 $0x1  }
0x4d: {  	s31 =	simm.s32 $0x1;
	[sflag:s30] =	ssyncpa.u1 $0x1  }
0x4e: {  	[sflag:s31] =	ssyncpa.u1 $0x1  }
0x4f: {  	p0 =	sne.s32 s1, $0x0;
	_ =	strace $0x9000004A  }
0x50: {  	s0 =	sadd.s32 @!p0 $0x100000, s0;
	[bflag:$0x2] =	sbarrier.arrive $0xFFFF  }
0x51: {  	[sflag:s0] =	ssyncadd.tile.s32 @!p0 $0x1;
	_ =	shalt  }
.Lfunc_end2:
_tile_overlayer_lowered:
.L_overlay_start_2:
0x52: {  	(tag) =	ssettag $0x2  }
0x53: {  	s0 =	rddreg [dreg:$0x0];
	s2 =	stileid.u32  }
0x54: {  	s1 =	rddreg [dreg:$0x1];
	p0 =	sne.s32 s2, $0x0  }
0x55: {  	s3 =	rddreg [dreg:$0x2];
	[bflag:$0x3] =	sbarrier.arrive $0xFFFF;
	s2 =	simm.s32 @!p0 $0x1C01  }
0x56: {  	[timem:s3], [sflag:s2] =	dma.local @!p0 [hbm:s0], s1  }
0x57: {  	s0 =	simm.s32 @!p0 $0x1  }
0x58: {  	_ =	swait.ge @!p0 [sflag:s0], s1  }
0x59: {  	s1 =	ssub.s32 @!p0 $0x0, s1;
	[sflag:s0] =	ssyncset.done @!p0 $0x0  }
0x5a: {  	[sflag:s0] =	ssyncadd.s32 @!p0 s1  }
0x5b: {  	[bflag:$0x3] =	sbarrier.arrive $0xFFFF  }
0x5c: {  	_ =	shalt  }

</sc_bundles>
